<compile_context>
chip_gen: v7x
topology: tpu7x:2x2x1
jax: 0.10.2.dev20260603
libtpu: 0.0.44.dev20260713+nightly
codegen_flags: <defaults>
</compile_context>

<pallas_src>
import functools

import jax
import jax.numpy as jnp
from jax import lax
from jax.experimental import pallas as pl
from jax.experimental.pallas import tpu as pltpu
from jax.experimental.pallas import tpu_sc as plsc

N_ROWS = 16384
N_COLS = 2626
N_OUT = 39
N_MU = 13
N_CAT = 26
CAT_BASE = 2 * N_MU
CAT_W = 100
CHAINS = 5
CHAIN_W = CAT_W // CHAINS

NC = 2
NS = 16
L = 16
NW = NC * NS
ROWS_PER_W = N_ROWS // NW
BLK = L
NBLK = ROWS_PER_W // BLK


def _sc_body(in_hbm, out_hbm, buf0, buf1, out_v, sem0, sem1):
    wid = lax.axis_index("s") * NC + lax.axis_index("c")
    row0 = wid * ROWS_PER_W

    lane = lax.iota(jnp.int32, L)
    row_off = lane * N_COLS

    def dma_in(b, buf, sem):
        base = pl.multiple_of((row0 + b * BLK) * N_COLS, 8)
        return pltpu.make_async_copy(
            in_hbm.at[pl.ds(base, BLK * N_COLS)], buf, sem)

    def block_compute(b, buf):
        out_base = (b * BLK) * N_OUT + lane * N_OUT
        for j in range(N_MU):
            v = plsc.load_gather(buf, [row_off + (2 * j)])
            plsc.store_scatter(out_v, [out_base + j], v)

        def seg_body(k, carry_out):
            seg0 = row_off + (CAT_BASE + k * CAT_W)
            neg_inf = jnp.full((L,), -jnp.inf, jnp.float32)
            ms = [neg_inf] * CHAINS
            gs = [seg0 + (j * CHAIN_W) for j in range(CHAINS)]
            mis = list(gs)
            for c in range(CHAIN_W):
                for j in range(CHAINS):
                    v = plsc.load_gather(buf, [gs[j]])
                    upd = v > ms[j]
                    ms[j] = jnp.where(upd, v, ms[j])
                    mis[j] = jnp.where(upd, gs[j], mis[j])
                    if c + 1 < CHAIN_W:
                        gs[j] = gs[j] + 1
            m, mi = ms[CHAINS - 1], mis[CHAINS - 1]
            for j in range(CHAINS - 2, -1, -1):
                upd = ms[j] >= m
                m = jnp.where(upd, ms[j], m)
                mi = jnp.where(upd, mis[j], mi)
            col = (mi - seg0).astype(jnp.float32)
            plsc.store_scatter(out_v, [out_base + N_MU + k], col)
            return carry_out

        lax.fori_loop(0, N_CAT, seg_body, 0)

    dma_in(0, buf0, sem0).start()
    dma_in(1, buf1, sem1).start()

    def body(i, _):
        b = 2 * i
        dma_in(b, buf0, sem0).wait()
        block_compute(b, buf0)

        @pl.when(b + 2 < NBLK)
        def _():
            dma_in(b + 2, buf0, sem0).start()

        dma_in(b + 1, buf1, sem1).wait()
        block_compute(b + 1, buf1)

        @pl.when(b + 3 < NBLK)
        def _():
            dma_in(b + 3, buf1, sem1).start()

        return 0

    lax.fori_loop(0, NBLK // 2, body, 0)

    out_off = pl.multiple_of(row0 * N_OUT, 8)
    pltpu.sync_copy(out_v, out_hbm.at[pl.ds(out_off, ROWS_PER_W * N_OUT)])


@jax.jit
def _sc_call(flat_in):
    mesh = plsc.VectorSubcoreMesh(core_axis_name="c", subcore_axis_name="s")
    return pl.kernel(
        _sc_body,
        out_type=jax.ShapeDtypeStruct((N_ROWS * N_OUT,), jnp.float32),
        mesh=mesh,
        compiler_params=pltpu.CompilerParams(needs_layout_passes=False),
        scratch_types=[
            pltpu.VMEM((BLK * N_COLS,), jnp.float32),
            pltpu.VMEM((BLK * N_COLS,), jnp.float32),
            pltpu.VMEM((ROWS_PER_W * N_OUT,), jnp.float32),
            pltpu.SemaphoreType.DMA,
            pltpu.SemaphoreType.DMA,
        ],
    )(flat_in)


def kernel(distr_params):
    flat = distr_params.reshape(N_ROWS * N_COLS)
    out = _sc_call(flat)
    return out.reshape(N_ROWS, N_OUT)

# --- scband reference (transcript-rebuilt; emitter-appended) ---
"""Pipeline reference for scband-gaussian-categorical-sampler-41137196761695 (READ-ONLY COPY).

The authoritative reference and input builder live on the scoring server;
editing this copy changes nothing except your own understanding.
"""

import jax, jax.numpy as jnp
import numpy as np

SIZES = [1]*13 + [100]*26
MIN_SIGMA = 0.0001
MIN_PROB = 0.0001

def setup_inputs(seed: int = 0) -> dict:
    key = jax.random.key(seed)
    distr_params = jax.random.normal(key, (16384, 2626), dtype=jnp.float32)
    return {"distr_params": distr_params}

def reference(distr_params):
    cur = 0
    cols = []
    for size in SIZES:
        if size <= 1:
            params = distr_params[:, cur:cur + 2]
            cur += 2
            d = params.shape[1]
            mu = params[:, :d // 2]
            sigma = jnp.clip(jax.nn.softplus(params[:, d // 2:]), MIN_SIGMA, None)
            # sample_most_probable=True -> return the Gaussian mean
            col = mu
        else:
            params = distr_params[:, cur:cur + size]
            cur += size
            probs = jax.nn.softmax(params, axis=-1)
            probs = jnp.clip(probs, MIN_PROB, None)
            probs = probs / jnp.sum(probs, axis=-1, keepdims=True)
            # sample_most_probable=True -> most probable class index
            col = jnp.argmax(probs, axis=1)[:, None].astype(jnp.float32)
        cols.append(col)
    return jnp.concatenate(cols, axis=1)

if __name__ == "__main__":
    import jax
    _d = setup_inputs()
    print(jax.jit(kernel)(*tuple(_d.values())))

</pallas_src>

<mosaic_0001>
#map = affine_map<(d0, d1) -> (0)>
module attributes {stable_mosaic.version = 14 : i64} {
  func.func @_sc_body(%arg0: i32, %arg1: i32, %arg2: memref<43024384xf32, #tpu.memory_space<hbm>>, %arg3: memref<638976xf32, #tpu.memory_space<hbm>>, %arg4: memref<42016xf32, #tpu.memory_space<vmem>>, %arg5: memref<42016xf32, #tpu.memory_space<vmem>>, %arg6: memref<19968xf32, #tpu.memory_space<vmem>>, %arg7: memref<!tpu.dma_semaphore, #tpu.memory_space<semaphore_mem>>, %arg8: memref<!tpu.dma_semaphore, #tpu.memory_space<semaphore_mem>>) attributes {dimension_semantics = [#tpu.dimension_semantics<core_parallel>, #tpu.dimension_semantics<subcore_parallel>], iteration_bounds = array<i64: 2, 16>, scalar_prefetch = 0 : i64, scratch_operands = 5 : i64, tpu.core_type = #tpu.core_type<sc_vector_subcore>, window_params = [{transform_indices = #map}, {transform_indices = #map}]} {
    %mul3A = arith.constant 2 : i32
    %mul3A_0 = arith.muli %arg1, %mul3A : i32
    %add3A = arith.addi %mul3A_0, %arg0 : i32
    %mul3A_1 = arith.constant 512 : i32
    %mul3A_2 = arith.muli %add3A, %mul3A_1 : i32
    %iota3A = tpu.iota {dimensions = array<i32: 0>} : vector<16xi32>
    %mul3A_3 = arith.constant 2626 : i32
    %mul3A_4 = vector.broadcast %mul3A_3 : i32 to vector<16xi32>
    %mul3A_5 = arith.muli %iota3A, %mul3A_4 : vector<16xi32>
    %add3A_6 = arith.constant 0 : i32
    %add3A_7 = arith.addi %mul3A_2, %add3A_6 : i32
    %mul3A_8 = arith.constant 2626 : i32
    %mul3A_9 = arith.muli %add3A_7, %mul3A_8 : i32
    %multiple_of3A = tpu.assume_multiple %mul3A_9, 8 : i32
    %dma_start3A = tpu.memref_slice %arg2[%multiple_of3A] : memref<43024384xf32, #tpu.memory_space<hbm>> -> memref<42016xf32, #tpu.memory_space<hbm>>
    %dma_start3A_10 = tpu.memref_slice %arg2[%multiple_of3A] : memref<43024384xf32, #tpu.memory_space<hbm>> -> memref<42016xf32, #tpu.memory_space<hbm>>
    tpu.enqueue_dma source(%dma_start3A_10 : memref<42016xf32, #tpu.memory_space<hbm>>) target(%arg4 : memref<42016xf32, #tpu.memory_space<vmem>>) target_semaphore(%arg7 : memref<!tpu.dma_semaphore, #tpu.memory_space<semaphore_mem>>)
    %add3A_11 = arith.constant 16 : i32
    %add3A_12 = arith.addi %mul3A_2, %add3A_11 : i32
    %mul3A_13 = arith.constant 2626 : i32
    %mul3A_14 = arith.muli %add3A_12, %mul3A_13 : i32
    %multiple_of3A_15 = tpu.assume_multiple %mul3A_14, 8 : i32
    %dma_start3A_16 = tpu.memref_slice %arg2[%multiple_of3A_15] : memref<43024384xf32, #tpu.memory_space<hbm>> -> memref<42016xf32, #tpu.memory_space<hbm>>
    %dma_start3A_17 = tpu.memref_slice %arg2[%multiple_of3A_15] : memref<43024384xf32, #tpu.memory_space<hbm>> -> memref<42016xf32, #tpu.memory_space<hbm>>
    tpu.enqueue_dma source(%dma_start3A_17 : memref<42016xf32, #tpu.memory_space<hbm>>) target(%arg5 : memref<42016xf32, #tpu.memory_space<vmem>>) target_semaphore(%arg8 : memref<!tpu.dma_semaphore, #tpu.memory_space<semaphore_mem>>)
    %scan3A = arith.constant 0 : i32
    %scan3A_18 = arith.constant 0 : i32
    %scan3A_19 = arith.constant 16 : i32
    %scan3A_20 = arith.addi %scan3A_18, %scan3A_19 : i32
    %scan3A_21 = arith.constant 1 : i32
    %scan3A_22 = scf.for %scan3A_27 = %scan3A_18 to %scan3A_20 step %scan3A_21 iter_args(%scan3A_28 = %scan3A) -> (i32)  : i32 {
      %mul3A_29 = arith.constant 2 : i32
      %mul3A_30 = arith.muli %mul3A_29, %scan3A_27 : i32
      %mul3A_31 = arith.constant 16 : i32
      %mul3A_32 = arith.muli %mul3A_30, %mul3A_31 : i32
      %add3A_33 = arith.addi %mul3A_2, %mul3A_32 : i32
      %mul3A_34 = arith.constant 2626 : i32
      %mul3A_35 = arith.muli %add3A_33, %mul3A_34 : i32
      %multiple_of3A_36 = tpu.assume_multiple %mul3A_35, 8 : i32
      %dma_wait3A = tpu.memref_slice %arg2[%multiple_of3A_36] : memref<43024384xf32, #tpu.memory_space<hbm>> -> memref<42016xf32, #tpu.memory_space<hbm>>
      %dma_wait3A_37 = tpu.memref_slice %arg2[%multiple_of3A_36] : memref<43024384xf32, #tpu.memory_space<hbm>> -> memref<42016xf32, #tpu.memory_space<hbm>>
      tpu.wait_dma2 semaphore(%arg7 : memref<!tpu.dma_semaphore, #tpu.memory_space<semaphore_mem>>) src(%dma_wait3A_37 : memref<42016xf32, #tpu.memory_space<hbm>>) dst(%arg4 : memref<42016xf32, #tpu.memory_space<vmem>>)
      %mul3A_38 = arith.constant 16 : i32
      %mul3A_39 = arith.muli %mul3A_30, %mul3A_38 : i32
      %mul3A_40 = arith.constant 39 : i32
      %mul3A_41 = arith.muli %mul3A_39, %mul3A_40 : i32
      %mul3A_42 = arith.constant 39 : i32
      %mul3A_43 = vector.broadcast %mul3A_42 : i32 to vector<16xi32>
      %mul3A_44 = arith.muli %iota3A, %mul3A_43 : vector<16xi32>
      %add3A_45 = vector.broadcast %mul3A_41 : i32 to vector<16xi32>
      %add3A_46 = arith.addi %add3A_45, %mul3A_44 : vector<16xi32>
      %add3A_47 = arith.constant 0 : i32
      %add3A_48 = vector.broadcast %add3A_47 : i32 to vector<16xi32>
      %add3A_49 = arith.addi %mul3A_5, %add3A_48 : vector<16xi32>
      %gather3A = tpu.vector_load_idx %arg4[%add3A_49] : memref<42016xf32, #tpu.memory_space<vmem>>[vector<16xi32>], vector<16xf32>,
      %add3A_50 = arith.constant 0 : i32
      %add3A_51 = vector.broadcast %add3A_50 : i32 to vector<16xi32>
      %add3A_52 = arith.addi %add3A_46, %add3A_51 : vector<16xi32>
      tpu.vector_store_idx %arg6[%add3A_52], %gather3A : memref<19968xf32, #tpu.memory_space<vmem>>[vector<16xi32>], vector<16xf32>,
      %add3A_53 = arith.constant 2 : i32
      %add3A_54 = vector.broadcast %add3A_53 : i32 to vector<16xi32>
      %add3A_55 = arith.addi %mul3A_5, %add3A_54 : vector<16xi32>
      %gather3A_56 = tpu.vector_load_idx %arg4[%add3A_55] : memref<42016xf32, #tpu.memory_space<vmem>>[vector<16xi32>], vector<16xf32>,
      %add3A_57 = arith.constant 1 : i32
      %add3A_58 = vector.broadcast %add3A_57 : i32 to vector<16xi32>
      %add3A_59 = arith.addi %add3A_46, %add3A_58 : vector<16xi32>
      tpu.vector_store_idx %arg6[%add3A_59], %gather3A_56 : memref<19968xf32, #tpu.memory_space<vmem>>[vector<16xi32>], vector<16xf32>,
      %add3A_60 = arith.constant 4 : i32
      %add3A_61 = vector.broadcast %add3A_60 : i32 to vector<16xi32>
      %add3A_62 = arith.addi %mul3A_5, %add3A_61 : vector<16xi32>
      %gather3A_63 = tpu.vector_load_idx %arg4[%add3A_62] : memref<42016xf32, #tpu.memory_space<vmem>>[vector<16xi32>], vector<16xf32>,
      %add3A_64 = arith.constant 2 : i32
      %add3A_65 = vector.broadcast %add3A_64 : i32 to vector<16xi32>
      %add3A_66 = arith.addi %add3A_46, %add3A_65 : vector<16xi32>
      tpu.vector_store_idx %arg6[%add3A_66], %gather3A_63 : memref<19968xf32, #tpu.memory_space<vmem>>[vector<16xi32>], vector<16xf32>,
      %add3A_67 = arith.constant 6 : i32
      %add3A_68 = vector.broadcast %add3A_67 : i32 to vector<16xi32>
      %add3A_69 = arith.addi %mul3A_5, %add3A_68 : vector<16xi32>
      %gather3A_70 = tpu.vector_load_idx %arg4[%add3A_69] : memref<42016xf32, #tpu.memory_space<vmem>>[vector<16xi32>], vector<16xf32>,
      %add3A_71 = arith.constant 3 : i32
      %add3A_72 = vector.broadcast %add3A_71 : i32 to vector<16xi32>
      %add3A_73 = arith.addi %add3A_46, %add3A_72 : vector<16xi32>
      tpu.vector_store_idx %arg6[%add3A_73], %gather3A_70 : memref<19968xf32, #tpu.memory_space<vmem>>[vector<16xi32>], vector<16xf32>,
      %add3A_74 = arith.constant 8 : i32
      %add3A_75 = vector.broadcast %add3A_74 : i32 to vector<16xi32>
      %add3A_76 = arith.addi %mul3A_5, %add3A_75 : vector<16xi32>
      %gather3A_77 = tpu.vector_load_idx %arg4[%add3A_76] : memref<42016xf32, #tpu.memory_space<vmem>>[vector<16xi32>], vector<16xf32>,
      %add3A_78 = arith.constant 4 : i32
      %add3A_79 = vector.broadcast %add3A_78 : i32 to vector<16xi32>
      %add3A_80 = arith.addi %add3A_46, %add3A_79 : vector<16xi32>
      tpu.vector_store_idx %arg6[%add3A_80], %gather3A_77 : memref<19968xf32, #tpu.memory_space<vmem>>[vector<16xi32>], vector<16xf32>,
      %add3A_81 = arith.constant 10 : i32
      %add3A_82 = vector.broadcast %add3A_81 : i32 to vector<16xi32>
      %add3A_83 = arith.addi %mul3A_5, %add3A_82 : vector<16xi32>
      %gather3A_84 = tpu.vector_load_idx %arg4[%add3A_83] : memref<42016xf32, #tpu.memory_space<vmem>>[vector<16xi32>], vector<16xf32>,
      %add3A_85 = arith.constant 5 : i32
      %add3A_86 = vector.broadcast %add3A_85 : i32 to vector<16xi32>
      %add3A_87 = arith.addi %add3A_46, %add3A_86 : vector<16xi32>
      tpu.vector_store_idx %arg6[%add3A_87], %gather3A_84 : memref<19968xf32, #tpu.memory_space<vmem>>[vector<16xi32>], vector<16xf32>,
      %add3A_88 = arith.constant 12 : i32
      %add3A_89 = vector.broadcast %add3A_88 : i32 to vector<16xi32>
      %add3A_90 = arith.addi %mul3A_5, %add3A_89 : vector<16xi32>
      %gather3A_91 = tpu.vector_load_idx %arg4[%add3A_90] : memref<42016xf32, #tpu.memory_space<vmem>>[vector<16xi32>], vector<16xf32>,
      %add3A_92 = arith.constant 6 : i32
      %add3A_93 = vector.broadcast %add3A_92 : i32 to vector<16xi32>
      %add3A_94 = arith.addi %add3A_46, %add3A_93 : vector<16xi32>
      tpu.vector_store_idx %arg6[%add3A_94], %gather3A_91 : memref<19968xf32, #tpu.memory_space<vmem>>[vector<16xi32>], vector<16xf32>,
      %add3A_95 = arith.constant 14 : i32
      %add3A_96 = vector.broadcast %add3A_95 : i32 to vector<16xi32>
      %add3A_97 = arith.addi %mul3A_5, %add3A_96 : vector<16xi32>
      %gather3A_98 = tpu.vector_load_idx %arg4[%add3A_97] : memref<42016xf32, #tpu.memory_space<vmem>>[vector<16xi32>], vector<16xf32>,
      %add3A_99 = arith.constant 7 : i32
      %add3A_100 = vector.broadcast %add3A_99 : i32 to vector<16xi32>
      %add3A_101 = arith.addi %add3A_46, %add3A_100 : vector<16xi32>
      tpu.vector_store_idx %arg6[%add3A_101], %gather3A_98 : memref<19968xf32, #tpu.memory_space<vmem>>[vector<16xi32>], vector<16xf32>,
      %add3A_102 = arith.constant 16 : i32
      %add3A_103 = vector.broadcast %add3A_102 : i32 to vector<16xi32>
      %add3A_104 = arith.addi %mul3A_5, %add3A_103 : vector<16xi32>
      %gather3A_105 = tpu.vector_load_idx %arg4[%add3A_104] : memref<42016xf32, #tpu.memory_space<vmem>>[vector<16xi32>], vector<16xf32>,
      %add3A_106 = arith.constant 8 : i32
      %add3A_107 = vector.broadcast %add3A_106 : i32 to vector<16xi32>
      %add3A_108 = arith.addi %add3A_46, %add3A_107 : vector<16xi32>
      tpu.vector_store_idx %arg6[%add3A_108], %gather3A_105 : memref<19968xf32, #tpu.memory_space<vmem>>[vector<16xi32>], vector<16xf32>,
      %add3A_109 = arith.constant 18 : i32
      %add3A_110 = vector.broadcast %add3A_109 : i32 to vector<16xi32>
      %add3A_111 = arith.addi %mul3A_5, %add3A_110 : vector<16xi32>
      %gather3A_112 = tpu.vector_load_idx %arg4[%add3A_111] : memref<42016xf32, #tpu.memory_space<vmem>>[vector<16xi32>], vector<16xf32>,
      %add3A_113 = arith.constant 9 : i32
      %add3A_114 = vector.broadcast %add3A_113 : i32 to vector<16xi32>
      %add3A_115 = arith.addi %add3A_46, %add3A_114 : vector<16xi32>
      tpu.vector_store_idx %arg6[%add3A_115], %gather3A_112 : memref<19968xf32, #tpu.memory_space<vmem>>[vector<16xi32>], vector<16xf32>,
      %add3A_116 = arith.constant 20 : i32
      %add3A_117 = vector.broadcast %add3A_116 : i32 to vector<16xi32>
      %add3A_118 = arith.addi %mul3A_5, %add3A_117 : vector<16xi32>
      %gather3A_119 = tpu.vector_load_idx %arg4[%add3A_118] : memref<42016xf32, #tpu.memory_space<vmem>>[vector<16xi32>], vector<16xf32>,
      %add3A_120 = arith.constant 10 : i32
      %add3A_121 = vector.broadcast %add3A_120 : i32 to vector<16xi32>
      %add3A_122 = arith.addi %add3A_46, %add3A_121 : vector<16xi32>
      tpu.vector_store_idx %arg6[%add3A_122], %gather3A_119 : memref<19968xf32, #tpu.memory_space<vmem>>[vector<16xi32>], vector<16xf32>,
      %add3A_123 = arith.constant 22 : i32
      %add3A_124 = vector.broadcast %add3A_123 : i32 to vector<16xi32>
      %add3A_125 = arith.addi %mul3A_5, %add3A_124 : vector<16xi32>
      %gather3A_126 = tpu.vector_load_idx %arg4[%add3A_125] : memref<42016xf32, #tpu.memory_space<vmem>>[vector<16xi32>], vector<16xf32>,
      %add3A_127 = arith.constant 11 : i32
      %add3A_128 = vector.broadcast %add3A_127 : i32 to vector<16xi32>
      %add3A_129 = arith.addi %add3A_46, %add3A_128 : vector<16xi32>
      tpu.vector_store_idx %arg6[%add3A_129], %gather3A_126 : memref<19968xf32, #tpu.memory_space<vmem>>[vector<16xi32>], vector<16xf32>,
      %add3A_130 = arith.constant 24 : i32
      %add3A_131 = vector.broadcast %add3A_130 : i32 to vector<16xi32>
      %add3A_132 = arith.addi %mul3A_5, %add3A_131 : vector<16xi32>
      %gather3A_133 = tpu.vector_load_idx %arg4[%add3A_132] : memref<42016xf32, #tpu.memory_space<vmem>>[vector<16xi32>], vector<16xf32>,
      %add3A_134 = arith.constant 12 : i32
      %add3A_135 = vector.broadcast %add3A_134 : i32 to vector<16xi32>
      %add3A_136 = arith.addi %add3A_46, %add3A_135 : vector<16xi32>
      tpu.vector_store_idx %arg6[%add3A_136], %gather3A_133 : memref<19968xf32, #tpu.memory_space<vmem>>[vector<16xi32>], vector<16xf32>,
      %scan3A_137 = arith.constant 0 : i32
      %scan3A_138 = arith.constant 0 : i32
      %scan3A_139 = arith.constant 26 : i32
      %scan3A_140 = arith.addi %scan3A_138, %scan3A_139 : i32
      %scan3A_141 = arith.constant 1 : i32
      scf.for %scan3A_273 = %scan3A_138 to %scan3A_140 step %scan3A_141  : i32 {
        %mul3A_274 = arith.constant 100 : i32
        %mul3A_275 = arith.muli %scan3A_273, %mul3A_274 : i32
        %add3A_276 = arith.constant 26 : i32
        %add3A_277 = arith.addi %add3A_276, %mul3A_275 : i32
        %add3A_278 = vector.broadcast %add3A_277 : i32 to vector<16xi32>
        %add3A_279 = arith.addi %mul3A_5, %add3A_278 : vector<16xi32>
        %broadcast_in_dim3A = arith.constant 0xFF800000 : f32
        %broadcast_in_dim3A_280 = vector.broadcast %broadcast_in_dim3A : f32 to vector<16xf32>
        %add3A_281 = arith.constant 0 : i32
        %add3A_282 = vector.broadcast %add3A_281 : i32 to vector<16xi32>
        %add3A_283 = arith.addi %add3A_279, %add3A_282 : vector<16xi32>
        %add3A_284 = arith.constant 20 : i32
        %add3A_285 = vector.broadcast %add3A_284 : i32 to vector<16xi32>
        %add3A_286 = arith.addi %add3A_279, %add3A_285 : vector<16xi32>
        %add3A_287 = arith.constant 40 : i32
        %add3A_288 = vector.broadcast %add3A_287 : i32 to vector<16xi32>
        %add3A_289 = arith.addi %add3A_279, %add3A_288 : vector<16xi32>
        %add3A_290 = arith.constant 60 : i32
        %add3A_291 = vector.broadcast %add3A_290 : i32 to vector<16xi32>
        %add3A_292 = arith.addi %add3A_279, %add3A_291 : vector<16xi32>
        %add3A_293 = arith.constant 80 : i32
        %add3A_294 = vector.broadcast %add3A_293 : i32 to vector<16xi32>
        %add3A_295 = arith.addi %add3A_279, %add3A_294 : vector<16xi32>
        %gather3A_296 = tpu.vector_load_idx %arg4[%add3A_283] : memref<42016xf32, #tpu.memory_space<vmem>>[vector<16xi32>], vector<16xf32>,
        %gt3A = arith.cmpf ogt, %gather3A_296, %broadcast_in_dim3A_280 : vector<16xf32>
        %select_n3A = arith.select %gt3A, %gather3A_296, %broadcast_in_dim3A_280 : vector<16xi1>, vector<16xf32>
        %select_n3A_297 = arith.select %gt3A, %add3A_283, %add3A_283 : vector<16xi1>, vector<16xi32>
        %add3A_298 = arith.constant 1 : i32
        %add3A_299 = vector.broadcast %add3A_298 : i32 to vector<16xi32>
        %add3A_300 = arith.addi %add3A_283, %add3A_299 : vector<16xi32>
        %gather3A_301 = tpu.vector_load_idx %arg4[%add3A_286] : memref<42016xf32, #tpu.memory_space<vmem>>[vector<16xi32>], vector<16xf32>,
        %gt3A_302 = arith.cmpf ogt, %gather3A_301, %broadcast_in_dim3A_280 : vector<16xf32>
        %select_n3A_303 = arith.select %gt3A_302, %gather3A_301, %broadcast_in_dim3A_280 : vector<16xi1>, vector<16xf32>
        %select_n3A_304 = arith.select %gt3A_302, %add3A_286, %add3A_286 : vector<16xi1>, vector<16xi32>
        %add3A_305 = arith.constant 1 : i32
        %add3A_306 = vector.broadcast %add3A_305 : i32 to vector<16xi32>
        %add3A_307 = arith.addi %add3A_286, %add3A_306 : vector<16xi32>
        %gather3A_308 = tpu.vector_load_idx %arg4[%add3A_289] : memref<42016xf32, #tpu.memory_space<vmem>>[vector<16xi32>], vector<16xf32>,
        %gt3A_309 = arith.cmpf ogt, %gather3A_308, %broadcast_in_dim3A_280 : vector<16xf32>
        %select_n3A_310 = arith.select %gt3A_309, %gather3A_308, %broadcast_in_dim3A_280 : vector<16xi1>, vector<16xf32>
        %select_n3A_311 = arith.select %gt3A_309, %add3A_289, %add3A_289 : vector<16xi1>, vector<16xi32>
        %add3A_312 = arith.constant 1 : i32
        %add3A_313 = vector.broadcast %add3A_312 : i32 to vector<16xi32>
        %add3A_314 = arith.addi %add3A_289, %add3A_313 : vector<16xi32>
        %gather3A_315 = tpu.vector_load_idx %arg4[%add3A_292] : memref<42016xf32, #tpu.memory_space<vmem>>[vector<16xi32>], vector<16xf32>,
        %gt3A_316 = arith.cmpf ogt, %gather3A_315, %broadcast_in_dim3A_280 : vector<16xf32>
        %select_n3A_317 = arith.select %gt3A_316, %gather3A_315, %broadcast_in_dim3A_280 : vector<16xi1>, vector<16xf32>
        %select_n3A_318 = arith.select %gt3A_316, %add3A_292, %add3A_292 : vector<16xi1>, vector<16xi32>
        %add3A_319 = arith.constant 1 : i32
        %add3A_320 = vector.broadcast %add3A_319 : i32 to vector<16xi32>
        %add3A_321 = arith.addi %add3A_292, %add3A_320 : vector<16xi32>
        %gather3A_322 = tpu.vector_load_idx %arg4[%add3A_295] : memref<42016xf32, #tpu.memory_space<vmem>>[vector<16xi32>], vector<16xf32>,
        %gt3A_323 = arith.cmpf ogt, %gather3A_322, %broadcast_in_dim3A_280 : vector<16xf32>
        %select_n3A_324 = arith.select %gt3A_323, %gather3A_322, %broadcast_in_dim3A_280 : vector<16xi1>, vector<16xf32>
        %select_n3A_325 = arith.select %gt3A_323, %add3A_295, %add3A_295 : vector<16xi1>, vector<16xi32>
        %add3A_326 = arith.constant 1 : i32
        %add3A_327 = vector.broadcast %add3A_326 : i32 to vector<16xi32>
        %add3A_328 = arith.addi %add3A_295, %add3A_327 : vector<16xi32>
        %gather3A_329 = tpu.vector_load_idx %arg4[%add3A_300] : memref<42016xf32, #tpu.memory_space<vmem>>[vector<16xi32>], vector<16xf32>,
        %gt3A_330 = arith.cmpf ogt, %gather3A_329, %select_n3A : vector<16xf32>
        %select_n3A_331 = arith.select %gt3A_330, %gather3A_329, %select_n3A : vector<16xi1>, vector<16xf32>
        %select_n3A_332 = arith.select %gt3A_330, %add3A_300, %select_n3A_297 : vector<16xi1>, vector<16xi32>
        %add3A_333 = arith.constant 1 : i32
        %add3A_334 = vector.broadcast %add3A_333 : i32 to vector<16xi32>
        %add3A_335 = arith.addi %add3A_300, %add3A_334 : vector<16xi32>
        %gather3A_336 = tpu.vector_load_idx %arg4[%add3A_307] : memref<42016xf32, #tpu.memory_space<vmem>>[vector<16xi32>], vector<16xf32>,
        %gt3A_337 = arith.cmpf ogt, %gather3A_336, %select_n3A_303 : vector<16xf32>
        %select_n3A_338 = arith.select %gt3A_337, %gather3A_336, %select_n3A_303 : vector<16xi1>, vector<16xf32>
        %select_n3A_339 = arith.select %gt3A_337, %add3A_307, %select_n3A_304 : vector<16xi1>, vector<16xi32>
        %add3A_340 = arith.constant 1 : i32
        %add3A_341 = vector.broadcast %add3A_340 : i32 to vector<16xi32>
        %add3A_342 = arith.addi %add3A_307, %add3A_341 : vector<16xi32>
        %gather3A_343 = tpu.vector_load_idx %arg4[%add3A_314] : memref<42016xf32, #tpu.memory_space<vmem>>[vector<16xi32>], vector<16xf32>,
        %gt3A_344 = arith.cmpf ogt, %gather3A_343, %select_n3A_310 : vector<16xf32>
        %select_n3A_345 = arith.select %gt3A_344, %gather3A_343, %select_n3A_310 : vector<16xi1>, vector<16xf32>
        %select_n3A_346 = arith.select %gt3A_344, %add3A_314, %select_n3A_311 : vector<16xi1>, vector<16xi32>
        %add3A_347 = arith.constant 1 : i32
        %add3A_348 = vector.broadcast %add3A_347 : i32 to vector<16xi32>
        %add3A_349 = arith.addi %add3A_314, %add3A_348 : vector<16xi32>
        %gather3A_350 = tpu.vector_load_idx %arg4[%add3A_321] : memref<42016xf32, #tpu.memory_space<vmem>>[vector<16xi32>], vector<16xf32>,
        %gt3A_351 = arith.cmpf ogt, %gather3A_350, %select_n3A_317 : vector<16xf32>
        %select_n3A_352 = arith.select %gt3A_351, %gather3A_350, %select_n3A_317 : vector<16xi1>, vector<16xf32>
        %select_n3A_353 = arith.select %gt3A_351, %add3A_321, %select_n3A_318 : vector<16xi1>, vector<16xi32>
        %add3A_354 = arith.constant 1 : i32
        %add3A_355 = vector.broadcast %add3A_354 : i32 to vector<16xi32>
        %add3A_356 = arith.addi %add3A_321, %add3A_355 : vector<16xi32>
        %gather3A_357 = tpu.vector_load_idx %arg4[%add3A_328] : memref<42016xf32, #tpu.memory_space<vmem>>[vector<16xi32>], vector<16xf32>,
        %gt3A_358 = arith.cmpf ogt, %gather3A_357, %select_n3A_324 : vector<16xf32>
        %select_n3A_359 = arith.select %gt3A_358, %gather3A_357, %select_n3A_324 : vector<16xi1>, vector<16xf32>
        %select_n3A_360 = arith.select %gt3A_358, %add3A_328, %select_n3A_325 : vector<16xi1>, vector<16xi32>
        %add3A_361 = arith.constant 1 : i32
        %add3A_362 = vector.broadcast %add3A_361 : i32 to vector<16xi32>
        %add3A_363 = arith.addi %add3A_328, %add3A_362 : vector<16xi32>
        %gather3A_364 = tpu.vector_load_idx %arg4[%add3A_335] : memref<42016xf32, #tpu.memory_space<vmem>>[vector<16xi32>], vector<16xf32>,
        %gt3A_365 = arith.cmpf ogt, %gather3A_364, %select_n3A_331 : vector<16xf32>
        %select_n3A_366 = arith.select %gt3A_365, %gather3A_364, %select_n3A_331 : vector<16xi1>, vector<16xf32>
        %select_n3A_367 = arith.select %gt3A_365, %add3A_335, %select_n3A_332 : vector<16xi1>, vector<16xi32>
        %add3A_368 = arith.constant 1 : i32
        %add3A_369 = vector.broadcast %add3A_368 : i32 to vector<16xi32>
        %add3A_370 = arith.addi %add3A_335, %add3A_369 : vector<16xi32>
        %gather3A_371 = tpu.vector_load_idx %arg4[%add3A_342] : memref<42016xf32, #tpu.memory_space<vmem>>[vector<16xi32>], vector<16xf32>,
        %gt3A_372 = arith.cmpf ogt, %gather3A_371, %select_n3A_338 : vector<16xf32>
        %select_n3A_373 = arith.select %gt3A_372, %gather3A_371, %select_n3A_338 : vector<16xi1>, vector<16xf32>
        %select_n3A_374 = arith.select %gt3A_372, %add3A_342, %select_n3A_339 : vector<16xi1>, vector<16xi32>
        %add3A_375 = arith.constant 1 : i32
        %add3A_376 = vector.broadcast %add3A_375 : i32 to vector<16xi32>
        %add3A_377 = arith.addi %add3A_342, %add3A_376 : vector<16xi32>
        %gather3A_378 = tpu.vector_load_idx %arg4[%add3A_349] : memref<42016xf32, #tpu.memory_space<vmem>>[vector<16xi32>], vector<16xf32>,
        %gt3A_379 = arith.cmpf ogt, %gather3A_378, %select_n3A_345 : vector<16xf32>
        %select_n3A_380 = arith.select %gt3A_379, %gather3A_378, %select_n3A_345 : vector<16xi1>, vector<16xf32>
        %select_n3A_381 = arith.select %gt3A_379, %add3A_349, %select_n3A_346 : vector<16xi1>, vector<16xi32>
        %add3A_382 = arith.constant 1 : i32
        %add3A_383 = vector.broadcast %add3A_382 : i32 to vector<16xi32>
        %add3A_384 = arith.addi %add3A_349, %add3A_383 : vector<16xi32>
        %gather3A_385 = tpu.vector_load_idx %arg4[%add3A_356] : memref<42016xf32, #tpu.memory_space<vmem>>[vector<16xi32>], vector<16xf32>,
        %gt3A_386 = arith.cmpf ogt, %gather3A_385, %select_n3A_352 : vector<16xf32>
        %select_n3A_387 = arith.select %gt3A_386, %gather3A_385, %select_n3A_352 : vector<16xi1>, vector<16xf32>
        %select_n3A_388 = arith.select %gt3A_386, %add3A_356, %select_n3A_353 : vector<16xi1>, vector<16xi32>
        %add3A_389 = arith.constant 1 : i32
        %add3A_390 = vector.broadcast %add3A_389 : i32 to vector<16xi32>
        %add3A_391 = arith.addi %add3A_356, %add3A_390 : vector<16xi32>
        %gather3A_392 = tpu.vector_load_idx %arg4[%add3A_363] : memref<42016xf32, #tpu.memory_space<vmem>>[vector<16xi32>], vector<16xf32>,
        %gt3A_393 = arith.cmpf ogt, %gather3A_392, %select_n3A_359 : vector<16xf32>
        %select_n3A_394 = arith.select %gt3A_393, %gather3A_392, %select_n3A_359 : vector<16xi1>, vector<16xf32>
        %select_n3A_395 = arith.select %gt3A_393, %add3A_363, %select_n3A_360 : vector<16xi1>, vector<16xi32>
        %add3A_396 = arith.constant 1 : i32
        %add3A_397 = vector.broadcast %add3A_396 : i32 to vector<16xi32>
        %add3A_398 = arith.addi %add3A_363, %add3A_397 : vector<16xi32>
        %gather3A_399 = tpu.vector_load_idx %arg4[%add3A_370] : memref<42016xf32, #tpu.memory_space<vmem>>[vector<16xi32>], vector<16xf32>,
        %gt3A_400 = arith.cmpf ogt, %gather3A_399, %select_n3A_366 : vector<16xf32>
        %select_n3A_401 = arith.select %gt3A_400, %gather3A_399, %select_n3A_366 : vector<16xi1>, vector<16xf32>
        %select_n3A_402 = arith.select %gt3A_400, %add3A_370, %select_n3A_367 : vector<16xi1>, vector<16xi32>
        %add3A_403 = arith.constant 1 : i32
        %add3A_404 = vector.broadcast %add3A_403 : i32 to vector<16xi32>
        %add3A_405 = arith.addi %add3A_370, %add3A_404 : vector<16xi32>
        %gather3A_406 = tpu.vector_load_idx %arg4[%add3A_377] : memref<42016xf32, #tpu.memory_space<vmem>>[vector<16xi32>], vector<16xf32>,
        %gt3A_407 = arith.cmpf ogt, %gather3A_406, %select_n3A_373 : vector<16xf32>
        %select_n3A_408 = arith.select %gt3A_407, %gather3A_406, %select_n3A_373 : vector<16xi1>, vector<16xf32>
        %select_n3A_409 = arith.select %gt3A_407, %add3A_377, %select_n3A_374 : vector<16xi1>, vector<16xi32>
        %add3A_410 = arith.constant 1 : i32
        %add3A_411 = vector.broadcast %add3A_410 : i32 to vector<16xi32>
        %add3A_412 = arith.addi %add3A_377, %add3A_411 : vector<16xi32>
        %gather3A_413 = tpu.vector_load_idx %arg4[%add3A_384] : memref<42016xf32, #tpu.memory_space<vmem>>[vector<16xi32>], vector<16xf32>,
        %gt3A_414 = arith.cmpf ogt, %gather3A_413, %select_n3A_380 : vector<16xf32>
        %select_n3A_415 = arith.select %gt3A_414, %gather3A_413, %select_n3A_380 : vector<16xi1>, vector<16xf32>
        %select_n3A_416 = arith.select %gt3A_414, %add3A_384, %select_n3A_381 : vector<16xi1>, vector<16xi32>
        %add3A_417 = arith.constant 1 : i32
        %add3A_418 = vector.broadcast %add3A_417 : i32 to vector<16xi32>
        %add3A_419 = arith.addi %add3A_384, %add3A_418 : vector<16xi32>
        %gather3A_420 = tpu.vector_load_idx %arg4[%add3A_391] : memref<42016xf32, #tpu.memory_space<vmem>>[vector<16xi32>], vector<16xf32>,
        %gt3A_421 = arith.cmpf ogt, %gather3A_420, %select_n3A_387 : vector<16xf32>
        %select_n3A_422 = arith.select %gt3A_421, %gather3A_420, %select_n3A_387 : vector<16xi1>, vector<16xf32>
        %select_n3A_423 = arith.select %gt3A_421, %add3A_391, %select_n3A_388 : vector<16xi1>, vector<16xi32>
        %add3A_424 = arith.constant 1 : i32
        %add3A_425 = vector.broadcast %add3A_424 : i32 to vector<16xi32>
        %add3A_426 = arith.addi %add3A_391, %add3A_425 : vector<16xi32>
        %gather3A_427 = tpu.vector_load_idx %arg4[%add3A_398] : memref<42016xf32, #tpu.memory_space<vmem>>[vector<16xi32>], vector<16xf32>,
        %gt3A_428 = arith.cmpf ogt, %gather3A_427, %select_n3A_394 : vector<16xf32>
        %select_n3A_429 = arith.select %gt3A_428, %gather3A_427, %select_n3A_394 : vector<16xi1>, vector<16xf32>
        %select_n3A_430 = arith.select %gt3A_428, %add3A_398, %select_n3A_395 : vector<16xi1>, vector<16xi32>
        %add3A_431 = arith.constant 1 : i32
        %add3A_432 = vector.broadcast %add3A_431 : i32 to vector<16xi32>
        %add3A_433 = arith.addi %add3A_398, %add3A_432 : vector<16xi32>
        %gather3A_434 = tpu.vector_load_idx %arg4[%add3A_405] : memref<42016xf32, #tpu.memory_space<vmem>>[vector<16xi32>], vector<16xf32>,
        %gt3A_435 = arith.cmpf ogt, %gather3A_434, %select_n3A_401 : vector<16xf32>
        %select_n3A_436 = arith.select %gt3A_435, %gather3A_434, %select_n3A_401 : vector<16xi1>, vector<16xf32>
        %select_n3A_437 = arith.select %gt3A_435, %add3A_405, %select_n3A_402 : vector<16xi1>, vector<16xi32>
        %add3A_438 = arith.constant 1 : i32
        %add3A_439 = vector.broadcast %add3A_438 : i32 to vector<16xi32>
        %add3A_440 = arith.addi %add3A_405, %add3A_439 : vector<16xi32>
        %gather3A_441 = tpu.vector_load_idx %arg4[%add3A_412] : memref<42016xf32, #tpu.memory_space<vmem>>[vector<16xi32>], vector<16xf32>,
        %gt3A_442 = arith.cmpf ogt, %gather3A_441, %select_n3A_408 : vector<16xf32>
        %select_n3A_443 = arith.select %gt3A_442, %gather3A_441, %select_n3A_408 : vector<16xi1>, vector<16xf32>
        %select_n3A_444 = arith.select %gt3A_442, %add3A_412, %select_n3A_409 : vector<16xi1>, vector<16xi32>
        %add3A_445 = arith.constant 1 : i32
        %add3A_446 = vector.broadcast %add3A_445 : i32 to vector<16xi32>
        %add3A_447 = arith.addi %add3A_412, %add3A_446 : vector<16xi32>
        %gather3A_448 = tpu.vector_load_idx %arg4[%add3A_419] : memref<42016xf32, #tpu.memory_space<vmem>>[vector<16xi32>], vector<16xf32>,
        %gt3A_449 = arith.cmpf ogt, %gather3A_448, %select_n3A_415 : vector<16xf32>
        %select_n3A_450 = arith.select %gt3A_449, %gather3A_448, %select_n3A_415 : vector<16xi1>, vector<16xf32>
        %select_n3A_451 = arith.select %gt3A_449, %add3A_419, %select_n3A_416 : vector<16xi1>, vector<16xi32>
        %add3A_452 = arith.constant 1 : i32
        %add3A_453 = vector.broadcast %add3A_452 : i32 to vector<16xi32>
        %add3A_454 = arith.addi %add3A_419, %add3A_453 : vector<16xi32>
        %gather3A_455 = tpu.vector_load_idx %arg4[%add3A_426] : memref<42016xf32, #tpu.memory_space<vmem>>[vector<16xi32>], vector<16xf32>,
        %gt3A_456 = arith.cmpf ogt, %gather3A_455, %select_n3A_422 : vector<16xf32>
        %select_n3A_457 = arith.select %gt3A_456, %gather3A_455, %select_n3A_422 : vector<16xi1>, vector<16xf32>
        %select_n3A_458 = arith.select %gt3A_456, %add3A_426, %select_n3A_423 : vector<16xi1>, vector<16xi32>
        %add3A_459 = arith.constant 1 : i32
        %add3A_460 = vector.broadcast %add3A_459 : i32 to vector<16xi32>
        %add3A_461 = arith.addi %add3A_426, %add3A_460 : vector<16xi32>
        %gather3A_462 = tpu.vector_load_idx %arg4[%add3A_433] : memref<42016xf32, #tpu.memory_space<vmem>>[vector<16xi32>], vector<16xf32>,
        %gt3A_463 = arith.cmpf ogt, %gather3A_462, %select_n3A_429 : vector<16xf32>
        %select_n3A_464 = arith.select %gt3A_463, %gather3A_462, %select_n3A_429 : vector<16xi1>, vector<16xf32>
        %select_n3A_465 = arith.select %gt3A_463, %add3A_433, %select_n3A_430 : vector<16xi1>, vector<16xi32>
        %add3A_466 = arith.constant 1 : i32
        %add3A_467 = vector.broadcast %add3A_466 : i32 to vector<16xi32>
        %add3A_468 = arith.addi %add3A_433, %add3A_467 : vector<16xi32>
        %gather3A_469 = tpu.vector_load_idx %arg4[%add3A_440] : memref<42016xf32, #tpu.memory_space<vmem>>[vector<16xi32>], vector<16xf32>,
        %gt3A_470 = arith.cmpf ogt, %gather3A_469, %select_n3A_436 : vector<16xf32>
        %select_n3A_471 = arith.select %gt3A_470, %gather3A_469, %select_n3A_436 : vector<16xi1>, vector<16xf32>
        %select_n3A_472 = arith.select %gt3A_470, %add3A_440, %select_n3A_437 : vector<16xi1>, vector<16xi32>
        %add3A_473 = arith.constant 1 : i32
        %add3A_474 = vector.broadcast %add3A_473 : i32 to vector<16xi32>
        %add3A_475 = arith.addi %add3A_440, %add3A_474 : vector<16xi32>
        %gather3A_476 = tpu.vector_load_idx %arg4[%add3A_447] : memref<42016xf32, #tpu.memory_space<vmem>>[vector<16xi32>], vector<16xf32>,
        %gt3A_477 = arith.cmpf ogt, %gather3A_476, %select_n3A_443 : vector<16xf32>
        %select_n3A_478 = arith.select %gt3A_477, %gather3A_476, %select_n3A_443 : vector<16xi1>, vector<16xf32>
        %select_n3A_479 = arith.select %gt3A_477, %add3A_447, %select_n3A_444 : vector<16xi1>, vector<16xi32>
        %add3A_480 = arith.constant 1 : i32
        %add3A_481 = vector.broadcast %add3A_480 : i32 to vector<16xi32>
        %add3A_482 = arith.addi %add3A_447, %add3A_481 : vector<16xi32>
        %gather3A_483 = tpu.vector_load_idx %arg4[%add3A_454] : memref<42016xf32, #tpu.memory_space<vmem>>[vector<16xi32>], vector<16xf32>,
        %gt3A_484 = arith.cmpf ogt, %gather3A_483, %select_n3A_450 : vector<16xf32>
        %select_n3A_485 = arith.select %gt3A_484, %gather3A_483, %select_n3A_450 : vector<16xi1>, vector<16xf32>
        %select_n3A_486 = arith.select %gt3A_484, %add3A_454, %select_n3A_451 : vector<16xi1>, vector<16xi32>
        %add3A_487 = arith.constant 1 : i32
        %add3A_488 = vector.broadcast %add3A_487 : i32 to vector<16xi32>
        %add3A_489 = arith.addi %add3A_454, %add3A_488 : vector<16xi32>
        %gather3A_490 = tpu.vector_load_idx %arg4[%add3A_461] : memref<42016xf32, #tpu.memory_space<vmem>>[vector<16xi32>], vector<16xf32>,
        %gt3A_491 = arith.cmpf ogt, %gather3A_490, %select_n3A_457 : vector<16xf32>
        %select_n3A_492 = arith.select %gt3A_491, %gather3A_490, %select_n3A_457 : vector<16xi1>, vector<16xf32>
        %select_n3A_493 = arith.select %gt3A_491, %add3A_461, %select_n3A_458 : vector<16xi1>, vector<16xi32>
        %add3A_494 = arith.constant 1 : i32
        %add3A_495 = vector.broadcast %add3A_494 : i32 to vector<16xi32>
        %add3A_496 = arith.addi %add3A_461, %add3A_495 : vector<16xi32>
        %gather3A_497 = tpu.vector_load_idx %arg4[%add3A_468] : memref<42016xf32, #tpu.memory_space<vmem>>[vector<16xi32>], vector<16xf32>,
        %gt3A_498 = arith.cmpf ogt, %gather3A_497, %select_n3A_464 : vector<16xf32>
        %select_n3A_499 = arith.select %gt3A_498, %gather3A_497, %select_n3A_464 : vector<16xi1>, vector<16xf32>
        %select_n3A_500 = arith.select %gt3A_498, %add3A_468, %select_n3A_465 : vector<16xi1>, vector<16xi32>
        %add3A_501 = arith.constant 1 : i32
        %add3A_502 = vector.broadcast %add3A_501 : i32 to vector<16xi32>
        %add3A_503 = arith.addi %add3A_468, %add3A_502 : vector<16xi32>
        %gather3A_504 = tpu.vector_load_idx %arg4[%add3A_475] : memref<42016xf32, #tpu.memory_space<vmem>>[vector<16xi32>], vector<16xf32>,
        %gt3A_505 = arith.cmpf ogt, %gather3A_504, %select_n3A_471 : vector<16xf32>
        %select_n3A_506 = arith.select %gt3A_505, %gather3A_504, %select_n3A_471 : vector<16xi1>, vector<16xf32>
        %select_n3A_507 = arith.select %gt3A_505, %add3A_475, %select_n3A_472 : vector<16xi1>, vector<16xi32>
        %add3A_508 = arith.constant 1 : i32
        %add3A_509 = vector.broadcast %add3A_508 : i32 to vector<16xi32>
        %add3A_510 = arith.addi %add3A_475, %add3A_509 : vector<16xi32>
        %gather3A_511 = tpu.vector_load_idx %arg4[%add3A_482] : memref<42016xf32, #tpu.memory_space<vmem>>[vector<16xi32>], vector<16xf32>,
        %gt3A_512 = arith.cmpf ogt, %gather3A_511, %select_n3A_478 : vector<16xf32>
        %select_n3A_513 = arith.select %gt3A_512, %gather3A_511, %select_n3A_478 : vector<16xi1>, vector<16xf32>
        %select_n3A_514 = arith.select %gt3A_512, %add3A_482, %select_n3A_479 : vector<16xi1>, vector<16xi32>
        %add3A_515 = arith.constant 1 : i32
        %add3A_516 = vector.broadcast %add3A_515 : i32 to vector<16xi32>
        %add3A_517 = arith.addi %add3A_482, %add3A_516 : vector<16xi32>
        %gather3A_518 = tpu.vector_load_idx %arg4[%add3A_489] : memref<42016xf32, #tpu.memory_space<vmem>>[vector<16xi32>], vector<16xf32>,
        %gt3A_519 = arith.cmpf ogt, %gather3A_518, %select_n3A_485 : vector<16xf32>
        %select_n3A_520 = arith.select %gt3A_519, %gather3A_518, %select_n3A_485 : vector<16xi1>, vector<16xf32>
        %select_n3A_521 = arith.select %gt3A_519, %add3A_489, %select_n3A_486 : vector<16xi1>, vector<16xi32>
        %add3A_522 = arith.constant 1 : i32
        %add3A_523 = vector.broadcast %add3A_522 : i32 to vector<16xi32>
        %add3A_524 = arith.addi %add3A_489, %add3A_523 : vector<16xi32>
        %gather3A_525 = tpu.vector_load_idx %arg4[%add3A_496] : memref<42016xf32, #tpu.memory_space<vmem>>[vector<16xi32>], vector<16xf32>,
        %gt3A_526 = arith.cmpf ogt, %gather3A_525, %select_n3A_492 : vector<16xf32>
        %select_n3A_527 = arith.select %gt3A_526, %gather3A_525, %select_n3A_492 : vector<16xi1>, vector<16xf32>
        %select_n3A_528 = arith.select %gt3A_526, %add3A_496, %select_n3A_493 : vector<16xi1>, vector<16xi32>
        %add3A_529 = arith.constant 1 : i32
        %add3A_530 = vector.broadcast %add3A_529 : i32 to vector<16xi32>
        %add3A_531 = arith.addi %add3A_496, %add3A_530 : vector<16xi32>
        %gather3A_532 = tpu.vector_load_idx %arg4[%add3A_503] : memref<42016xf32, #tpu.memory_space<vmem>>[vector<16xi32>], vector<16xf32>,
        %gt3A_533 = arith.cmpf ogt, %gather3A_532, %select_n3A_499 : vector<16xf32>
        %select_n3A_534 = arith.select %gt3A_533, %gather3A_532, %select_n3A_499 : vector<16xi1>, vector<16xf32>
        %select_n3A_535 = arith.select %gt3A_533, %add3A_503, %select_n3A_500 : vector<16xi1>, vector<16xi32>
        %add3A_536 = arith.constant 1 : i32
        %add3A_537 = vector.broadcast %add3A_536 : i32 to vector<16xi32>
        %add3A_538 = arith.addi %add3A_503, %add3A_537 : vector<16xi32>
        %gather3A_539 = tpu.vector_load_idx %arg4[%add3A_510] : memref<42016xf32, #tpu.memory_space<vmem>>[vector<16xi32>], vector<16xf32>,
        %gt3A_540 = arith.cmpf ogt, %gather3A_539, %select_n3A_506 : vector<16xf32>
        %select_n3A_541 = arith.select %gt3A_540, %gather3A_539, %select_n3A_506 : vector<16xi1>, vector<16xf32>
        %select_n3A_542 = arith.select %gt3A_540, %add3A_510, %select_n3A_507 : vector<16xi1>, vector<16xi32>
        %add3A_543 = arith.constant 1 : i32
        %add3A_544 = vector.broadcast %add3A_543 : i32 to vector<16xi32>
        %add3A_545 = arith.addi %add3A_510, %add3A_544 : vector<16xi32>
        %gather3A_546 = tpu.vector_load_idx %arg4[%add3A_517] : memref<42016xf32, #tpu.memory_space<vmem>>[vector<16xi32>], vector<16xf32>,
        %gt3A_547 = arith.cmpf ogt, %gather3A_546, %select_n3A_513 : vector<16xf32>
        %select_n3A_548 = arith.select %gt3A_547, %gather3A_546, %select_n3A_513 : vector<16xi1>, vector<16xf32>
        %select_n3A_549 = arith.select %gt3A_547, %add3A_517, %select_n3A_514 : vector<16xi1>, vector<16xi32>
        %add3A_550 = arith.constant 1 : i32
        %add3A_551 = vector.broadcast %add3A_550 : i32 to vector<16xi32>
        %add3A_552 = arith.addi %add3A_517, %add3A_551 : vector<16xi32>
        %gather3A_553 = tpu.vector_load_idx %arg4[%add3A_524] : memref<42016xf32, #tpu.memory_space<vmem>>[vector<16xi32>], vector<16xf32>,
        %gt3A_554 = arith.cmpf ogt, %gather3A_553, %select_n3A_520 : vector<16xf32>
        %select_n3A_555 = arith.select %gt3A_554, %gather3A_553, %select_n3A_520 : vector<16xi1>, vector<16xf32>
        %select_n3A_556 = arith.select %gt3A_554, %add3A_524, %select_n3A_521 : vector<16xi1>, vector<16xi32>
        %add3A_557 = arith.constant 1 : i32
        %add3A_558 = vector.broadcast %add3A_557 : i32 to vector<16xi32>
        %add3A_559 = arith.addi %add3A_524, %add3A_558 : vector<16xi32>
        %gather3A_560 = tpu.vector_load_idx %arg4[%add3A_531] : memref<42016xf32, #tpu.memory_space<vmem>>[vector<16xi32>], vector<16xf32>,
        %gt3A_561 = arith.cmpf ogt, %gather3A_560, %select_n3A_527 : vector<16xf32>
        %select_n3A_562 = arith.select %gt3A_561, %gather3A_560, %select_n3A_527 : vector<16xi1>, vector<16xf32>
        %select_n3A_563 = arith.select %gt3A_561, %add3A_531, %select_n3A_528 : vector<16xi1>, vector<16xi32>
        %add3A_564 = arith.constant 1 : i32
        %add3A_565 = vector.broadcast %add3A_564 : i32 to vector<16xi32>
        %add3A_566 = arith.addi %add3A_531, %add3A_565 : vector<16xi32>
        %gather3A_567 = tpu.vector_load_idx %arg4[%add3A_538] : memref<42016xf32, #tpu.memory_space<vmem>>[vector<16xi32>], vector<16xf32>,
        %gt3A_568 = arith.cmpf ogt, %gather3A_567, %select_n3A_534 : vector<16xf32>
        %select_n3A_569 = arith.select %gt3A_568, %gather3A_567, %select_n3A_534 : vector<16xi1>, vector<16xf32>
        %select_n3A_570 = arith.select %gt3A_568, %add3A_538, %select_n3A_535 : vector<16xi1>, vector<16xi32>
        %add3A_571 = arith.constant 1 : i32
        %add3A_572 = vector.broadcast %add3A_571 : i32 to vector<16xi32>
        %add3A_573 = arith.addi %add3A_538, %add3A_572 : vector<16xi32>
        %gather3A_574 = tpu.vector_load_idx %arg4[%add3A_545] : memref<42016xf32, #tpu.memory_space<vmem>>[vector<16xi32>], vector<16xf32>,
        %gt3A_575 = arith.cmpf ogt, %gather3A_574, %select_n3A_541 : vector<16xf32>
        %select_n3A_576 = arith.select %gt3A_575, %gather3A_574, %select_n3A_541 : vector<16xi1>, vector<16xf32>
        %select_n3A_577 = arith.select %gt3A_575, %add3A_545, %select_n3A_542 : vector<16xi1>, vector<16xi32>
        %add3A_578 = arith.constant 1 : i32
        %add3A_579 = vector.broadcast %add3A_578 : i32 to vector<16xi32>
        %add3A_580 = arith.addi %add3A_545, %add3A_579 : vector<16xi32>
        %gather3A_581 = tpu.vector_load_idx %arg4[%add3A_552] : memref<42016xf32, #tpu.memory_space<vmem>>[vector<16xi32>], vector<16xf32>,
        %gt3A_582 = arith.cmpf ogt, %gather3A_581, %select_n3A_548 : vector<16xf32>
        %select_n3A_583 = arith.select %gt3A_582, %gather3A_581, %select_n3A_548 : vector<16xi1>, vector<16xf32>
        %select_n3A_584 = arith.select %gt3A_582, %add3A_552, %select_n3A_549 : vector<16xi1>, vector<16xi32>
        %add3A_585 = arith.constant 1 : i32
        %add3A_586 = vector.broadcast %add3A_585 : i32 to vector<16xi32>
        %add3A_587 = arith.addi %add3A_552, %add3A_586 : vector<16xi32>
        %gather3A_588 = tpu.vector_load_idx %arg4[%add3A_559] : memref<42016xf32, #tpu.memory_space<vmem>>[vector<16xi32>], vector<16xf32>,
        %gt3A_589 = arith.cmpf ogt, %gather3A_588, %select_n3A_555 : vector<16xf32>
        %select_n3A_590 = arith.select %gt3A_589, %gather3A_588, %select_n3A_555 : vector<16xi1>, vector<16xf32>
        %select_n3A_591 = arith.select %gt3A_589, %add3A_559, %select_n3A_556 : vector<16xi1>, vector<16xi32>
        %add3A_592 = arith.constant 1 : i32
        %add3A_593 = vector.broadcast %add3A_592 : i32 to vector<16xi32>
        %add3A_594 = arith.addi %add3A_559, %add3A_593 : vector<16xi32>
        %gather3A_595 = tpu.vector_load_idx %arg4[%add3A_566] : memref<42016xf32, #tpu.memory_space<vmem>>[vector<16xi32>], vector<16xf32>,
        %gt3A_596 = arith.cmpf ogt, %gather3A_595, %select_n3A_562 : vector<16xf32>
        %select_n3A_597 = arith.select %gt3A_596, %gather3A_595, %select_n3A_562 : vector<16xi1>, vector<16xf32>
        %select_n3A_598 = arith.select %gt3A_596, %add3A_566, %select_n3A_563 : vector<16xi1>, vector<16xi32>
        %add3A_599 = arith.constant 1 : i32
        %add3A_600 = vector.broadcast %add3A_599 : i32 to vector<16xi32>
        %add3A_601 = arith.addi %add3A_566, %add3A_600 : vector<16xi32>
        %gather3A_602 = tpu.vector_load_idx %arg4[%add3A_573] : memref<42016xf32, #tpu.memory_space<vmem>>[vector<16xi32>], vector<16xf32>,
        %gt3A_603 = arith.cmpf ogt, %gather3A_602, %select_n3A_569 : vector<16xf32>
        %select_n3A_604 = arith.select %gt3A_603, %gather3A_602, %select_n3A_569 : vector<16xi1>, vector<16xf32>
        %select_n3A_605 = arith.select %gt3A_603, %add3A_573, %select_n3A_570 : vector<16xi1>, vector<16xi32>
        %add3A_606 = arith.constant 1 : i32
        %add3A_607 = vector.broadcast %add3A_606 : i32 to vector<16xi32>
        %add3A_608 = arith.addi %add3A_573, %add3A_607 : vector<16xi32>
        %gather3A_609 = tpu.vector_load_idx %arg4[%add3A_580] : memref<42016xf32, #tpu.memory_space<vmem>>[vector<16xi32>], vector<16xf32>,
        %gt3A_610 = arith.cmpf ogt, %gather3A_609, %select_n3A_576 : vector<16xf32>
        %select_n3A_611 = arith.select %gt3A_610, %gather3A_609, %select_n3A_576 : vector<16xi1>, vector<16xf32>
        %select_n3A_612 = arith.select %gt3A_610, %add3A_580, %select_n3A_577 : vector<16xi1>, vector<16xi32>
        %add3A_613 = arith.constant 1 : i32
        %add3A_614 = vector.broadcast %add3A_613 : i32 to vector<16xi32>
        %add3A_615 = arith.addi %add3A_580, %add3A_614 : vector<16xi32>
        %gather3A_616 = tpu.vector_load_idx %arg4[%add3A_587] : memref<42016xf32, #tpu.memory_space<vmem>>[vector<16xi32>], vector<16xf32>,
        %gt3A_617 = arith.cmpf ogt, %gather3A_616, %select_n3A_583 : vector<16xf32>
        %select_n3A_618 = arith.select %gt3A_617, %gather3A_616, %select_n3A_583 : vector<16xi1>, vector<16xf32>
        %select_n3A_619 = arith.select %gt3A_617, %add3A_587, %select_n3A_584 : vector<16xi1>, vector<16xi32>
        %add3A_620 = arith.constant 1 : i32
        %add3A_621 = vector.broadcast %add3A_620 : i32 to vector<16xi32>
        %add3A_622 = arith.addi %add3A_587, %add3A_621 : vector<16xi32>
        %gather3A_623 = tpu.vector_load_idx %arg4[%add3A_594] : memref<42016xf32, #tpu.memory_space<vmem>>[vector<16xi32>], vector<16xf32>,
        %gt3A_624 = arith.cmpf ogt, %gather3A_623, %select_n3A_590 : vector<16xf32>
        %select_n3A_625 = arith.select %gt3A_624, %gather3A_623, %select_n3A_590 : vector<16xi1>, vector<16xf32>
        %select_n3A_626 = arith.select %gt3A_624, %add3A_594, %select_n3A_591 : vector<16xi1>, vector<16xi32>
        %add3A_627 = arith.constant 1 : i32
        %add3A_628 = vector.broadcast %add3A_627 : i32 to vector<16xi32>
        %add3A_629 = arith.addi %add3A_594, %add3A_628 : vector<16xi32>
        %gather3A_630 = tpu.vector_load_idx %arg4[%add3A_601] : memref<42016xf32, #tpu.memory_space<vmem>>[vector<16xi32>], vector<16xf32>,
        %gt3A_631 = arith.cmpf ogt, %gather3A_630, %select_n3A_597 : vector<16xf32>
        %select_n3A_632 = arith.select %gt3A_631, %gather3A_630, %select_n3A_597 : vector<16xi1>, vector<16xf32>
        %select_n3A_633 = arith.select %gt3A_631, %add3A_601, %select_n3A_598 : vector<16xi1>, vector<16xi32>
        %add3A_634 = arith.constant 1 : i32
        %add3A_635 = vector.broadcast %add3A_634 : i32 to vector<16xi32>
        %add3A_636 = arith.addi %add3A_601, %add3A_635 : vector<16xi32>
        %gather3A_637 = tpu.vector_load_idx %arg4[%add3A_608] : memref<42016xf32, #tpu.memory_space<vmem>>[vector<16xi32>], vector<16xf32>,
        %gt3A_638 = arith.cmpf ogt, %gather3A_637, %select_n3A_604 : vector<16xf32>
        %select_n3A_639 = arith.select %gt3A_638, %gather3A_637, %select_n3A_604 : vector<16xi1>, vector<16xf32>
        %select_n3A_640 = arith.select %gt3A_638, %add3A_608, %select_n3A_605 : vector<16xi1>, vector<16xi32>
        %add3A_641 = arith.constant 1 : i32
        %add3A_642 = vector.broadcast %add3A_641 : i32 to vector<16xi32>
        %add3A_643 = arith.addi %add3A_608, %add3A_642 : vector<16xi32>
        %gather3A_644 = tpu.vector_load_idx %arg4[%add3A_615] : memref<42016xf32, #tpu.memory_space<vmem>>[vector<16xi32>], vector<16xf32>,
        %gt3A_645 = arith.cmpf ogt, %gather3A_644, %select_n3A_611 : vector<16xf32>
        %select_n3A_646 = arith.select %gt3A_645, %gather3A_644, %select_n3A_611 : vector<16xi1>, vector<16xf32>
        %select_n3A_647 = arith.select %gt3A_645, %add3A_615, %select_n3A_612 : vector<16xi1>, vector<16xi32>
        %add3A_648 = arith.constant 1 : i32
        %add3A_649 = vector.broadcast %add3A_648 : i32 to vector<16xi32>
        %add3A_650 = arith.addi %add3A_615, %add3A_649 : vector<16xi32>
        %gather3A_651 = tpu.vector_load_idx %arg4[%add3A_622] : memref<42016xf32, #tpu.memory_space<vmem>>[vector<16xi32>], vector<16xf32>,
        %gt3A_652 = arith.cmpf ogt, %gather3A_651, %select_n3A_618 : vector<16xf32>
        %select_n3A_653 = arith.select %gt3A_652, %gather3A_651, %select_n3A_618 : vector<16xi1>, vector<16xf32>
        %select_n3A_654 = arith.select %gt3A_652, %add3A_622, %select_n3A_619 : vector<16xi1>, vector<16xi32>
        %add3A_655 = arith.constant 1 : i32
        %add3A_656 = vector.broadcast %add3A_655 : i32 to vector<16xi32>
        %add3A_657 = arith.addi %add3A_622, %add3A_656 : vector<16xi32>
        %gather3A_658 = tpu.vector_load_idx %arg4[%add3A_629] : memref<42016xf32, #tpu.memory_space<vmem>>[vector<16xi32>], vector<16xf32>,
        %gt3A_659 = arith.cmpf ogt, %gather3A_658, %select_n3A_625 : vector<16xf32>
        %select_n3A_660 = arith.select %gt3A_659, %gather3A_658, %select_n3A_625 : vector<16xi1>, vector<16xf32>
        %select_n3A_661 = arith.select %gt3A_659, %add3A_629, %select_n3A_626 : vector<16xi1>, vector<16xi32>
        %add3A_662 = arith.constant 1 : i32
        %add3A_663 = vector.broadcast %add3A_662 : i32 to vector<16xi32>
        %add3A_664 = arith.addi %add3A_629, %add3A_663 : vector<16xi32>
        %gather3A_665 = tpu.vector_load_idx %arg4[%add3A_636] : memref<42016xf32, #tpu.memory_space<vmem>>[vector<16xi32>], vector<16xf32>,
        %gt3A_666 = arith.cmpf ogt, %gather3A_665, %select_n3A_632 : vector<16xf32>
        %select_n3A_667 = arith.select %gt3A_666, %gather3A_665, %select_n3A_632 : vector<16xi1>, vector<16xf32>
        %select_n3A_668 = arith.select %gt3A_666, %add3A_636, %select_n3A_633 : vector<16xi1>, vector<16xi32>
        %add3A_669 = arith.constant 1 : i32
        %add3A_670 = vector.broadcast %add3A_669 : i32 to vector<16xi32>
        %add3A_671 = arith.addi %add3A_636, %add3A_670 : vector<16xi32>
        %gather3A_672 = tpu.vector_load_idx %arg4[%add3A_643] : memref<42016xf32, #tpu.memory_space<vmem>>[vector<16xi32>], vector<16xf32>,
        %gt3A_673 = arith.cmpf ogt, %gather3A_672, %select_n3A_639 : vector<16xf32>
        %select_n3A_674 = arith.select %gt3A_673, %gather3A_672, %select_n3A_639 : vector<16xi1>, vector<16xf32>
        %select_n3A_675 = arith.select %gt3A_673, %add3A_643, %select_n3A_640 : vector<16xi1>, vector<16xi32>
        %add3A_676 = arith.constant 1 : i32
        %add3A_677 = vector.broadcast %add3A_676 : i32 to vector<16xi32>
        %add3A_678 = arith.addi %add3A_643, %add3A_677 : vector<16xi32>
        %gather3A_679 = tpu.vector_load_idx %arg4[%add3A_650] : memref<42016xf32, #tpu.memory_space<vmem>>[vector<16xi32>], vector<16xf32>,
        %gt3A_680 = arith.cmpf ogt, %gather3A_679, %select_n3A_646 : vector<16xf32>
        %select_n3A_681 = arith.select %gt3A_680, %gather3A_679, %select_n3A_646 : vector<16xi1>, vector<16xf32>
        %select_n3A_682 = arith.select %gt3A_680, %add3A_650, %select_n3A_647 : vector<16xi1>, vector<16xi32>
        %add3A_683 = arith.constant 1 : i32
        %add3A_684 = vector.broadcast %add3A_683 : i32 to vector<16xi32>
        %add3A_685 = arith.addi %add3A_650, %add3A_684 : vector<16xi32>
        %gather3A_686 = tpu.vector_load_idx %arg4[%add3A_657] : memref<42016xf32, #tpu.memory_space<vmem>>[vector<16xi32>], vector<16xf32>,
        %gt3A_687 = arith.cmpf ogt, %gather3A_686, %select_n3A_653 : vector<16xf32>
        %select_n3A_688 = arith.select %gt3A_687, %gather3A_686, %select_n3A_653 : vector<16xi1>, vector<16xf32>
        %select_n3A_689 = arith.select %gt3A_687, %add3A_657, %select_n3A_654 : vector<16xi1>, vector<16xi32>
        %add3A_690 = arith.constant 1 : i32
        %add3A_691 = vector.broadcast %add3A_690 : i32 to vector<16xi32>
        %add3A_692 = arith.addi %add3A_657, %add3A_691 : vector<16xi32>
        %gather3A_693 = tpu.vector_load_idx %arg4[%add3A_664] : memref<42016xf32, #tpu.memory_space<vmem>>[vector<16xi32>], vector<16xf32>,
        %gt3A_694 = arith.cmpf ogt, %gather3A_693, %select_n3A_660 : vector<16xf32>
        %select_n3A_695 = arith.select %gt3A_694, %gather3A_693, %select_n3A_660 : vector<16xi1>, vector<16xf32>
        %select_n3A_696 = arith.select %gt3A_694, %add3A_664, %select_n3A_661 : vector<16xi1>, vector<16xi32>
        %add3A_697 = arith.constant 1 : i32
        %add3A_698 = vector.broadcast %add3A_697 : i32 to vector<16xi32>
        %add3A_699 = arith.addi %add3A_664, %add3A_698 : vector<16xi32>
        %gather3A_700 = tpu.vector_load_idx %arg4[%add3A_671] : memref<42016xf32, #tpu.memory_space<vmem>>[vector<16xi32>], vector<16xf32>,
        %gt3A_701 = arith.cmpf ogt, %gather3A_700, %select_n3A_667 : vector<16xf32>
        %select_n3A_702 = arith.select %gt3A_701, %gather3A_700, %select_n3A_667 : vector<16xi1>, vector<16xf32>
        %select_n3A_703 = arith.select %gt3A_701, %add3A_671, %select_n3A_668 : vector<16xi1>, vector<16xi32>
        %add3A_704 = arith.constant 1 : i32
        %add3A_705 = vector.broadcast %add3A_704 : i32 to vector<16xi32>
        %add3A_706 = arith.addi %add3A_671, %add3A_705 : vector<16xi32>
        %gather3A_707 = tpu.vector_load_idx %arg4[%add3A_678] : memref<42016xf32, #tpu.memory_space<vmem>>[vector<16xi32>], vector<16xf32>,
        %gt3A_708 = arith.cmpf ogt, %gather3A_707, %select_n3A_674 : vector<16xf32>
        %select_n3A_709 = arith.select %gt3A_708, %gather3A_707, %select_n3A_674 : vector<16xi1>, vector<16xf32>
        %select_n3A_710 = arith.select %gt3A_708, %add3A_678, %select_n3A_675 : vector<16xi1>, vector<16xi32>
        %add3A_711 = arith.constant 1 : i32
        %add3A_712 = vector.broadcast %add3A_711 : i32 to vector<16xi32>
        %add3A_713 = arith.addi %add3A_678, %add3A_712 : vector<16xi32>
        %gather3A_714 = tpu.vector_load_idx %arg4[%add3A_685] : memref<42016xf32, #tpu.memory_space<vmem>>[vector<16xi32>], vector<16xf32>,
        %gt3A_715 = arith.cmpf ogt, %gather3A_714, %select_n3A_681 : vector<16xf32>
        %select_n3A_716 = arith.select %gt3A_715, %gather3A_714, %select_n3A_681 : vector<16xi1>, vector<16xf32>
        %select_n3A_717 = arith.select %gt3A_715, %add3A_685, %select_n3A_682 : vector<16xi1>, vector<16xi32>
        %add3A_718 = arith.constant 1 : i32
        %add3A_719 = vector.broadcast %add3A_718 : i32 to vector<16xi32>
        %add3A_720 = arith.addi %add3A_685, %add3A_719 : vector<16xi32>
        %gather3A_721 = tpu.vector_load_idx %arg4[%add3A_692] : memref<42016xf32, #tpu.memory_space<vmem>>[vector<16xi32>], vector<16xf32>,
        %gt3A_722 = arith.cmpf ogt, %gather3A_721, %select_n3A_688 : vector<16xf32>
        %select_n3A_723 = arith.select %gt3A_722, %gather3A_721, %select_n3A_688 : vector<16xi1>, vector<16xf32>
        %select_n3A_724 = arith.select %gt3A_722, %add3A_692, %select_n3A_689 : vector<16xi1>, vector<16xi32>
        %add3A_725 = arith.constant 1 : i32
        %add3A_726 = vector.broadcast %add3A_725 : i32 to vector<16xi32>
        %add3A_727 = arith.addi %add3A_692, %add3A_726 : vector<16xi32>
        %gather3A_728 = tpu.vector_load_idx %arg4[%add3A_699] : memref<42016xf32, #tpu.memory_space<vmem>>[vector<16xi32>], vector<16xf32>,
        %gt3A_729 = arith.cmpf ogt, %gather3A_728, %select_n3A_695 : vector<16xf32>
        %select_n3A_730 = arith.select %gt3A_729, %gather3A_728, %select_n3A_695 : vector<16xi1>, vector<16xf32>
        %select_n3A_731 = arith.select %gt3A_729, %add3A_699, %select_n3A_696 : vector<16xi1>, vector<16xi32>
        %add3A_732 = arith.constant 1 : i32
        %add3A_733 = vector.broadcast %add3A_732 : i32 to vector<16xi32>
        %add3A_734 = arith.addi %add3A_699, %add3A_733 : vector<16xi32>
        %gather3A_735 = tpu.vector_load_idx %arg4[%add3A_706] : memref<42016xf32, #tpu.memory_space<vmem>>[vector<16xi32>], vector<16xf32>,
        %gt3A_736 = arith.cmpf ogt, %gather3A_735, %select_n3A_702 : vector<16xf32>
        %select_n3A_737 = arith.select %gt3A_736, %gather3A_735, %select_n3A_702 : vector<16xi1>, vector<16xf32>
        %select_n3A_738 = arith.select %gt3A_736, %add3A_706, %select_n3A_703 : vector<16xi1>, vector<16xi32>
        %add3A_739 = arith.constant 1 : i32
        %add3A_740 = vector.broadcast %add3A_739 : i32 to vector<16xi32>
        %add3A_741 = arith.addi %add3A_706, %add3A_740 : vector<16xi32>
        %gather3A_742 = tpu.vector_load_idx %arg4[%add3A_713] : memref<42016xf32, #tpu.memory_space<vmem>>[vector<16xi32>], vector<16xf32>,
        %gt3A_743 = arith.cmpf ogt, %gather3A_742, %select_n3A_709 : vector<16xf32>
        %select_n3A_744 = arith.select %gt3A_743, %gather3A_742, %select_n3A_709 : vector<16xi1>, vector<16xf32>
        %select_n3A_745 = arith.select %gt3A_743, %add3A_713, %select_n3A_710 : vector<16xi1>, vector<16xi32>
        %add3A_746 = arith.constant 1 : i32
        %add3A_747 = vector.broadcast %add3A_746 : i32 to vector<16xi32>
        %add3A_748 = arith.addi %add3A_713, %add3A_747 : vector<16xi32>
        %gather3A_749 = tpu.vector_load_idx %arg4[%add3A_720] : memref<42016xf32, #tpu.memory_space<vmem>>[vector<16xi32>], vector<16xf32>,
        %gt3A_750 = arith.cmpf ogt, %gather3A_749, %select_n3A_716 : vector<16xf32>
        %select_n3A_751 = arith.select %gt3A_750, %gather3A_749, %select_n3A_716 : vector<16xi1>, vector<16xf32>
        %select_n3A_752 = arith.select %gt3A_750, %add3A_720, %select_n3A_717 : vector<16xi1>, vector<16xi32>
        %add3A_753 = arith.constant 1 : i32
        %add3A_754 = vector.broadcast %add3A_753 : i32 to vector<16xi32>
        %add3A_755 = arith.addi %add3A_720, %add3A_754 : vector<16xi32>
        %gather3A_756 = tpu.vector_load_idx %arg4[%add3A_727] : memref<42016xf32, #tpu.memory_space<vmem>>[vector<16xi32>], vector<16xf32>,
        %gt3A_757 = arith.cmpf ogt, %gather3A_756, %select_n3A_723 : vector<16xf32>
        %select_n3A_758 = arith.select %gt3A_757, %gather3A_756, %select_n3A_723 : vector<16xi1>, vector<16xf32>
        %select_n3A_759 = arith.select %gt3A_757, %add3A_727, %select_n3A_724 : vector<16xi1>, vector<16xi32>
        %add3A_760 = arith.constant 1 : i32
        %add3A_761 = vector.broadcast %add3A_760 : i32 to vector<16xi32>
        %add3A_762 = arith.addi %add3A_727, %add3A_761 : vector<16xi32>
        %gather3A_763 = tpu.vector_load_idx %arg4[%add3A_734] : memref<42016xf32, #tpu.memory_space<vmem>>[vector<16xi32>], vector<16xf32>,
        %gt3A_764 = arith.cmpf ogt, %gather3A_763, %select_n3A_730 : vector<16xf32>
        %select_n3A_765 = arith.select %gt3A_764, %gather3A_763, %select_n3A_730 : vector<16xi1>, vector<16xf32>
        %select_n3A_766 = arith.select %gt3A_764, %add3A_734, %select_n3A_731 : vector<16xi1>, vector<16xi32>
        %add3A_767 = arith.constant 1 : i32
        %add3A_768 = vector.broadcast %add3A_767 : i32 to vector<16xi32>
        %add3A_769 = arith.addi %add3A_734, %add3A_768 : vector<16xi32>
        %gather3A_770 = tpu.vector_load_idx %arg4[%add3A_741] : memref<42016xf32, #tpu.memory_space<vmem>>[vector<16xi32>], vector<16xf32>,
        %gt3A_771 = arith.cmpf ogt, %gather3A_770, %select_n3A_737 : vector<16xf32>
        %select_n3A_772 = arith.select %gt3A_771, %gather3A_770, %select_n3A_737 : vector<16xi1>, vector<16xf32>
        %select_n3A_773 = arith.select %gt3A_771, %add3A_741, %select_n3A_738 : vector<16xi1>, vector<16xi32>
        %add3A_774 = arith.constant 1 : i32
        %add3A_775 = vector.broadcast %add3A_774 : i32 to vector<16xi32>
        %add3A_776 = arith.addi %add3A_741, %add3A_775 : vector<16xi32>
        %gather3A_777 = tpu.vector_load_idx %arg4[%add3A_748] : memref<42016xf32, #tpu.memory_space<vmem>>[vector<16xi32>], vector<16xf32>,
        %gt3A_778 = arith.cmpf ogt, %gather3A_777, %select_n3A_744 : vector<16xf32>
        %select_n3A_779 = arith.select %gt3A_778, %gather3A_777, %select_n3A_744 : vector<16xi1>, vector<16xf32>
        %select_n3A_780 = arith.select %gt3A_778, %add3A_748, %select_n3A_745 : vector<16xi1>, vector<16xi32>
        %add3A_781 = arith.constant 1 : i32
        %add3A_782 = vector.broadcast %add3A_781 : i32 to vector<16xi32>
        %add3A_783 = arith.addi %add3A_748, %add3A_782 : vector<16xi32>
        %gather3A_784 = tpu.vector_load_idx %arg4[%add3A_755] : memref<42016xf32, #tpu.memory_space<vmem>>[vector<16xi32>], vector<16xf32>,
        %gt3A_785 = arith.cmpf ogt, %gather3A_784, %select_n3A_751 : vector<16xf32>
        %select_n3A_786 = arith.select %gt3A_785, %gather3A_784, %select_n3A_751 : vector<16xi1>, vector<16xf32>
        %select_n3A_787 = arith.select %gt3A_785, %add3A_755, %select_n3A_752 : vector<16xi1>, vector<16xi32>
        %add3A_788 = arith.constant 1 : i32
        %add3A_789 = vector.broadcast %add3A_788 : i32 to vector<16xi32>
        %add3A_790 = arith.addi %add3A_755, %add3A_789 : vector<16xi32>
        %gather3A_791 = tpu.vector_load_idx %arg4[%add3A_762] : memref<42016xf32, #tpu.memory_space<vmem>>[vector<16xi32>], vector<16xf32>,
        %gt3A_792 = arith.cmpf ogt, %gather3A_791, %select_n3A_758 : vector<16xf32>
        %select_n3A_793 = arith.select %gt3A_792, %gather3A_791, %select_n3A_758 : vector<16xi1>, vector<16xf32>
        %select_n3A_794 = arith.select %gt3A_792, %add3A_762, %select_n3A_759 : vector<16xi1>, vector<16xi32>
        %add3A_795 = arith.constant 1 : i32
        %add3A_796 = vector.broadcast %add3A_795 : i32 to vector<16xi32>
        %add3A_797 = arith.addi %add3A_762, %add3A_796 : vector<16xi32>
        %gather3A_798 = tpu.vector_load_idx %arg4[%add3A_769] : memref<42016xf32, #tpu.memory_space<vmem>>[vector<16xi32>], vector<16xf32>,
        %gt3A_799 = arith.cmpf ogt, %gather3A_798, %select_n3A_765 : vector<16xf32>
        %select_n3A_800 = arith.select %gt3A_799, %gather3A_798, %select_n3A_765 : vector<16xi1>, vector<16xf32>
        %select_n3A_801 = arith.select %gt3A_799, %add3A_769, %select_n3A_766 : vector<16xi1>, vector<16xi32>
        %add3A_802 = arith.constant 1 : i32
        %add3A_803 = vector.broadcast %add3A_802 : i32 to vector<16xi32>
        %add3A_804 = arith.addi %add3A_769, %add3A_803 : vector<16xi32>
        %gather3A_805 = tpu.vector_load_idx %arg4[%add3A_776] : memref<42016xf32, #tpu.memory_space<vmem>>[vector<16xi32>], vector<16xf32>,
        %gt3A_806 = arith.cmpf ogt, %gather3A_805, %select_n3A_772 : vector<16xf32>
        %select_n3A_807 = arith.select %gt3A_806, %gather3A_805, %select_n3A_772 : vector<16xi1>, vector<16xf32>
        %select_n3A_808 = arith.select %gt3A_806, %add3A_776, %select_n3A_773 : vector<16xi1>, vector<16xi32>
        %add3A_809 = arith.constant 1 : i32
        %add3A_810 = vector.broadcast %add3A_809 : i32 to vector<16xi32>
        %add3A_811 = arith.addi %add3A_776, %add3A_810 : vector<16xi32>
        %gather3A_812 = tpu.vector_load_idx %arg4[%add3A_783] : memref<42016xf32, #tpu.memory_space<vmem>>[vector<16xi32>], vector<16xf32>,
        %gt3A_813 = arith.cmpf ogt, %gather3A_812, %select_n3A_779 : vector<16xf32>
        %select_n3A_814 = arith.select %gt3A_813, %gather3A_812, %select_n3A_779 : vector<16xi1>, vector<16xf32>
        %select_n3A_815 = arith.select %gt3A_813, %add3A_783, %select_n3A_780 : vector<16xi1>, vector<16xi32>
        %add3A_816 = arith.constant 1 : i32
        %add3A_817 = vector.broadcast %add3A_816 : i32 to vector<16xi32>
        %add3A_818 = arith.addi %add3A_783, %add3A_817 : vector<16xi32>
        %gather3A_819 = tpu.vector_load_idx %arg4[%add3A_790] : memref<42016xf32, #tpu.memory_space<vmem>>[vector<16xi32>], vector<16xf32>,
        %gt3A_820 = arith.cmpf ogt, %gather3A_819, %select_n3A_786 : vector<16xf32>
        %select_n3A_821 = arith.select %gt3A_820, %gather3A_819, %select_n3A_786 : vector<16xi1>, vector<16xf32>
        %select_n3A_822 = arith.select %gt3A_820, %add3A_790, %select_n3A_787 : vector<16xi1>, vector<16xi32>
        %add3A_823 = arith.constant 1 : i32
        %add3A_824 = vector.broadcast %add3A_823 : i32 to vector<16xi32>
        %add3A_825 = arith.addi %add3A_790, %add3A_824 : vector<16xi32>
        %gather3A_826 = tpu.vector_load_idx %arg4[%add3A_797] : memref<42016xf32, #tpu.memory_space<vmem>>[vector<16xi32>], vector<16xf32>,
        %gt3A_827 = arith.cmpf ogt, %gather3A_826, %select_n3A_793 : vector<16xf32>
        %select_n3A_828 = arith.select %gt3A_827, %gather3A_826, %select_n3A_793 : vector<16xi1>, vector<16xf32>
        %select_n3A_829 = arith.select %gt3A_827, %add3A_797, %select_n3A_794 : vector<16xi1>, vector<16xi32>
        %add3A_830 = arith.constant 1 : i32
        %add3A_831 = vector.broadcast %add3A_830 : i32 to vector<16xi32>
        %add3A_832 = arith.addi %add3A_797, %add3A_831 : vector<16xi32>
        %gather3A_833 = tpu.vector_load_idx %arg4[%add3A_804] : memref<42016xf32, #tpu.memory_space<vmem>>[vector<16xi32>], vector<16xf32>,
        %gt3A_834 = arith.cmpf ogt, %gather3A_833, %select_n3A_800 : vector<16xf32>
        %select_n3A_835 = arith.select %gt3A_834, %gather3A_833, %select_n3A_800 : vector<16xi1>, vector<16xf32>
        %select_n3A_836 = arith.select %gt3A_834, %add3A_804, %select_n3A_801 : vector<16xi1>, vector<16xi32>
        %add3A_837 = arith.constant 1 : i32
        %add3A_838 = vector.broadcast %add3A_837 : i32 to vector<16xi32>
        %add3A_839 = arith.addi %add3A_804, %add3A_838 : vector<16xi32>
        %gather3A_840 = tpu.vector_load_idx %arg4[%add3A_811] : memref<42016xf32, #tpu.memory_space<vmem>>[vector<16xi32>], vector<16xf32>,
        %gt3A_841 = arith.cmpf ogt, %gather3A_840, %select_n3A_807 : vector<16xf32>
        %select_n3A_842 = arith.select %gt3A_841, %gather3A_840, %select_n3A_807 : vector<16xi1>, vector<16xf32>
        %select_n3A_843 = arith.select %gt3A_841, %add3A_811, %select_n3A_808 : vector<16xi1>, vector<16xi32>
        %add3A_844 = arith.constant 1 : i32
        %add3A_845 = vector.broadcast %add3A_844 : i32 to vector<16xi32>
        %add3A_846 = arith.addi %add3A_811, %add3A_845 : vector<16xi32>
        %gather3A_847 = tpu.vector_load_idx %arg4[%add3A_818] : memref<42016xf32, #tpu.memory_space<vmem>>[vector<16xi32>], vector<16xf32>,
        %gt3A_848 = arith.cmpf ogt, %gather3A_847, %select_n3A_814 : vector<16xf32>
        %select_n3A_849 = arith.select %gt3A_848, %gather3A_847, %select_n3A_814 : vector<16xi1>, vector<16xf32>
        %select_n3A_850 = arith.select %gt3A_848, %add3A_818, %select_n3A_815 : vector<16xi1>, vector<16xi32>
        %add3A_851 = arith.constant 1 : i32
        %add3A_852 = vector.broadcast %add3A_851 : i32 to vector<16xi32>
        %add3A_853 = arith.addi %add3A_818, %add3A_852 : vector<16xi32>
        %gather3A_854 = tpu.vector_load_idx %arg4[%add3A_825] : memref<42016xf32, #tpu.memory_space<vmem>>[vector<16xi32>], vector<16xf32>,
        %gt3A_855 = arith.cmpf ogt, %gather3A_854, %select_n3A_821 : vector<16xf32>
        %select_n3A_856 = arith.select %gt3A_855, %gather3A_854, %select_n3A_821 : vector<16xi1>, vector<16xf32>
        %select_n3A_857 = arith.select %gt3A_855, %add3A_825, %select_n3A_822 : vector<16xi1>, vector<16xi32>
        %add3A_858 = arith.constant 1 : i32
        %add3A_859 = vector.broadcast %add3A_858 : i32 to vector<16xi32>
        %add3A_860 = arith.addi %add3A_825, %add3A_859 : vector<16xi32>
        %gather3A_861 = tpu.vector_load_idx %arg4[%add3A_832] : memref<42016xf32, #tpu.memory_space<vmem>>[vector<16xi32>], vector<16xf32>,
        %gt3A_862 = arith.cmpf ogt, %gather3A_861, %select_n3A_828 : vector<16xf32>
        %select_n3A_863 = arith.select %gt3A_862, %gather3A_861, %select_n3A_828 : vector<16xi1>, vector<16xf32>
        %select_n3A_864 = arith.select %gt3A_862, %add3A_832, %select_n3A_829 : vector<16xi1>, vector<16xi32>
        %add3A_865 = arith.constant 1 : i32
        %add3A_866 = vector.broadcast %add3A_865 : i32 to vector<16xi32>
        %add3A_867 = arith.addi %add3A_832, %add3A_866 : vector<16xi32>
        %gather3A_868 = tpu.vector_load_idx %arg4[%add3A_839] : memref<42016xf32, #tpu.memory_space<vmem>>[vector<16xi32>], vector<16xf32>,
        %gt3A_869 = arith.cmpf ogt, %gather3A_868, %select_n3A_835 : vector<16xf32>
        %select_n3A_870 = arith.select %gt3A_869, %gather3A_868, %select_n3A_835 : vector<16xi1>, vector<16xf32>
        %select_n3A_871 = arith.select %gt3A_869, %add3A_839, %select_n3A_836 : vector<16xi1>, vector<16xi32>
        %add3A_872 = arith.constant 1 : i32
        %add3A_873 = vector.broadcast %add3A_872 : i32 to vector<16xi32>
        %add3A_874 = arith.addi %add3A_839, %add3A_873 : vector<16xi32>
        %gather3A_875 = tpu.vector_load_idx %arg4[%add3A_846] : memref<42016xf32, #tpu.memory_space<vmem>>[vector<16xi32>], vector<16xf32>,
        %gt3A_876 = arith.cmpf ogt, %gather3A_875, %select_n3A_842 : vector<16xf32>
        %select_n3A_877 = arith.select %gt3A_876, %gather3A_875, %select_n3A_842 : vector<16xi1>, vector<16xf32>
        %select_n3A_878 = arith.select %gt3A_876, %add3A_846, %select_n3A_843 : vector<16xi1>, vector<16xi32>
        %add3A_879 = arith.constant 1 : i32
        %add3A_880 = vector.broadcast %add3A_879 : i32 to vector<16xi32>
        %add3A_881 = arith.addi %add3A_846, %add3A_880 : vector<16xi32>
        %gather3A_882 = tpu.vector_load_idx %arg4[%add3A_853] : memref<42016xf32, #tpu.memory_space<vmem>>[vector<16xi32>], vector<16xf32>,
        %gt3A_883 = arith.cmpf ogt, %gather3A_882, %select_n3A_849 : vector<16xf32>
        %select_n3A_884 = arith.select %gt3A_883, %gather3A_882, %select_n3A_849 : vector<16xi1>, vector<16xf32>
        %select_n3A_885 = arith.select %gt3A_883, %add3A_853, %select_n3A_850 : vector<16xi1>, vector<16xi32>
        %add3A_886 = arith.constant 1 : i32
        %add3A_887 = vector.broadcast %add3A_886 : i32 to vector<16xi32>
        %add3A_888 = arith.addi %add3A_853, %add3A_887 : vector<16xi32>
        %gather3A_889 = tpu.vector_load_idx %arg4[%add3A_860] : memref<42016xf32, #tpu.memory_space<vmem>>[vector<16xi32>], vector<16xf32>,
        %gt3A_890 = arith.cmpf ogt, %gather3A_889, %select_n3A_856 : vector<16xf32>
        %select_n3A_891 = arith.select %gt3A_890, %gather3A_889, %select_n3A_856 : vector<16xi1>, vector<16xf32>
        %select_n3A_892 = arith.select %gt3A_890, %add3A_860, %select_n3A_857 : vector<16xi1>, vector<16xi32>
        %add3A_893 = arith.constant 1 : i32
        %add3A_894 = vector.broadcast %add3A_893 : i32 to vector<16xi32>
        %add3A_895 = arith.addi %add3A_860, %add3A_894 : vector<16xi32>
        %gather3A_896 = tpu.vector_load_idx %arg4[%add3A_867] : memref<42016xf32, #tpu.memory_space<vmem>>[vector<16xi32>], vector<16xf32>,
        %gt3A_897 = arith.cmpf ogt, %gather3A_896, %select_n3A_863 : vector<16xf32>
        %select_n3A_898 = arith.select %gt3A_897, %gather3A_896, %select_n3A_863 : vector<16xi1>, vector<16xf32>
        %select_n3A_899 = arith.select %gt3A_897, %add3A_867, %select_n3A_864 : vector<16xi1>, vector<16xi32>
        %add3A_900 = arith.constant 1 : i32
        %add3A_901 = vector.broadcast %add3A_900 : i32 to vector<16xi32>
        %add3A_902 = arith.addi %add3A_867, %add3A_901 : vector<16xi32>
        %gather3A_903 = tpu.vector_load_idx %arg4[%add3A_874] : memref<42016xf32, #tpu.memory_space<vmem>>[vector<16xi32>], vector<16xf32>,
        %gt3A_904 = arith.cmpf ogt, %gather3A_903, %select_n3A_870 : vector<16xf32>
        %select_n3A_905 = arith.select %gt3A_904, %gather3A_903, %select_n3A_870 : vector<16xi1>, vector<16xf32>
        %select_n3A_906 = arith.select %gt3A_904, %add3A_874, %select_n3A_871 : vector<16xi1>, vector<16xi32>
        %add3A_907 = arith.constant 1 : i32
        %add3A_908 = vector.broadcast %add3A_907 : i32 to vector<16xi32>
        %add3A_909 = arith.addi %add3A_874, %add3A_908 : vector<16xi32>
        %gather3A_910 = tpu.vector_load_idx %arg4[%add3A_881] : memref<42016xf32, #tpu.memory_space<vmem>>[vector<16xi32>], vector<16xf32>,
        %gt3A_911 = arith.cmpf ogt, %gather3A_910, %select_n3A_877 : vector<16xf32>
        %select_n3A_912 = arith.select %gt3A_911, %gather3A_910, %select_n3A_877 : vector<16xi1>, vector<16xf32>
        %select_n3A_913 = arith.select %gt3A_911, %add3A_881, %select_n3A_878 : vector<16xi1>, vector<16xi32>
        %add3A_914 = arith.constant 1 : i32
        %add3A_915 = vector.broadcast %add3A_914 : i32 to vector<16xi32>
        %add3A_916 = arith.addi %add3A_881, %add3A_915 : vector<16xi32>
        %gather3A_917 = tpu.vector_load_idx %arg4[%add3A_888] : memref<42016xf32, #tpu.memory_space<vmem>>[vector<16xi32>], vector<16xf32>,
        %gt3A_918 = arith.cmpf ogt, %gather3A_917, %select_n3A_884 : vector<16xf32>
        %select_n3A_919 = arith.select %gt3A_918, %gather3A_917, %select_n3A_884 : vector<16xi1>, vector<16xf32>
        %select_n3A_920 = arith.select %gt3A_918, %add3A_888, %select_n3A_885 : vector<16xi1>, vector<16xi32>
        %add3A_921 = arith.constant 1 : i32
        %add3A_922 = vector.broadcast %add3A_921 : i32 to vector<16xi32>
        %add3A_923 = arith.addi %add3A_888, %add3A_922 : vector<16xi32>
        %gather3A_924 = tpu.vector_load_idx %arg4[%add3A_895] : memref<42016xf32, #tpu.memory_space<vmem>>[vector<16xi32>], vector<16xf32>,
        %gt3A_925 = arith.cmpf ogt, %gather3A_924, %select_n3A_891 : vector<16xf32>
        %select_n3A_926 = arith.select %gt3A_925, %gather3A_924, %select_n3A_891 : vector<16xi1>, vector<16xf32>
        %select_n3A_927 = arith.select %gt3A_925, %add3A_895, %select_n3A_892 : vector<16xi1>, vector<16xi32>
        %add3A_928 = arith.constant 1 : i32
        %add3A_929 = vector.broadcast %add3A_928 : i32 to vector<16xi32>
        %add3A_930 = arith.addi %add3A_895, %add3A_929 : vector<16xi32>
        %gather3A_931 = tpu.vector_load_idx %arg4[%add3A_902] : memref<42016xf32, #tpu.memory_space<vmem>>[vector<16xi32>], vector<16xf32>,
        %gt3A_932 = arith.cmpf ogt, %gather3A_931, %select_n3A_898 : vector<16xf32>
        %select_n3A_933 = arith.select %gt3A_932, %gather3A_931, %select_n3A_898 : vector<16xi1>, vector<16xf32>
        %select_n3A_934 = arith.select %gt3A_932, %add3A_902, %select_n3A_899 : vector<16xi1>, vector<16xi32>
        %add3A_935 = arith.constant 1 : i32
        %add3A_936 = vector.broadcast %add3A_935 : i32 to vector<16xi32>
        %add3A_937 = arith.addi %add3A_902, %add3A_936 : vector<16xi32>
        %gather3A_938 = tpu.vector_load_idx %arg4[%add3A_909] : memref<42016xf32, #tpu.memory_space<vmem>>[vector<16xi32>], vector<16xf32>,
        %gt3A_939 = arith.cmpf ogt, %gather3A_938, %select_n3A_905 : vector<16xf32>
        %select_n3A_940 = arith.select %gt3A_939, %gather3A_938, %select_n3A_905 : vector<16xi1>, vector<16xf32>
        %select_n3A_941 = arith.select %gt3A_939, %add3A_909, %select_n3A_906 : vector<16xi1>, vector<16xi32>
        %add3A_942 = arith.constant 1 : i32
        %add3A_943 = vector.broadcast %add3A_942 : i32 to vector<16xi32>
        %add3A_944 = arith.addi %add3A_909, %add3A_943 : vector<16xi32>
        %gather3A_945 = tpu.vector_load_idx %arg4[%add3A_916] : memref<42016xf32, #tpu.memory_space<vmem>>[vector<16xi32>], vector<16xf32>,
        %gt3A_946 = arith.cmpf ogt, %gather3A_945, %select_n3A_912 : vector<16xf32>
        %select_n3A_947 = arith.select %gt3A_946, %gather3A_945, %select_n3A_912 : vector<16xi1>, vector<16xf32>
        %select_n3A_948 = arith.select %gt3A_946, %add3A_916, %select_n3A_913 : vector<16xi1>, vector<16xi32>
        %add3A_949 = arith.constant 1 : i32
        %add3A_950 = vector.broadcast %add3A_949 : i32 to vector<16xi32>
        %add3A_951 = arith.addi %add3A_916, %add3A_950 : vector<16xi32>
        %gather3A_952 = tpu.vector_load_idx %arg4[%add3A_923] : memref<42016xf32, #tpu.memory_space<vmem>>[vector<16xi32>], vector<16xf32>,
        %gt3A_953 = arith.cmpf ogt, %gather3A_952, %select_n3A_919 : vector<16xf32>
        %select_n3A_954 = arith.select %gt3A_953, %gather3A_952, %select_n3A_919 : vector<16xi1>, vector<16xf32>
        %select_n3A_955 = arith.select %gt3A_953, %add3A_923, %select_n3A_920 : vector<16xi1>, vector<16xi32>
        %add3A_956 = arith.constant 1 : i32
        %add3A_957 = vector.broadcast %add3A_956 : i32 to vector<16xi32>
        %add3A_958 = arith.addi %add3A_923, %add3A_957 : vector<16xi32>
        %gather3A_959 = tpu.vector_load_idx %arg4[%add3A_930] : memref<42016xf32, #tpu.memory_space<vmem>>[vector<16xi32>], vector<16xf32>,
        %gt3A_960 = arith.cmpf ogt, %gather3A_959, %select_n3A_926 : vector<16xf32>
        %select_n3A_961 = arith.select %gt3A_960, %gather3A_959, %select_n3A_926 : vector<16xi1>, vector<16xf32>
        %select_n3A_962 = arith.select %gt3A_960, %add3A_930, %select_n3A_927 : vector<16xi1>, vector<16xi32>
        %gather3A_963 = tpu.vector_load_idx %arg4[%add3A_937] : memref<42016xf32, #tpu.memory_space<vmem>>[vector<16xi32>], vector<16xf32>,
        %gt3A_964 = arith.cmpf ogt, %gather3A_963, %select_n3A_933 : vector<16xf32>
        %select_n3A_965 = arith.select %gt3A_964, %gather3A_963, %select_n3A_933 : vector<16xi1>, vector<16xf32>
        %select_n3A_966 = arith.select %gt3A_964, %add3A_937, %select_n3A_934 : vector<16xi1>, vector<16xi32>
        %gather3A_967 = tpu.vector_load_idx %arg4[%add3A_944] : memref<42016xf32, #tpu.memory_space<vmem>>[vector<16xi32>], vector<16xf32>,
        %gt3A_968 = arith.cmpf ogt, %gather3A_967, %select_n3A_940 : vector<16xf32>
        %select_n3A_969 = arith.select %gt3A_968, %gather3A_967, %select_n3A_940 : vector<16xi1>, vector<16xf32>
        %select_n3A_970 = arith.select %gt3A_968, %add3A_944, %select_n3A_941 : vector<16xi1>, vector<16xi32>
        %gather3A_971 = tpu.vector_load_idx %arg4[%add3A_951] : memref<42016xf32, #tpu.memory_space<vmem>>[vector<16xi32>], vector<16xf32>,
        %gt3A_972 = arith.cmpf ogt, %gather3A_971, %select_n3A_947 : vector<16xf32>
        %select_n3A_973 = arith.select %gt3A_972, %gather3A_971, %select_n3A_947 : vector<16xi1>, vector<16xf32>
        %select_n3A_974 = arith.select %gt3A_972, %add3A_951, %select_n3A_948 : vector<16xi1>, vector<16xi32>
        %gather3A_975 = tpu.vector_load_idx %arg4[%add3A_958] : memref<42016xf32, #tpu.memory_space<vmem>>[vector<16xi32>], vector<16xf32>,
        %gt3A_976 = arith.cmpf ogt, %gather3A_975, %select_n3A_954 : vector<16xf32>
        %select_n3A_977 = arith.select %gt3A_976, %gather3A_975, %select_n3A_954 : vector<16xi1>, vector<16xf32>
        %select_n3A_978 = arith.select %gt3A_976, %add3A_958, %select_n3A_955 : vector<16xi1>, vector<16xi32>
        %ge3A = arith.cmpf oge, %select_n3A_973, %select_n3A_977 : vector<16xf32>
        %select_n3A_979 = arith.select %ge3A, %select_n3A_973, %select_n3A_977 : vector<16xi1>, vector<16xf32>
        %select_n3A_980 = arith.select %ge3A, %select_n3A_974, %select_n3A_978 : vector<16xi1>, vector<16xi32>
        %ge3A_981 = arith.cmpf oge, %select_n3A_969, %select_n3A_979 : vector<16xf32>
        %select_n3A_982 = arith.select %ge3A_981, %select_n3A_969, %select_n3A_979 : vector<16xi1>, vector<16xf32>
        %select_n3A_983 = arith.select %ge3A_981, %select_n3A_970, %select_n3A_980 : vector<16xi1>, vector<16xi32>
        %ge3A_984 = arith.cmpf oge, %select_n3A_965, %select_n3A_982 : vector<16xf32>
        %select_n3A_985 = arith.select %ge3A_984, %select_n3A_965, %select_n3A_982 : vector<16xi1>, vector<16xf32>
        %select_n3A_986 = arith.select %ge3A_984, %select_n3A_966, %select_n3A_983 : vector<16xi1>, vector<16xi32>
        %ge3A_987 = arith.cmpf oge, %select_n3A_961, %select_n3A_985 : vector<16xf32>
        %select_n3A_988 = arith.select %ge3A_987, %select_n3A_961, %select_n3A_985 : vector<16xi1>, vector<16xf32>
        %select_n3A_989 = arith.select %ge3A_987, %select_n3A_962, %select_n3A_986 : vector<16xi1>, vector<16xi32>
        %sub3A = arith.subi %select_n3A_989, %add3A_279 : vector<16xi32>
        %convert_element_type3A_990 = arith.sitofp %sub3A : vector<16xi32> to vector<16xf32>
        %add3A_991 = arith.constant 13 : i32
        %add3A_992 = vector.broadcast %add3A_991 : i32 to vector<16xi32>
        %add3A_993 = arith.addi %add3A_46, %add3A_992 : vector<16xi32>
        %add3A_994 = vector.broadcast %scan3A_273 : i32 to vector<16xi32>
        %add3A_995 = arith.addi %add3A_993, %add3A_994 : vector<16xi32>
        tpu.vector_store_idx %arg6[%add3A_995], %convert_element_type3A_990 : memref<19968xf32, #tpu.memory_space<vmem>>[vector<16xi32>], vector<16xf32>,
      }
      %scan3A_142 = arith.constant 26 : i32
      %add3A_143 = arith.constant 2 : i32
      %add3A_144 = arith.addi %mul3A_30, %add3A_143 : i32
      %lt3A = arith.constant 32 : i32
      %lt3A_145 = arith.cmpi slt, %add3A_144, %lt3A : i32
      %convert_element_type3A = arith.extui %lt3A_145 : i1 to i32
      %cond3A = arith.constant 0 : i32
      %cond3A_146 = arith.cmpi ne, %convert_element_type3A, %cond3A : i32
      scf.if %cond3A_146 {
        %add3A_273 = arith.constant 2 : i32
        %add3A_274 = arith.addi %mul3A_30, %add3A_273 : i32
        %mul3A_275 = arith.constant 16 : i32
        %mul3A_276 = arith.muli %add3A_274, %mul3A_275 : i32
        %add3A_277 = arith.addi %mul3A_2, %mul3A_276 : i32
        %mul3A_278 = arith.constant 2626 : i32
        %mul3A_279 = arith.muli %add3A_277, %mul3A_278 : i32
        %multiple_of3A_280 = tpu.assume_multiple %mul3A_279, 8 : i32
        %dma_start3A_281 = tpu.memref_slice %arg2[%multiple_of3A_280] : memref<43024384xf32, #tpu.memory_space<hbm>> -> memref<42016xf32, #tpu.memory_space<hbm>>
        %dma_start3A_282 = tpu.memref_slice %arg2[%multiple_of3A_280] : memref<43024384xf32, #tpu.memory_space<hbm>> -> memref<42016xf32, #tpu.memory_space<hbm>>
        tpu.enqueue_dma source(%dma_start3A_282 : memref<42016xf32, #tpu.memory_space<hbm>>) target(%arg4 : memref<42016xf32, #tpu.memory_space<vmem>>) target_semaphore(%arg7 : memref<!tpu.dma_semaphore, #tpu.memory_space<semaphore_mem>>)
      } else {
      }
      %add3A_147 = arith.constant 1 : i32
      %add3A_148 = arith.addi %mul3A_30, %add3A_147 : i32
      %mul3A_149 = arith.constant 16 : i32
      %mul3A_150 = arith.muli %add3A_148, %mul3A_149 : i32
      %add3A_151 = arith.addi %mul3A_2, %mul3A_150 : i32
      %mul3A_152 = arith.constant 2626 : i32
      %mul3A_153 = arith.muli %add3A_151, %mul3A_152 : i32
      %multiple_of3A_154 = tpu.assume_multiple %mul3A_153, 8 : i32
      %dma_wait3A_155 = tpu.memref_slice %arg2[%multiple_of3A_154] : memref<43024384xf32, #tpu.memory_space<hbm>> -> memref<42016xf32, #tpu.memory_space<hbm>>
      %dma_wait3A_156 = tpu.memref_slice %arg2[%multiple_of3A_154] : memref<43024384xf32, #tpu.memory_space<hbm>> -> memref<42016xf32, #tpu.memory_space<hbm>>
      tpu.wait_dma2 semaphore(%arg8 : memref<!tpu.dma_semaphore, #tpu.memory_space<semaphore_mem>>) src(%dma_wait3A_156 : memref<42016xf32, #tpu.memory_space<hbm>>) dst(%arg5 : memref<42016xf32, #tpu.memory_space<vmem>>)
      %add3A_157 = arith.constant 1 : i32
      %add3A_158 = arith.addi %mul3A_30, %add3A_157 : i32
      %mul3A_159 = arith.constant 16 : i32
      %mul3A_160 = arith.muli %add3A_158, %mul3A_159 : i32
      %mul3A_161 = arith.constant 39 : i32
      %mul3A_162 = arith.muli %mul3A_160, %mul3A_161 : i32
      %mul3A_163 = arith.constant 39 : i32
      %mul3A_164 = vector.broadcast %mul3A_163 : i32 to vector<16xi32>
      %mul3A_165 = arith.muli %iota3A, %mul3A_164 : vector<16xi32>
      %add3A_166 = vector.broadcast %mul3A_162 : i32 to vector<16xi32>
      %add3A_167 = arith.addi %add3A_166, %mul3A_165 : vector<16xi32>
      %add3A_168 = arith.constant 0 : i32
      %add3A_169 = vector.broadcast %add3A_168 : i32 to vector<16xi32>
      %add3A_170 = arith.addi %mul3A_5, %add3A_169 : vector<16xi32>
      %gather3A_171 = tpu.vector_load_idx %arg5[%add3A_170] : memref<42016xf32, #tpu.memory_space<vmem>>[vector<16xi32>], vector<16xf32>,
      %add3A_172 = arith.constant 0 : i32
      %add3A_173 = vector.broadcast %add3A_172 : i32 to vector<16xi32>
      %add3A_174 = arith.addi %add3A_167, %add3A_173 : vector<16xi32>
      tpu.vector_store_idx %arg6[%add3A_174], %gather3A_171 : memref<19968xf32, #tpu.memory_space<vmem>>[vector<16xi32>], vector<16xf32>,
      %add3A_175 = arith.constant 2 : i32
      %add3A_176 = vector.broadcast %add3A_175 : i32 to vector<16xi32>
      %add3A_177 = arith.addi %mul3A_5, %add3A_176 : vector<16xi32>
      %gather3A_178 = tpu.vector_load_idx %arg5[%add3A_177] : memref<42016xf32, #tpu.memory_space<vmem>>[vector<16xi32>], vector<16xf32>,
      %add3A_179 = arith.constant 1 : i32
      %add3A_180 = vector.broadcast %add3A_179 : i32 to vector<16xi32>
      %add3A_181 = arith.addi %add3A_167, %add3A_180 : vector<16xi32>
      tpu.vector_store_idx %arg6[%add3A_181], %gather3A_178 : memref<19968xf32, #tpu.memory_space<vmem>>[vector<16xi32>], vector<16xf32>,
      %add3A_182 = arith.constant 4 : i32
      %add3A_183 = vector.broadcast %add3A_182 : i32 to vector<16xi32>
      %add3A_184 = arith.addi %mul3A_5, %add3A_183 : vector<16xi32>
      %gather3A_185 = tpu.vector_load_idx %arg5[%add3A_184] : memref<42016xf32, #tpu.memory_space<vmem>>[vector<16xi32>], vector<16xf32>,
      %add3A_186 = arith.constant 2 : i32
      %add3A_187 = vector.broadcast %add3A_186 : i32 to vector<16xi32>
      %add3A_188 = arith.addi %add3A_167, %add3A_187 : vector<16xi32>
      tpu.vector_store_idx %arg6[%add3A_188], %gather3A_185 : memref<19968xf32, #tpu.memory_space<vmem>>[vector<16xi32>], vector<16xf32>,
      %add3A_189 = arith.constant 6 : i32
      %add3A_190 = vector.broadcast %add3A_189 : i32 to vector<16xi32>
      %add3A_191 = arith.addi %mul3A_5, %add3A_190 : vector<16xi32>
      %gather3A_192 = tpu.vector_load_idx %arg5[%add3A_191] : memref<42016xf32, #tpu.memory_space<vmem>>[vector<16xi32>], vector<16xf32>,
      %add3A_193 = arith.constant 3 : i32
      %add3A_194 = vector.broadcast %add3A_193 : i32 to vector<16xi32>
      %add3A_195 = arith.addi %add3A_167, %add3A_194 : vector<16xi32>
      tpu.vector_store_idx %arg6[%add3A_195], %gather3A_192 : memref<19968xf32, #tpu.memory_space<vmem>>[vector<16xi32>], vector<16xf32>,
      %add3A_196 = arith.constant 8 : i32
      %add3A_197 = vector.broadcast %add3A_196 : i32 to vector<16xi32>
      %add3A_198 = arith.addi %mul3A_5, %add3A_197 : vector<16xi32>
      %gather3A_199 = tpu.vector_load_idx %arg5[%add3A_198] : memref<42016xf32, #tpu.memory_space<vmem>>[vector<16xi32>], vector<16xf32>,
      %add3A_200 = arith.constant 4 : i32
      %add3A_201 = vector.broadcast %add3A_200 : i32 to vector<16xi32>
      %add3A_202 = arith.addi %add3A_167, %add3A_201 : vector<16xi32>
      tpu.vector_store_idx %arg6[%add3A_202], %gather3A_199 : memref<19968xf32, #tpu.memory_space<vmem>>[vector<16xi32>], vector<16xf32>,
      %add3A_203 = arith.constant 10 : i32
      %add3A_204 = vector.broadcast %add3A_203 : i32 to vector<16xi32>
      %add3A_205 = arith.addi %mul3A_5, %add3A_204 : vector<16xi32>
      %gather3A_206 = tpu.vector_load_idx %arg5[%add3A_205] : memref<42016xf32, #tpu.memory_space<vmem>>[vector<16xi32>], vector<16xf32>,
      %add3A_207 = arith.constant 5 : i32
      %add3A_208 = vector.broadcast %add3A_207 : i32 to vector<16xi32>
      %add3A_209 = arith.addi %add3A_167, %add3A_208 : vector<16xi32>
      tpu.vector_store_idx %arg6[%add3A_209], %gather3A_206 : memref<19968xf32, #tpu.memory_space<vmem>>[vector<16xi32>], vector<16xf32>,
      %add3A_210 = arith.constant 12 : i32
      %add3A_211 = vector.broadcast %add3A_210 : i32 to vector<16xi32>
      %add3A_212 = arith.addi %mul3A_5, %add3A_211 : vector<16xi32>
      %gather3A_213 = tpu.vector_load_idx %arg5[%add3A_212] : memref<42016xf32, #tpu.memory_space<vmem>>[vector<16xi32>], vector<16xf32>,
      %add3A_214 = arith.constant 6 : i32
      %add3A_215 = vector.broadcast %add3A_214 : i32 to vector<16xi32>
      %add3A_216 = arith.addi %add3A_167, %add3A_215 : vector<16xi32>
      tpu.vector_store_idx %arg6[%add3A_216], %gather3A_213 : memref<19968xf32, #tpu.memory_space<vmem>>[vector<16xi32>], vector<16xf32>,
      %add3A_217 = arith.constant 14 : i32
      %add3A_218 = vector.broadcast %add3A_217 : i32 to vector<16xi32>
      %add3A_219 = arith.addi %mul3A_5, %add3A_218 : vector<16xi32>
      %gather3A_220 = tpu.vector_load_idx %arg5[%add3A_219] : memref<42016xf32, #tpu.memory_space<vmem>>[vector<16xi32>], vector<16xf32>,
      %add3A_221 = arith.constant 7 : i32
      %add3A_222 = vector.broadcast %add3A_221 : i32 to vector<16xi32>
      %add3A_223 = arith.addi %add3A_167, %add3A_222 : vector<16xi32>
      tpu.vector_store_idx %arg6[%add3A_223], %gather3A_220 : memref<19968xf32, #tpu.memory_space<vmem>>[vector<16xi32>], vector<16xf32>,
      %add3A_224 = arith.constant 16 : i32
      %add3A_225 = vector.broadcast %add3A_224 : i32 to vector<16xi32>
      %add3A_226 = arith.addi %mul3A_5, %add3A_225 : vector<16xi32>
      %gather3A_227 = tpu.vector_load_idx %arg5[%add3A_226] : memref<42016xf32, #tpu.memory_space<vmem>>[vector<16xi32>], vector<16xf32>,
      %add3A_228 = arith.constant 8 : i32
      %add3A_229 = vector.broadcast %add3A_228 : i32 to vector<16xi32>
      %add3A_230 = arith.addi %add3A_167, %add3A_229 : vector<16xi32>
      tpu.vector_store_idx %arg6[%add3A_230], %gather3A_227 : memref<19968xf32, #tpu.memory_space<vmem>>[vector<16xi32>], vector<16xf32>,
      %add3A_231 = arith.constant 18 : i32
      %add3A_232 = vector.broadcast %add3A_231 : i32 to vector<16xi32>
      %add3A_233 = arith.addi %mul3A_5, %add3A_232 : vector<16xi32>
      %gather3A_234 = tpu.vector_load_idx %arg5[%add3A_233] : memref<42016xf32, #tpu.memory_space<vmem>>[vector<16xi32>], vector<16xf32>,
      %add3A_235 = arith.constant 9 : i32
      %add3A_236 = vector.broadcast %add3A_235 : i32 to vector<16xi32>
      %add3A_237 = arith.addi %add3A_167, %add3A_236 : vector<16xi32>
      tpu.vector_store_idx %arg6[%add3A_237], %gather3A_234 : memref<19968xf32, #tpu.memory_space<vmem>>[vector<16xi32>], vector<16xf32>,
      %add3A_238 = arith.constant 20 : i32
      %add3A_239 = vector.broadcast %add3A_238 : i32 to vector<16xi32>
      %add3A_240 = arith.addi %mul3A_5, %add3A_239 : vector<16xi32>
      %gather3A_241 = tpu.vector_load_idx %arg5[%add3A_240] : memref<42016xf32, #tpu.memory_space<vmem>>[vector<16xi32>], vector<16xf32>,
      %add3A_242 = arith.constant 10 : i32
      %add3A_243 = vector.broadcast %add3A_242 : i32 to vector<16xi32>
      %add3A_244 = arith.addi %add3A_167, %add3A_243 : vector<16xi32>
      tpu.vector_store_idx %arg6[%add3A_244], %gather3A_241 : memref<19968xf32, #tpu.memory_space<vmem>>[vector<16xi32>], vector<16xf32>,
      %add3A_245 = arith.constant 22 : i32
      %add3A_246 = vector.broadcast %add3A_245 : i32 to vector<16xi32>
      %add3A_247 = arith.addi %mul3A_5, %add3A_246 : vector<16xi32>
      %gather3A_248 = tpu.vector_load_idx %arg5[%add3A_247] : memref<42016xf32, #tpu.memory_space<vmem>>[vector<16xi32>], vector<16xf32>,
      %add3A_249 = arith.constant 11 : i32
      %add3A_250 = vector.broadcast %add3A_249 : i32 to vector<16xi32>
      %add3A_251 = arith.addi %add3A_167, %add3A_250 : vector<16xi32>
      tpu.vector_store_idx %arg6[%add3A_251], %gather3A_248 : memref<19968xf32, #tpu.memory_space<vmem>>[vector<16xi32>], vector<16xf32>,
      %add3A_252 = arith.constant 24 : i32
      %add3A_253 = vector.broadcast %add3A_252 : i32 to vector<16xi32>
      %add3A_254 = arith.addi %mul3A_5, %add3A_253 : vector<16xi32>
      %gather3A_255 = tpu.vector_load_idx %arg5[%add3A_254] : memref<42016xf32, #tpu.memory_space<vmem>>[vector<16xi32>], vector<16xf32>,
      %add3A_256 = arith.constant 12 : i32
      %add3A_257 = vector.broadcast %add3A_256 : i32 to vector<16xi32>
      %add3A_258 = arith.addi %add3A_167, %add3A_257 : vector<16xi32>
      tpu.vector_store_idx %arg6[%add3A_258], %gather3A_255 : memref<19968xf32, #tpu.memory_space<vmem>>[vector<16xi32>], vector<16xf32>,
      %scan3A_259 = arith.constant 0 : i32
      %scan3A_260 = arith.constant 0 : i32
      %scan3A_261 = arith.constant 26 : i32
      %scan3A_262 = arith.addi %scan3A_260, %scan3A_261 : i32
      %scan3A_263 = arith.constant 1 : i32
      scf.for %scan3A_273 = %scan3A_260 to %scan3A_262 step %scan3A_263  : i32 {
        %mul3A_274 = arith.constant 100 : i32
        %mul3A_275 = arith.muli %scan3A_273, %mul3A_274 : i32
        %add3A_276 = arith.constant 26 : i32
        %add3A_277 = arith.addi %add3A_276, %mul3A_275 : i32
        %add3A_278 = vector.broadcast %add3A_277 : i32 to vector<16xi32>
        %add3A_279 = arith.addi %mul3A_5, %add3A_278 : vector<16xi32>
        %broadcast_in_dim3A = arith.constant 0xFF800000 : f32
        %broadcast_in_dim3A_280 = vector.broadcast %broadcast_in_dim3A : f32 to vector<16xf32>
        %add3A_281 = arith.constant 0 : i32
        %add3A_282 = vector.broadcast %add3A_281 : i32 to vector<16xi32>
        %add3A_283 = arith.addi %add3A_279, %add3A_282 : vector<16xi32>
        %add3A_284 = arith.constant 20 : i32
        %add3A_285 = vector.broadcast %add3A_284 : i32 to vector<16xi32>
        %add3A_286 = arith.addi %add3A_279, %add3A_285 : vector<16xi32>
        %add3A_287 = arith.constant 40 : i32
        %add3A_288 = vector.broadcast %add3A_287 : i32 to vector<16xi32>
        %add3A_289 = arith.addi %add3A_279, %add3A_288 : vector<16xi32>
        %add3A_290 = arith.constant 60 : i32
        %add3A_291 = vector.broadcast %add3A_290 : i32 to vector<16xi32>
        %add3A_292 = arith.addi %add3A_279, %add3A_291 : vector<16xi32>
        %add3A_293 = arith.constant 80 : i32
        %add3A_294 = vector.broadcast %add3A_293 : i32 to vector<16xi32>
        %add3A_295 = arith.addi %add3A_279, %add3A_294 : vector<16xi32>
        %gather3A_296 = tpu.vector_load_idx %arg5[%add3A_283] : memref<42016xf32, #tpu.memory_space<vmem>>[vector<16xi32>], vector<16xf32>,
        %gt3A = arith.cmpf ogt, %gather3A_296, %broadcast_in_dim3A_280 : vector<16xf32>
        %select_n3A = arith.select %gt3A, %gather3A_296, %broadcast_in_dim3A_280 : vector<16xi1>, vector<16xf32>
        %select_n3A_297 = arith.select %gt3A, %add3A_283, %add3A_283 : vector<16xi1>, vector<16xi32>
        %add3A_298 = arith.constant 1 : i32
        %add3A_299 = vector.broadcast %add3A_298 : i32 to vector<16xi32>
        %add3A_300 = arith.addi %add3A_283, %add3A_299 : vector<16xi32>
        %gather3A_301 = tpu.vector_load_idx %arg5[%add3A_286] : memref<42016xf32, #tpu.memory_space<vmem>>[vector<16xi32>], vector<16xf32>,
        %gt3A_302 = arith.cmpf ogt, %gather3A_301, %broadcast_in_dim3A_280 : vector<16xf32>
        %select_n3A_303 = arith.select %gt3A_302, %gather3A_301, %broadcast_in_dim3A_280 : vector<16xi1>, vector<16xf32>
        %select_n3A_304 = arith.select %gt3A_302, %add3A_286, %add3A_286 : vector<16xi1>, vector<16xi32>
        %add3A_305 = arith.constant 1 : i32
        %add3A_306 = vector.broadcast %add3A_305 : i32 to vector<16xi32>
        %add3A_307 = arith.addi %add3A_286, %add3A_306 : vector<16xi32>
        %gather3A_308 = tpu.vector_load_idx %arg5[%add3A_289] : memref<42016xf32, #tpu.memory_space<vmem>>[vector<16xi32>], vector<16xf32>,
        %gt3A_309 = arith.cmpf ogt, %gather3A_308, %broadcast_in_dim3A_280 : vector<16xf32>
        %select_n3A_310 = arith.select %gt3A_309, %gather3A_308, %broadcast_in_dim3A_280 : vector<16xi1>, vector<16xf32>
        %select_n3A_311 = arith.select %gt3A_309, %add3A_289, %add3A_289 : vector<16xi1>, vector<16xi32>
        %add3A_312 = arith.constant 1 : i32
        %add3A_313 = vector.broadcast %add3A_312 : i32 to vector<16xi32>
        %add3A_314 = arith.addi %add3A_289, %add3A_313 : vector<16xi32>
        %gather3A_315 = tpu.vector_load_idx %arg5[%add3A_292] : memref<42016xf32, #tpu.memory_space<vmem>>[vector<16xi32>], vector<16xf32>,
        %gt3A_316 = arith.cmpf ogt, %gather3A_315, %broadcast_in_dim3A_280 : vector<16xf32>
        %select_n3A_317 = arith.select %gt3A_316, %gather3A_315, %broadcast_in_dim3A_280 : vector<16xi1>, vector<16xf32>
        %select_n3A_318 = arith.select %gt3A_316, %add3A_292, %add3A_292 : vector<16xi1>, vector<16xi32>
        %add3A_319 = arith.constant 1 : i32
        %add3A_320 = vector.broadcast %add3A_319 : i32 to vector<16xi32>
        %add3A_321 = arith.addi %add3A_292, %add3A_320 : vector<16xi32>
        %gather3A_322 = tpu.vector_load_idx %arg5[%add3A_295] : memref<42016xf32, #tpu.memory_space<vmem>>[vector<16xi32>], vector<16xf32>,
        %gt3A_323 = arith.cmpf ogt, %gather3A_322, %broadcast_in_dim3A_280 : vector<16xf32>
        %select_n3A_324 = arith.select %gt3A_323, %gather3A_322, %broadcast_in_dim3A_280 : vector<16xi1>, vector<16xf32>
        %select_n3A_325 = arith.select %gt3A_323, %add3A_295, %add3A_295 : vector<16xi1>, vector<16xi32>
        %add3A_326 = arith.constant 1 : i32
        %add3A_327 = vector.broadcast %add3A_326 : i32 to vector<16xi32>
        %add3A_328 = arith.addi %add3A_295, %add3A_327 : vector<16xi32>
        %gather3A_329 = tpu.vector_load_idx %arg5[%add3A_300] : memref<42016xf32, #tpu.memory_space<vmem>>[vector<16xi32>], vector<16xf32>,
        %gt3A_330 = arith.cmpf ogt, %gather3A_329, %select_n3A : vector<16xf32>
        %select_n3A_331 = arith.select %gt3A_330, %gather3A_329, %select_n3A : vector<16xi1>, vector<16xf32>
        %select_n3A_332 = arith.select %gt3A_330, %add3A_300, %select_n3A_297 : vector<16xi1>, vector<16xi32>
        %add3A_333 = arith.constant 1 : i32
        %add3A_334 = vector.broadcast %add3A_333 : i32 to vector<16xi32>
        %add3A_335 = arith.addi %add3A_300, %add3A_334 : vector<16xi32>
        %gather3A_336 = tpu.vector_load_idx %arg5[%add3A_307] : memref<42016xf32, #tpu.memory_space<vmem>>[vector<16xi32>], vector<16xf32>,
        %gt3A_337 = arith.cmpf ogt, %gather3A_336, %select_n3A_303 : vector<16xf32>
        %select_n3A_338 = arith.select %gt3A_337, %gather3A_336, %select_n3A_303 : vector<16xi1>, vector<16xf32>
        %select_n3A_339 = arith.select %gt3A_337, %add3A_307, %select_n3A_304 : vector<16xi1>, vector<16xi32>
        %add3A_340 = arith.constant 1 : i32
        %add3A_341 = vector.broadcast %add3A_340 : i32 to vector<16xi32>
        %add3A_342 = arith.addi %add3A_307, %add3A_341 : vector<16xi32>
        %gather3A_343 = tpu.vector_load_idx %arg5[%add3A_314] : memref<42016xf32, #tpu.memory_space<vmem>>[vector<16xi32>], vector<16xf32>,
        %gt3A_344 = arith.cmpf ogt, %gather3A_343, %select_n3A_310 : vector<16xf32>
        %select_n3A_345 = arith.select %gt3A_344, %gather3A_343, %select_n3A_310 : vector<16xi1>, vector<16xf32>
        %select_n3A_346 = arith.select %gt3A_344, %add3A_314, %select_n3A_311 : vector<16xi1>, vector<16xi32>
        %add3A_347 = arith.constant 1 : i32
        %add3A_348 = vector.broadcast %add3A_347 : i32 to vector<16xi32>
        %add3A_349 = arith.addi %add3A_314, %add3A_348 : vector<16xi32>
        %gather3A_350 = tpu.vector_load_idx %arg5[%add3A_321] : memref<42016xf32, #tpu.memory_space<vmem>>[vector<16xi32>], vector<16xf32>,
        %gt3A_351 = arith.cmpf ogt, %gather3A_350, %select_n3A_317 : vector<16xf32>
        %select_n3A_352 = arith.select %gt3A_351, %gather3A_350, %select_n3A_317 : vector<16xi1>, vector<16xf32>
        %select_n3A_353 = arith.select %gt3A_351, %add3A_321, %select_n3A_318 : vector<16xi1>, vector<16xi32>
        %add3A_354 = arith.constant 1 : i32
        %add3A_355 = vector.broadcast %add3A_354 : i32 to vector<16xi32>
        %add3A_356 = arith.addi %add3A_321, %add3A_355 : vector<16xi32>
        %gather3A_357 = tpu.vector_load_idx %arg5[%add3A_328] : memref<42016xf32, #tpu.memory_space<vmem>>[vector<16xi32>], vector<16xf32>,
        %gt3A_358 = arith.cmpf ogt, %gather3A_357, %select_n3A_324 : vector<16xf32>
        %select_n3A_359 = arith.select %gt3A_358, %gather3A_357, %select_n3A_324 : vector<16xi1>, vector<16xf32>
        %select_n3A_360 = arith.select %gt3A_358, %add3A_328, %select_n3A_325 : vector<16xi1>, vector<16xi32>
        %add3A_361 = arith.constant 1 : i32
        %add3A_362 = vector.broadcast %add3A_361 : i32 to vector<16xi32>
        %add3A_363 = arith.addi %add3A_328, %add3A_362 : vector<16xi32>
        %gather3A_364 = tpu.vector_load_idx %arg5[%add3A_335] : memref<42016xf32, #tpu.memory_space<vmem>>[vector<16xi32>], vector<16xf32>,
        %gt3A_365 = arith.cmpf ogt, %gather3A_364, %select_n3A_331 : vector<16xf32>
        %select_n3A_366 = arith.select %gt3A_365, %gather3A_364, %select_n3A_331 : vector<16xi1>, vector<16xf32>
        %select_n3A_367 = arith.select %gt3A_365, %add3A_335, %select_n3A_332 : vector<16xi1>, vector<16xi32>
        %add3A_368 = arith.constant 1 : i32
        %add3A_369 = vector.broadcast %add3A_368 : i32 to vector<16xi32>
        %add3A_370 = arith.addi %add3A_335, %add3A_369 : vector<16xi32>
        %gather3A_371 = tpu.vector_load_idx %arg5[%add3A_342] : memref<42016xf32, #tpu.memory_space<vmem>>[vector<16xi32>], vector<16xf32>,
        %gt3A_372 = arith.cmpf ogt, %gather3A_371, %select_n3A_338 : vector<16xf32>
        %select_n3A_373 = arith.select %gt3A_372, %gather3A_371, %select_n3A_338 : vector<16xi1>, vector<16xf32>
        %select_n3A_374 = arith.select %gt3A_372, %add3A_342, %select_n3A_339 : vector<16xi1>, vector<16xi32>
        %add3A_375 = arith.constant 1 : i32
        %add3A_376 = vector.broadcast %add3A_375 : i32 to vector<16xi32>
        %add3A_377 = arith.addi %add3A_342, %add3A_376 : vector<16xi32>
        %gather3A_378 = tpu.vector_load_idx %arg5[%add3A_349] : memref<42016xf32, #tpu.memory_space<vmem>>[vector<16xi32>], vector<16xf32>,
        %gt3A_379 = arith.cmpf ogt, %gather3A_378, %select_n3A_345 : vector<16xf32>
        %select_n3A_380 = arith.select %gt3A_379, %gather3A_378, %select_n3A_345 : vector<16xi1>, vector<16xf32>
        %select_n3A_381 = arith.select %gt3A_379, %add3A_349, %select_n3A_346 : vector<16xi1>, vector<16xi32>
        %add3A_382 = arith.constant 1 : i32
        %add3A_383 = vector.broadcast %add3A_382 : i32 to vector<16xi32>
        %add3A_384 = arith.addi %add3A_349, %add3A_383 : vector<16xi32>
        %gather3A_385 = tpu.vector_load_idx %arg5[%add3A_356] : memref<42016xf32, #tpu.memory_space<vmem>>[vector<16xi32>], vector<16xf32>,
        %gt3A_386 = arith.cmpf ogt, %gather3A_385, %select_n3A_352 : vector<16xf32>
        %select_n3A_387 = arith.select %gt3A_386, %gather3A_385, %select_n3A_352 : vector<16xi1>, vector<16xf32>
        %select_n3A_388 = arith.select %gt3A_386, %add3A_356, %select_n3A_353 : vector<16xi1>, vector<16xi32>
        %add3A_389 = arith.constant 1 : i32
        %add3A_390 = vector.broadcast %add3A_389 : i32 to vector<16xi32>
        %add3A_391 = arith.addi %add3A_356, %add3A_390 : vector<16xi32>
        %gather3A_392 = tpu.vector_load_idx %arg5[%add3A_363] : memref<42016xf32, #tpu.memory_space<vmem>>[vector<16xi32>], vector<16xf32>,
        %gt3A_393 = arith.cmpf ogt, %gather3A_392, %select_n3A_359 : vector<16xf32>
        %select_n3A_394 = arith.select %gt3A_393, %gather3A_392, %select_n3A_359 : vector<16xi1>, vector<16xf32>
        %select_n3A_395 = arith.select %gt3A_393, %add3A_363, %select_n3A_360 : vector<16xi1>, vector<16xi32>
        %add3A_396 = arith.constant 1 : i32
        %add3A_397 = vector.broadcast %add3A_396 : i32 to vector<16xi32>
        %add3A_398 = arith.addi %add3A_363, %add3A_397 : vector<16xi32>
        %gather3A_399 = tpu.vector_load_idx %arg5[%add3A_370] : memref<42016xf32, #tpu.memory_space<vmem>>[vector<16xi32>], vector<16xf32>,
        %gt3A_400 = arith.cmpf ogt, %gather3A_399, %select_n3A_366 : vector<16xf32>
        %select_n3A_401 = arith.select %gt3A_400, %gather3A_399, %select_n3A_366 : vector<16xi1>, vector<16xf32>
        %select_n3A_402 = arith.select %gt3A_400, %add3A_370, %select_n3A_367 : vector<16xi1>, vector<16xi32>
        %add3A_403 = arith.constant 1 : i32
        %add3A_404 = vector.broadcast %add3A_403 : i32 to vector<16xi32>
        %add3A_405 = arith.addi %add3A_370, %add3A_404 : vector<16xi32>
        %gather3A_406 = tpu.vector_load_idx %arg5[%add3A_377] : memref<42016xf32, #tpu.memory_space<vmem>>[vector<16xi32>], vector<16xf32>,
        %gt3A_407 = arith.cmpf ogt, %gather3A_406, %select_n3A_373 : vector<16xf32>
        %select_n3A_408 = arith.select %gt3A_407, %gather3A_406, %select_n3A_373 : vector<16xi1>, vector<16xf32>
        %select_n3A_409 = arith.select %gt3A_407, %add3A_377, %select_n3A_374 : vector<16xi1>, vector<16xi32>
        %add3A_410 = arith.constant 1 : i32
        %add3A_411 = vector.broadcast %add3A_410 : i32 to vector<16xi32>
        %add3A_412 = arith.addi %add3A_377, %add3A_411 : vector<16xi32>
        %gather3A_413 = tpu.vector_load_idx %arg5[%add3A_384] : memref<42016xf32, #tpu.memory_space<vmem>>[vector<16xi32>], vector<16xf32>,
        %gt3A_414 = arith.cmpf ogt, %gather3A_413, %select_n3A_380 : vector<16xf32>
        %select_n3A_415 = arith.select %gt3A_414, %gather3A_413, %select_n3A_380 : vector<16xi1>, vector<16xf32>
        %select_n3A_416 = arith.select %gt3A_414, %add3A_384, %select_n3A_381 : vector<16xi1>, vector<16xi32>
        %add3A_417 = arith.constant 1 : i32
        %add3A_418 = vector.broadcast %add3A_417 : i32 to vector<16xi32>
        %add3A_419 = arith.addi %add3A_384, %add3A_418 : vector<16xi32>
        %gather3A_420 = tpu.vector_load_idx %arg5[%add3A_391] : memref<42016xf32, #tpu.memory_space<vmem>>[vector<16xi32>], vector<16xf32>,
        %gt3A_421 = arith.cmpf ogt, %gather3A_420, %select_n3A_387 : vector<16xf32>
        %select_n3A_422 = arith.select %gt3A_421, %gather3A_420, %select_n3A_387 : vector<16xi1>, vector<16xf32>
        %select_n3A_423 = arith.select %gt3A_421, %add3A_391, %select_n3A_388 : vector<16xi1>, vector<16xi32>
        %add3A_424 = arith.constant 1 : i32
        %add3A_425 = vector.broadcast %add3A_424 : i32 to vector<16xi32>
        %add3A_426 = arith.addi %add3A_391, %add3A_425 : vector<16xi32>
        %gather3A_427 = tpu.vector_load_idx %arg5[%add3A_398] : memref<42016xf32, #tpu.memory_space<vmem>>[vector<16xi32>], vector<16xf32>,
        %gt3A_428 = arith.cmpf ogt, %gather3A_427, %select_n3A_394 : vector<16xf32>
        %select_n3A_429 = arith.select %gt3A_428, %gather3A_427, %select_n3A_394 : vector<16xi1>, vector<16xf32>
        %select_n3A_430 = arith.select %gt3A_428, %add3A_398, %select_n3A_395 : vector<16xi1>, vector<16xi32>
        %add3A_431 = arith.constant 1 : i32
        %add3A_432 = vector.broadcast %add3A_431 : i32 to vector<16xi32>
        %add3A_433 = arith.addi %add3A_398, %add3A_432 : vector<16xi32>
        %gather3A_434 = tpu.vector_load_idx %arg5[%add3A_405] : memref<42016xf32, #tpu.memory_space<vmem>>[vector<16xi32>], vector<16xf32>,
        %gt3A_435 = arith.cmpf ogt, %gather3A_434, %select_n3A_401 : vector<16xf32>
        %select_n3A_436 = arith.select %gt3A_435, %gather3A_434, %select_n3A_401 : vector<16xi1>, vector<16xf32>
        %select_n3A_437 = arith.select %gt3A_435, %add3A_405, %select_n3A_402 : vector<16xi1>, vector<16xi32>
        %add3A_438 = arith.constant 1 : i32
        %add3A_439 = vector.broadcast %add3A_438 : i32 to vector<16xi32>
        %add3A_440 = arith.addi %add3A_405, %add3A_439 : vector<16xi32>
        %gather3A_441 = tpu.vector_load_idx %arg5[%add3A_412] : memref<42016xf32, #tpu.memory_space<vmem>>[vector<16xi32>], vector<16xf32>,
        %gt3A_442 = arith.cmpf ogt, %gather3A_441, %select_n3A_408 : vector<16xf32>
        %select_n3A_443 = arith.select %gt3A_442, %gather3A_441, %select_n3A_408 : vector<16xi1>, vector<16xf32>
        %select_n3A_444 = arith.select %gt3A_442, %add3A_412, %select_n3A_409 : vector<16xi1>, vector<16xi32>
        %add3A_445 = arith.constant 1 : i32
        %add3A_446 = vector.broadcast %add3A_445 : i32 to vector<16xi32>
        %add3A_447 = arith.addi %add3A_412, %add3A_446 : vector<16xi32>
        %gather3A_448 = tpu.vector_load_idx %arg5[%add3A_419] : memref<42016xf32, #tpu.memory_space<vmem>>[vector<16xi32>], vector<16xf32>,
        %gt3A_449 = arith.cmpf ogt, %gather3A_448, %select_n3A_415 : vector<16xf32>
        %select_n3A_450 = arith.select %gt3A_449, %gather3A_448, %select_n3A_415 : vector<16xi1>, vector<16xf32>
        %select_n3A_451 = arith.select %gt3A_449, %add3A_419, %select_n3A_416 : vector<16xi1>, vector<16xi32>
        %add3A_452 = arith.constant 1 : i32
        %add3A_453 = vector.broadcast %add3A_452 : i32 to vector<16xi32>
        %add3A_454 = arith.addi %add3A_419, %add3A_453 : vector<16xi32>
        %gather3A_455 = tpu.vector_load_idx %arg5[%add3A_426] : memref<42016xf32, #tpu.memory_space<vmem>>[vector<16xi32>], vector<16xf32>,
        %gt3A_456 = arith.cmpf ogt, %gather3A_455, %select_n3A_422 : vector<16xf32>
        %select_n3A_457 = arith.select %gt3A_456, %gather3A_455, %select_n3A_422 : vector<16xi1>, vector<16xf32>
        %select_n3A_458 = arith.select %gt3A_456, %add3A_426, %select_n3A_423 : vector<16xi1>, vector<16xi32>
        %add3A_459 = arith.constant 1 : i32
        %add3A_460 = vector.broadcast %add3A_459 : i32 to vector<16xi32>
        %add3A_461 = arith.addi %add3A_426, %add3A_460 : vector<16xi32>
        %gather3A_462 = tpu.vector_load_idx %arg5[%add3A_433] : memref<42016xf32, #tpu.memory_space<vmem>>[vector<16xi32>], vector<16xf32>,
        %gt3A_463 = arith.cmpf ogt, %gather3A_462, %select_n3A_429 : vector<16xf32>
        %select_n3A_464 = arith.select %gt3A_463, %gather3A_462, %select_n3A_429 : vector<16xi1>, vector<16xf32>
        %select_n3A_465 = arith.select %gt3A_463, %add3A_433, %select_n3A_430 : vector<16xi1>, vector<16xi32>
        %add3A_466 = arith.constant 1 : i32
        %add3A_467 = vector.broadcast %add3A_466 : i32 to vector<16xi32>
        %add3A_468 = arith.addi %add3A_433, %add3A_467 : vector<16xi32>
        %gather3A_469 = tpu.vector_load_idx %arg5[%add3A_440] : memref<42016xf32, #tpu.memory_space<vmem>>[vector<16xi32>], vector<16xf32>,
        %gt3A_470 = arith.cmpf ogt, %gather3A_469, %select_n3A_436 : vector<16xf32>
        %select_n3A_471 = arith.select %gt3A_470, %gather3A_469, %select_n3A_436 : vector<16xi1>, vector<16xf32>
        %select_n3A_472 = arith.select %gt3A_470, %add3A_440, %select_n3A_437 : vector<16xi1>, vector<16xi32>
        %add3A_473 = arith.constant 1 : i32
        %add3A_474 = vector.broadcast %add3A_473 : i32 to vector<16xi32>
        %add3A_475 = arith.addi %add3A_440, %add3A_474 : vector<16xi32>
        %gather3A_476 = tpu.vector_load_idx %arg5[%add3A_447] : memref<42016xf32, #tpu.memory_space<vmem>>[vector<16xi32>], vector<16xf32>,
        %gt3A_477 = arith.cmpf ogt, %gather3A_476, %select_n3A_443 : vector<16xf32>
        %select_n3A_478 = arith.select %gt3A_477, %gather3A_476, %select_n3A_443 : vector<16xi1>, vector<16xf32>
        %select_n3A_479 = arith.select %gt3A_477, %add3A_447, %select_n3A_444 : vector<16xi1>, vector<16xi32>
        %add3A_480 = arith.constant 1 : i32
        %add3A_481 = vector.broadcast %add3A_480 : i32 to vector<16xi32>
        %add3A_482 = arith.addi %add3A_447, %add3A_481 : vector<16xi32>
        %gather3A_483 = tpu.vector_load_idx %arg5[%add3A_454] : memref<42016xf32, #tpu.memory_space<vmem>>[vector<16xi32>], vector<16xf32>,
        %gt3A_484 = arith.cmpf ogt, %gather3A_483, %select_n3A_450 : vector<16xf32>
        %select_n3A_485 = arith.select %gt3A_484, %gather3A_483, %select_n3A_450 : vector<16xi1>, vector<16xf32>
        %select_n3A_486 = arith.select %gt3A_484, %add3A_454, %select_n3A_451 : vector<16xi1>, vector<16xi32>
        %add3A_487 = arith.constant 1 : i32
        %add3A_488 = vector.broadcast %add3A_487 : i32 to vector<16xi32>
        %add3A_489 = arith.addi %add3A_454, %add3A_488 : vector<16xi32>
        %gather3A_490 = tpu.vector_load_idx %arg5[%add3A_461] : memref<42016xf32, #tpu.memory_space<vmem>>[vector<16xi32>], vector<16xf32>,
        %gt3A_491 = arith.cmpf ogt, %gather3A_490, %select_n3A_457 : vector<16xf32>
        %select_n3A_492 = arith.select %gt3A_491, %gather3A_490, %select_n3A_457 : vector<16xi1>, vector<16xf32>
        %select_n3A_493 = arith.select %gt3A_491, %add3A_461, %select_n3A_458 : vector<16xi1>, vector<16xi32>
        %add3A_494 = arith.constant 1 : i32
        %add3A_495 = vector.broadcast %add3A_494 : i32 to vector<16xi32>
        %add3A_496 = arith.addi %add3A_461, %add3A_495 : vector<16xi32>
        %gather3A_497 = tpu.vector_load_idx %arg5[%add3A_468] : memref<42016xf32, #tpu.memory_space<vmem>>[vector<16xi32>], vector<16xf32>,
        %gt3A_498 = arith.cmpf ogt, %gather3A_497, %select_n3A_464 : vector<16xf32>
        %select_n3A_499 = arith.select %gt3A_498, %gather3A_497, %select_n3A_464 : vector<16xi1>, vector<16xf32>
        %select_n3A_500 = arith.select %gt3A_498, %add3A_468, %select_n3A_465 : vector<16xi1>, vector<16xi32>
        %add3A_501 = arith.constant 1 : i32
        %add3A_502 = vector.broadcast %add3A_501 : i32 to vector<16xi32>
        %add3A_503 = arith.addi %add3A_468, %add3A_502 : vector<16xi32>
        %gather3A_504 = tpu.vector_load_idx %arg5[%add3A_475] : memref<42016xf32, #tpu.memory_space<vmem>>[vector<16xi32>], vector<16xf32>,
        %gt3A_505 = arith.cmpf ogt, %gather3A_504, %select_n3A_471 : vector<16xf32>
        %select_n3A_506 = arith.select %gt3A_505, %gather3A_504, %select_n3A_471 : vector<16xi1>, vector<16xf32>
        %select_n3A_507 = arith.select %gt3A_505, %add3A_475, %select_n3A_472 : vector<16xi1>, vector<16xi32>
        %add3A_508 = arith.constant 1 : i32
        %add3A_509 = vector.broadcast %add3A_508 : i32 to vector<16xi32>
        %add3A_510 = arith.addi %add3A_475, %add3A_509 : vector<16xi32>
        %gather3A_511 = tpu.vector_load_idx %arg5[%add3A_482] : memref<42016xf32, #tpu.memory_space<vmem>>[vector<16xi32>], vector<16xf32>,
        %gt3A_512 = arith.cmpf ogt, %gather3A_511, %select_n3A_478 : vector<16xf32>
        %select_n3A_513 = arith.select %gt3A_512, %gather3A_511, %select_n3A_478 : vector<16xi1>, vector<16xf32>
        %select_n3A_514 = arith.select %gt3A_512, %add3A_482, %select_n3A_479 : vector<16xi1>, vector<16xi32>
        %add3A_515 = arith.constant 1 : i32
        %add3A_516 = vector.broadcast %add3A_515 : i32 to vector<16xi32>
        %add3A_517 = arith.addi %add3A_482, %add3A_516 : vector<16xi32>
        %gather3A_518 = tpu.vector_load_idx %arg5[%add3A_489] : memref<42016xf32, #tpu.memory_space<vmem>>[vector<16xi32>], vector<16xf32>,
        %gt3A_519 = arith.cmpf ogt, %gather3A_518, %select_n3A_485 : vector<16xf32>
        %select_n3A_520 = arith.select %gt3A_519, %gather3A_518, %select_n3A_485 : vector<16xi1>, vector<16xf32>
        %select_n3A_521 = arith.select %gt3A_519, %add3A_489, %select_n3A_486 : vector<16xi1>, vector<16xi32>
        %add3A_522 = arith.constant 1 : i32
        %add3A_523 = vector.broadcast %add3A_522 : i32 to vector<16xi32>
        %add3A_524 = arith.addi %add3A_489, %add3A_523 : vector<16xi32>
        %gather3A_525 = tpu.vector_load_idx %arg5[%add3A_496] : memref<42016xf32, #tpu.memory_space<vmem>>[vector<16xi32>], vector<16xf32>,
        %gt3A_526 = arith.cmpf ogt, %gather3A_525, %select_n3A_492 : vector<16xf32>
        %select_n3A_527 = arith.select %gt3A_526, %gather3A_525, %select_n3A_492 : vector<16xi1>, vector<16xf32>
        %select_n3A_528 = arith.select %gt3A_526, %add3A_496, %select_n3A_493 : vector<16xi1>, vector<16xi32>
        %add3A_529 = arith.constant 1 : i32
        %add3A_530 = vector.broadcast %add3A_529 : i32 to vector<16xi32>
        %add3A_531 = arith.addi %add3A_496, %add3A_530 : vector<16xi32>
        %gather3A_532 = tpu.vector_load_idx %arg5[%add3A_503] : memref<42016xf32, #tpu.memory_space<vmem>>[vector<16xi32>], vector<16xf32>,
        %gt3A_533 = arith.cmpf ogt, %gather3A_532, %select_n3A_499 : vector<16xf32>
        %select_n3A_534 = arith.select %gt3A_533, %gather3A_532, %select_n3A_499 : vector<16xi1>, vector<16xf32>
        %select_n3A_535 = arith.select %gt3A_533, %add3A_503, %select_n3A_500 : vector<16xi1>, vector<16xi32>
        %add3A_536 = arith.constant 1 : i32
        %add3A_537 = vector.broadcast %add3A_536 : i32 to vector<16xi32>
        %add3A_538 = arith.addi %add3A_503, %add3A_537 : vector<16xi32>
        %gather3A_539 = tpu.vector_load_idx %arg5[%add3A_510] : memref<42016xf32, #tpu.memory_space<vmem>>[vector<16xi32>], vector<16xf32>,
        %gt3A_540 = arith.cmpf ogt, %gather3A_539, %select_n3A_506 : vector<16xf32>
        %select_n3A_541 = arith.select %gt3A_540, %gather3A_539, %select_n3A_506 : vector<16xi1>, vector<16xf32>
        %select_n3A_542 = arith.select %gt3A_540, %add3A_510, %select_n3A_507 : vector<16xi1>, vector<16xi32>
        %add3A_543 = arith.constant 1 : i32
        %add3A_544 = vector.broadcast %add3A_543 : i32 to vector<16xi32>
        %add3A_545 = arith.addi %add3A_510, %add3A_544 : vector<16xi32>
        %gather3A_546 = tpu.vector_load_idx %arg5[%add3A_517] : memref<42016xf32, #tpu.memory_space<vmem>>[vector<16xi32>], vector<16xf32>,
        %gt3A_547 = arith.cmpf ogt, %gather3A_546, %select_n3A_513 : vector<16xf32>
        %select_n3A_548 = arith.select %gt3A_547, %gather3A_546, %select_n3A_513 : vector<16xi1>, vector<16xf32>
        %select_n3A_549 = arith.select %gt3A_547, %add3A_517, %select_n3A_514 : vector<16xi1>, vector<16xi32>
        %add3A_550 = arith.constant 1 : i32
        %add3A_551 = vector.broadcast %add3A_550 : i32 to vector<16xi32>
        %add3A_552 = arith.addi %add3A_517, %add3A_551 : vector<16xi32>
        %gather3A_553 = tpu.vector_load_idx %arg5[%add3A_524] : memref<42016xf32, #tpu.memory_space<vmem>>[vector<16xi32>], vector<16xf32>,
        %gt3A_554 = arith.cmpf ogt, %gather3A_553, %select_n3A_520 : vector<16xf32>
        %select_n3A_555 = arith.select %gt3A_554, %gather3A_553, %select_n3A_520 : vector<16xi1>, vector<16xf32>
        %select_n3A_556 = arith.select %gt3A_554, %add3A_524, %select_n3A_521 : vector<16xi1>, vector<16xi32>
        %add3A_557 = arith.constant 1 : i32
        %add3A_558 = vector.broadcast %add3A_557 : i32 to vector<16xi32>
        %add3A_559 = arith.addi %add3A_524, %add3A_558 : vector<16xi32>
        %gather3A_560 = tpu.vector_load_idx %arg5[%add3A_531] : memref<42016xf32, #tpu.memory_space<vmem>>[vector<16xi32>], vector<16xf32>,
        %gt3A_561 = arith.cmpf ogt, %gather3A_560, %select_n3A_527 : vector<16xf32>
        %select_n3A_562 = arith.select %gt3A_561, %gather3A_560, %select_n3A_527 : vector<16xi1>, vector<16xf32>
        %select_n3A_563 = arith.select %gt3A_561, %add3A_531, %select_n3A_528 : vector<16xi1>, vector<16xi32>
        %add3A_564 = arith.constant 1 : i32
        %add3A_565 = vector.broadcast %add3A_564 : i32 to vector<16xi32>
        %add3A_566 = arith.addi %add3A_531, %add3A_565 : vector<16xi32>
        %gather3A_567 = tpu.vector_load_idx %arg5[%add3A_538] : memref<42016xf32, #tpu.memory_space<vmem>>[vector<16xi32>], vector<16xf32>,
        %gt3A_568 = arith.cmpf ogt, %gather3A_567, %select_n3A_534 : vector<16xf32>
        %select_n3A_569 = arith.select %gt3A_568, %gather3A_567, %select_n3A_534 : vector<16xi1>, vector<16xf32>
        %select_n3A_570 = arith.select %gt3A_568, %add3A_538, %select_n3A_535 : vector<16xi1>, vector<16xi32>
        %add3A_571 = arith.constant 1 : i32
        %add3A_572 = vector.broadcast %add3A_571 : i32 to vector<16xi32>
        %add3A_573 = arith.addi %add3A_538, %add3A_572 : vector<16xi32>
        %gather3A_574 = tpu.vector_load_idx %arg5[%add3A_545] : memref<42016xf32, #tpu.memory_space<vmem>>[vector<16xi32>], vector<16xf32>,
        %gt3A_575 = arith.cmpf ogt, %gather3A_574, %select_n3A_541 : vector<16xf32>
        %select_n3A_576 = arith.select %gt3A_575, %gather3A_574, %select_n3A_541 : vector<16xi1>, vector<16xf32>
        %select_n3A_577 = arith.select %gt3A_575, %add3A_545, %select_n3A_542 : vector<16xi1>, vector<16xi32>
        %add3A_578 = arith.constant 1 : i32
        %add3A_579 = vector.broadcast %add3A_578 : i32 to vector<16xi32>
        %add3A_580 = arith.addi %add3A_545, %add3A_579 : vector<16xi32>
        %gather3A_581 = tpu.vector_load_idx %arg5[%add3A_552] : memref<42016xf32, #tpu.memory_space<vmem>>[vector<16xi32>], vector<16xf32>,
        %gt3A_582 = arith.cmpf ogt, %gather3A_581, %select_n3A_548 : vector<16xf32>
        %select_n3A_583 = arith.select %gt3A_582, %gather3A_581, %select_n3A_548 : vector<16xi1>, vector<16xf32>
        %select_n3A_584 = arith.select %gt3A_582, %add3A_552, %select_n3A_549 : vector<16xi1>, vector<16xi32>
        %add3A_585 = arith.constant 1 : i32
        %add3A_586 = vector.broadcast %add3A_585 : i32 to vector<16xi32>
        %add3A_587 = arith.addi %add3A_552, %add3A_586 : vector<16xi32>
        %gather3A_588 = tpu.vector_load_idx %arg5[%add3A_559] : memref<42016xf32, #tpu.memory_space<vmem>>[vector<16xi32>], vector<16xf32>,
        %gt3A_589 = arith.cmpf ogt, %gather3A_588, %select_n3A_555 : vector<16xf32>
        %select_n3A_590 = arith.select %gt3A_589, %gather3A_588, %select_n3A_555 : vector<16xi1>, vector<16xf32>
        %select_n3A_591 = arith.select %gt3A_589, %add3A_559, %select_n3A_556 : vector<16xi1>, vector<16xi32>
        %add3A_592 = arith.constant 1 : i32
        %add3A_593 = vector.broadcast %add3A_592 : i32 to vector<16xi32>
        %add3A_594 = arith.addi %add3A_559, %add3A_593 : vector<16xi32>
        %gather3A_595 = tpu.vector_load_idx %arg5[%add3A_566] : memref<42016xf32, #tpu.memory_space<vmem>>[vector<16xi32>], vector<16xf32>,
        %gt3A_596 = arith.cmpf ogt, %gather3A_595, %select_n3A_562 : vector<16xf32>
        %select_n3A_597 = arith.select %gt3A_596, %gather3A_595, %select_n3A_562 : vector<16xi1>, vector<16xf32>
        %select_n3A_598 = arith.select %gt3A_596, %add3A_566, %select_n3A_563 : vector<16xi1>, vector<16xi32>
        %add3A_599 = arith.constant 1 : i32
        %add3A_600 = vector.broadcast %add3A_599 : i32 to vector<16xi32>
        %add3A_601 = arith.addi %add3A_566, %add3A_600 : vector<16xi32>
        %gather3A_602 = tpu.vector_load_idx %arg5[%add3A_573] : memref<42016xf32, #tpu.memory_space<vmem>>[vector<16xi32>], vector<16xf32>,
        %gt3A_603 = arith.cmpf ogt, %gather3A_602, %select_n3A_569 : vector<16xf32>
        %select_n3A_604 = arith.select %gt3A_603, %gather3A_602, %select_n3A_569 : vector<16xi1>, vector<16xf32>
        %select_n3A_605 = arith.select %gt3A_603, %add3A_573, %select_n3A_570 : vector<16xi1>, vector<16xi32>
        %add3A_606 = arith.constant 1 : i32
        %add3A_607 = vector.broadcast %add3A_606 : i32 to vector<16xi32>
        %add3A_608 = arith.addi %add3A_573, %add3A_607 : vector<16xi32>
        %gather3A_609 = tpu.vector_load_idx %arg5[%add3A_580] : memref<42016xf32, #tpu.memory_space<vmem>>[vector<16xi32>], vector<16xf32>,
        %gt3A_610 = arith.cmpf ogt, %gather3A_609, %select_n3A_576 : vector<16xf32>
        %select_n3A_611 = arith.select %gt3A_610, %gather3A_609, %select_n3A_576 : vector<16xi1>, vector<16xf32>
        %select_n3A_612 = arith.select %gt3A_610, %add3A_580, %select_n3A_577 : vector<16xi1>, vector<16xi32>
        %add3A_613 = arith.constant 1 : i32
        %add3A_614 = vector.broadcast %add3A_613 : i32 to vector<16xi32>
        %add3A_615 = arith.addi %add3A_580, %add3A_614 : vector<16xi32>
        %gather3A_616 = tpu.vector_load_idx %arg5[%add3A_587] : memref<42016xf32, #tpu.memory_space<vmem>>[vector<16xi32>], vector<16xf32>,
        %gt3A_617 = arith.cmpf ogt, %gather3A_616, %select_n3A_583 : vector<16xf32>
        %select_n3A_618 = arith.select %gt3A_617, %gather3A_616, %select_n3A_583 : vector<16xi1>, vector<16xf32>
        %select_n3A_619 = arith.select %gt3A_617, %add3A_587, %select_n3A_584 : vector<16xi1>, vector<16xi32>
        %add3A_620 = arith.constant 1 : i32
        %add3A_621 = vector.broadcast %add3A_620 : i32 to vector<16xi32>
        %add3A_622 = arith.addi %add3A_587, %add3A_621 : vector<16xi32>
        %gather3A_623 = tpu.vector_load_idx %arg5[%add3A_594] : memref<42016xf32, #tpu.memory_space<vmem>>[vector<16xi32>], vector<16xf32>,
        %gt3A_624 = arith.cmpf ogt, %gather3A_623, %select_n3A_590 : vector<16xf32>
        %select_n3A_625 = arith.select %gt3A_624, %gather3A_623, %select_n3A_590 : vector<16xi1>, vector<16xf32>
        %select_n3A_626 = arith.select %gt3A_624, %add3A_594, %select_n3A_591 : vector<16xi1>, vector<16xi32>
        %add3A_627 = arith.constant 1 : i32
        %add3A_628 = vector.broadcast %add3A_627 : i32 to vector<16xi32>
        %add3A_629 = arith.addi %add3A_594, %add3A_628 : vector<16xi32>
        %gather3A_630 = tpu.vector_load_idx %arg5[%add3A_601] : memref<42016xf32, #tpu.memory_space<vmem>>[vector<16xi32>], vector<16xf32>,
        %gt3A_631 = arith.cmpf ogt, %gather3A_630, %select_n3A_597 : vector<16xf32>
        %select_n3A_632 = arith.select %gt3A_631, %gather3A_630, %select_n3A_597 : vector<16xi1>, vector<16xf32>
        %select_n3A_633 = arith.select %gt3A_631, %add3A_601, %select_n3A_598 : vector<16xi1>, vector<16xi32>
        %add3A_634 = arith.constant 1 : i32
        %add3A_635 = vector.broadcast %add3A_634 : i32 to vector<16xi32>
        %add3A_636 = arith.addi %add3A_601, %add3A_635 : vector<16xi32>
        %gather3A_637 = tpu.vector_load_idx %arg5[%add3A_608] : memref<42016xf32, #tpu.memory_space<vmem>>[vector<16xi32>], vector<16xf32>,
        %gt3A_638 = arith.cmpf ogt, %gather3A_637, %select_n3A_604 : vector<16xf32>
        %select_n3A_639 = arith.select %gt3A_638, %gather3A_637, %select_n3A_604 : vector<16xi1>, vector<16xf32>
        %select_n3A_640 = arith.select %gt3A_638, %add3A_608, %select_n3A_605 : vector<16xi1>, vector<16xi32>
        %add3A_641 = arith.constant 1 : i32
        %add3A_642 = vector.broadcast %add3A_641 : i32 to vector<16xi32>
        %add3A_643 = arith.addi %add3A_608, %add3A_642 : vector<16xi32>
        %gather3A_644 = tpu.vector_load_idx %arg5[%add3A_615] : memref<42016xf32, #tpu.memory_space<vmem>>[vector<16xi32>], vector<16xf32>,
        %gt3A_645 = arith.cmpf ogt, %gather3A_644, %select_n3A_611 : vector<16xf32>
        %select_n3A_646 = arith.select %gt3A_645, %gather3A_644, %select_n3A_611 : vector<16xi1>, vector<16xf32>
        %select_n3A_647 = arith.select %gt3A_645, %add3A_615, %select_n3A_612 : vector<16xi1>, vector<16xi32>
        %add3A_648 = arith.constant 1 : i32
        %add3A_649 = vector.broadcast %add3A_648 : i32 to vector<16xi32>
        %add3A_650 = arith.addi %add3A_615, %add3A_649 : vector<16xi32>
        %gather3A_651 = tpu.vector_load_idx %arg5[%add3A_622] : memref<42016xf32, #tpu.memory_space<vmem>>[vector<16xi32>], vector<16xf32>,
        %gt3A_652 = arith.cmpf ogt, %gather3A_651, %select_n3A_618 : vector<16xf32>
        %select_n3A_653 = arith.select %gt3A_652, %gather3A_651, %select_n3A_618 : vector<16xi1>, vector<16xf32>
        %select_n3A_654 = arith.select %gt3A_652, %add3A_622, %select_n3A_619 : vector<16xi1>, vector<16xi32>
        %add3A_655 = arith.constant 1 : i32
        %add3A_656 = vector.broadcast %add3A_655 : i32 to vector<16xi32>
        %add3A_657 = arith.addi %add3A_622, %add3A_656 : vector<16xi32>
        %gather3A_658 = tpu.vector_load_idx %arg5[%add3A_629] : memref<42016xf32, #tpu.memory_space<vmem>>[vector<16xi32>], vector<16xf32>,
        %gt3A_659 = arith.cmpf ogt, %gather3A_658, %select_n3A_625 : vector<16xf32>
        %select_n3A_660 = arith.select %gt3A_659, %gather3A_658, %select_n3A_625 : vector<16xi1>, vector<16xf32>
        %select_n3A_661 = arith.select %gt3A_659, %add3A_629, %select_n3A_626 : vector<16xi1>, vector<16xi32>
        %add3A_662 = arith.constant 1 : i32
        %add3A_663 = vector.broadcast %add3A_662 : i32 to vector<16xi32>
        %add3A_664 = arith.addi %add3A_629, %add3A_663 : vector<16xi32>
        %gather3A_665 = tpu.vector_load_idx %arg5[%add3A_636] : memref<42016xf32, #tpu.memory_space<vmem>>[vector<16xi32>], vector<16xf32>,
        %gt3A_666 = arith.cmpf ogt, %gather3A_665, %select_n3A_632 : vector<16xf32>
        %select_n3A_667 = arith.select %gt3A_666, %gather3A_665, %select_n3A_632 : vector<16xi1>, vector<16xf32>
        %select_n3A_668 = arith.select %gt3A_666, %add3A_636, %select_n3A_633 : vector<16xi1>, vector<16xi32>
        %add3A_669 = arith.constant 1 : i32
        %add3A_670 = vector.broadcast %add3A_669 : i32 to vector<16xi32>
        %add3A_671 = arith.addi %add3A_636, %add3A_670 : vector<16xi32>
        %gather3A_672 = tpu.vector_load_idx %arg5[%add3A_643] : memref<42016xf32, #tpu.memory_space<vmem>>[vector<16xi32>], vector<16xf32>,
        %gt3A_673 = arith.cmpf ogt, %gather3A_672, %select_n3A_639 : vector<16xf32>
        %select_n3A_674 = arith.select %gt3A_673, %gather3A_672, %select_n3A_639 : vector<16xi1>, vector<16xf32>
        %select_n3A_675 = arith.select %gt3A_673, %add3A_643, %select_n3A_640 : vector<16xi1>, vector<16xi32>
        %add3A_676 = arith.constant 1 : i32
        %add3A_677 = vector.broadcast %add3A_676 : i32 to vector<16xi32>
        %add3A_678 = arith.addi %add3A_643, %add3A_677 : vector<16xi32>
        %gather3A_679 = tpu.vector_load_idx %arg5[%add3A_650] : memref<42016xf32, #tpu.memory_space<vmem>>[vector<16xi32>], vector<16xf32>,
        %gt3A_680 = arith.cmpf ogt, %gather3A_679, %select_n3A_646 : vector<16xf32>
        %select_n3A_681 = arith.select %gt3A_680, %gather3A_679, %select_n3A_646 : vector<16xi1>, vector<16xf32>
        %select_n3A_682 = arith.select %gt3A_680, %add3A_650, %select_n3A_647 : vector<16xi1>, vector<16xi32>
        %add3A_683 = arith.constant 1 : i32
        %add3A_684 = vector.broadcast %add3A_683 : i32 to vector<16xi32>
        %add3A_685 = arith.addi %add3A_650, %add3A_684 : vector<16xi32>
        %gather3A_686 = tpu.vector_load_idx %arg5[%add3A_657] : memref<42016xf32, #tpu.memory_space<vmem>>[vector<16xi32>], vector<16xf32>,
        %gt3A_687 = arith.cmpf ogt, %gather3A_686, %select_n3A_653 : vector<16xf32>
        %select_n3A_688 = arith.select %gt3A_687, %gather3A_686, %select_n3A_653 : vector<16xi1>, vector<16xf32>
        %select_n3A_689 = arith.select %gt3A_687, %add3A_657, %select_n3A_654 : vector<16xi1>, vector<16xi32>
        %add3A_690 = arith.constant 1 : i32
        %add3A_691 = vector.broadcast %add3A_690 : i32 to vector<16xi32>
        %add3A_692 = arith.addi %add3A_657, %add3A_691 : vector<16xi32>
        %gather3A_693 = tpu.vector_load_idx %arg5[%add3A_664] : memref<42016xf32, #tpu.memory_space<vmem>>[vector<16xi32>], vector<16xf32>,
        %gt3A_694 = arith.cmpf ogt, %gather3A_693, %select_n3A_660 : vector<16xf32>
        %select_n3A_695 = arith.select %gt3A_694, %gather3A_693, %select_n3A_660 : vector<16xi1>, vector<16xf32>
        %select_n3A_696 = arith.select %gt3A_694, %add3A_664, %select_n3A_661 : vector<16xi1>, vector<16xi32>
        %add3A_697 = arith.constant 1 : i32
        %add3A_698 = vector.broadcast %add3A_697 : i32 to vector<16xi32>
        %add3A_699 = arith.addi %add3A_664, %add3A_698 : vector<16xi32>
        %gather3A_700 = tpu.vector_load_idx %arg5[%add3A_671] : memref<42016xf32, #tpu.memory_space<vmem>>[vector<16xi32>], vector<16xf32>,
        %gt3A_701 = arith.cmpf ogt, %gather3A_700, %select_n3A_667 : vector<16xf32>
        %select_n3A_702 = arith.select %gt3A_701, %gather3A_700, %select_n3A_667 : vector<16xi1>, vector<16xf32>
        %select_n3A_703 = arith.select %gt3A_701, %add3A_671, %select_n3A_668 : vector<16xi1>, vector<16xi32>
        %add3A_704 = arith.constant 1 : i32
        %add3A_705 = vector.broadcast %add3A_704 : i32 to vector<16xi32>
        %add3A_706 = arith.addi %add3A_671, %add3A_705 : vector<16xi32>
        %gather3A_707 = tpu.vector_load_idx %arg5[%add3A_678] : memref<42016xf32, #tpu.memory_space<vmem>>[vector<16xi32>], vector<16xf32>,
        %gt3A_708 = arith.cmpf ogt, %gather3A_707, %select_n3A_674 : vector<16xf32>
        %select_n3A_709 = arith.select %gt3A_708, %gather3A_707, %select_n3A_674 : vector<16xi1>, vector<16xf32>
        %select_n3A_710 = arith.select %gt3A_708, %add3A_678, %select_n3A_675 : vector<16xi1>, vector<16xi32>
        %add3A_711 = arith.constant 1 : i32
        %add3A_712 = vector.broadcast %add3A_711 : i32 to vector<16xi32>
        %add3A_713 = arith.addi %add3A_678, %add3A_712 : vector<16xi32>
        %gather3A_714 = tpu.vector_load_idx %arg5[%add3A_685] : memref<42016xf32, #tpu.memory_space<vmem>>[vector<16xi32>], vector<16xf32>,
        %gt3A_715 = arith.cmpf ogt, %gather3A_714, %select_n3A_681 : vector<16xf32>
        %select_n3A_716 = arith.select %gt3A_715, %gather3A_714, %select_n3A_681 : vector<16xi1>, vector<16xf32>
        %select_n3A_717 = arith.select %gt3A_715, %add3A_685, %select_n3A_682 : vector<16xi1>, vector<16xi32>
        %add3A_718 = arith.constant 1 : i32
        %add3A_719 = vector.broadcast %add3A_718 : i32 to vector<16xi32>
        %add3A_720 = arith.addi %add3A_685, %add3A_719 : vector<16xi32>
        %gather3A_721 = tpu.vector_load_idx %arg5[%add3A_692] : memref<42016xf32, #tpu.memory_space<vmem>>[vector<16xi32>], vector<16xf32>,
        %gt3A_722 = arith.cmpf ogt, %gather3A_721, %select_n3A_688 : vector<16xf32>
        %select_n3A_723 = arith.select %gt3A_722, %gather3A_721, %select_n3A_688 : vector<16xi1>, vector<16xf32>
        %select_n3A_724 = arith.select %gt3A_722, %add3A_692, %select_n3A_689 : vector<16xi1>, vector<16xi32>
        %add3A_725 = arith.constant 1 : i32
        %add3A_726 = vector.broadcast %add3A_725 : i32 to vector<16xi32>
        %add3A_727 = arith.addi %add3A_692, %add3A_726 : vector<16xi32>
        %gather3A_728 = tpu.vector_load_idx %arg5[%add3A_699] : memref<42016xf32, #tpu.memory_space<vmem>>[vector<16xi32>], vector<16xf32>,
        %gt3A_729 = arith.cmpf ogt, %gather3A_728, %select_n3A_695 : vector<16xf32>
        %select_n3A_730 = arith.select %gt3A_729, %gather3A_728, %select_n3A_695 : vector<16xi1>, vector<16xf32>
        %select_n3A_731 = arith.select %gt3A_729, %add3A_699, %select_n3A_696 : vector<16xi1>, vector<16xi32>
        %add3A_732 = arith.constant 1 : i32
        %add3A_733 = vector.broadcast %add3A_732 : i32 to vector<16xi32>
        %add3A_734 = arith.addi %add3A_699, %add3A_733 : vector<16xi32>
        %gather3A_735 = tpu.vector_load_idx %arg5[%add3A_706] : memref<42016xf32, #tpu.memory_space<vmem>>[vector<16xi32>], vector<16xf32>,
        %gt3A_736 = arith.cmpf ogt, %gather3A_735, %select_n3A_702 : vector<16xf32>
        %select_n3A_737 = arith.select %gt3A_736, %gather3A_735, %select_n3A_702 : vector<16xi1>, vector<16xf32>
        %select_n3A_738 = arith.select %gt3A_736, %add3A_706, %select_n3A_703 : vector<16xi1>, vector<16xi32>
        %add3A_739 = arith.constant 1 : i32
        %add3A_740 = vector.broadcast %add3A_739 : i32 to vector<16xi32>
        %add3A_741 = arith.addi %add3A_706, %add3A_740 : vector<16xi32>
        %gather3A_742 = tpu.vector_load_idx %arg5[%add3A_713] : memref<42016xf32, #tpu.memory_space<vmem>>[vector<16xi32>], vector<16xf32>,
        %gt3A_743 = arith.cmpf ogt, %gather3A_742, %select_n3A_709 : vector<16xf32>
        %select_n3A_744 = arith.select %gt3A_743, %gather3A_742, %select_n3A_709 : vector<16xi1>, vector<16xf32>
        %select_n3A_745 = arith.select %gt3A_743, %add3A_713, %select_n3A_710 : vector<16xi1>, vector<16xi32>
        %add3A_746 = arith.constant 1 : i32
        %add3A_747 = vector.broadcast %add3A_746 : i32 to vector<16xi32>
        %add3A_748 = arith.addi %add3A_713, %add3A_747 : vector<16xi32>
        %gather3A_749 = tpu.vector_load_idx %arg5[%add3A_720] : memref<42016xf32, #tpu.memory_space<vmem>>[vector<16xi32>], vector<16xf32>,
        %gt3A_750 = arith.cmpf ogt, %gather3A_749, %select_n3A_716 : vector<16xf32>
        %select_n3A_751 = arith.select %gt3A_750, %gather3A_749, %select_n3A_716 : vector<16xi1>, vector<16xf32>
        %select_n3A_752 = arith.select %gt3A_750, %add3A_720, %select_n3A_717 : vector<16xi1>, vector<16xi32>
        %add3A_753 = arith.constant 1 : i32
        %add3A_754 = vector.broadcast %add3A_753 : i32 to vector<16xi32>
        %add3A_755 = arith.addi %add3A_720, %add3A_754 : vector<16xi32>
        %gather3A_756 = tpu.vector_load_idx %arg5[%add3A_727] : memref<42016xf32, #tpu.memory_space<vmem>>[vector<16xi32>], vector<16xf32>,
        %gt3A_757 = arith.cmpf ogt, %gather3A_756, %select_n3A_723 : vector<16xf32>
        %select_n3A_758 = arith.select %gt3A_757, %gather3A_756, %select_n3A_723 : vector<16xi1>, vector<16xf32>
        %select_n3A_759 = arith.select %gt3A_757, %add3A_727, %select_n3A_724 : vector<16xi1>, vector<16xi32>
        %add3A_760 = arith.constant 1 : i32
        %add3A_761 = vector.broadcast %add3A_760 : i32 to vector<16xi32>
        %add3A_762 = arith.addi %add3A_727, %add3A_761 : vector<16xi32>
        %gather3A_763 = tpu.vector_load_idx %arg5[%add3A_734] : memref<42016xf32, #tpu.memory_space<vmem>>[vector<16xi32>], vector<16xf32>,
        %gt3A_764 = arith.cmpf ogt, %gather3A_763, %select_n3A_730 : vector<16xf32>
        %select_n3A_765 = arith.select %gt3A_764, %gather3A_763, %select_n3A_730 : vector<16xi1>, vector<16xf32>
        %select_n3A_766 = arith.select %gt3A_764, %add3A_734, %select_n3A_731 : vector<16xi1>, vector<16xi32>
        %add3A_767 = arith.constant 1 : i32
        %add3A_768 = vector.broadcast %add3A_767 : i32 to vector<16xi32>
        %add3A_769 = arith.addi %add3A_734, %add3A_768 : vector<16xi32>
        %gather3A_770 = tpu.vector_load_idx %arg5[%add3A_741] : memref<42016xf32, #tpu.memory_space<vmem>>[vector<16xi32>], vector<16xf32>,
        %gt3A_771 = arith.cmpf ogt, %gather3A_770, %select_n3A_737 : vector<16xf32>
        %select_n3A_772 = arith.select %gt3A_771, %gather3A_770, %select_n3A_737 : vector<16xi1>, vector<16xf32>
        %select_n3A_773 = arith.select %gt3A_771, %add3A_741, %select_n3A_738 : vector<16xi1>, vector<16xi32>
        %add3A_774 = arith.constant 1 : i32
        %add3A_775 = vector.broadcast %add3A_774 : i32 to vector<16xi32>
        %add3A_776 = arith.addi %add3A_741, %add3A_775 : vector<16xi32>
        %gather3A_777 = tpu.vector_load_idx %arg5[%add3A_748] : memref<42016xf32, #tpu.memory_space<vmem>>[vector<16xi32>], vector<16xf32>,
        %gt3A_778 = arith.cmpf ogt, %gather3A_777, %select_n3A_744 : vector<16xf32>
        %select_n3A_779 = arith.select %gt3A_778, %gather3A_777, %select_n3A_744 : vector<16xi1>, vector<16xf32>
        %select_n3A_780 = arith.select %gt3A_778, %add3A_748, %select_n3A_745 : vector<16xi1>, vector<16xi32>
        %add3A_781 = arith.constant 1 : i32
        %add3A_782 = vector.broadcast %add3A_781 : i32 to vector<16xi32>
        %add3A_783 = arith.addi %add3A_748, %add3A_782 : vector<16xi32>
        %gather3A_784 = tpu.vector_load_idx %arg5[%add3A_755] : memref<42016xf32, #tpu.memory_space<vmem>>[vector<16xi32>], vector<16xf32>,
        %gt3A_785 = arith.cmpf ogt, %gather3A_784, %select_n3A_751 : vector<16xf32>
        %select_n3A_786 = arith.select %gt3A_785, %gather3A_784, %select_n3A_751 : vector<16xi1>, vector<16xf32>
        %select_n3A_787 = arith.select %gt3A_785, %add3A_755, %select_n3A_752 : vector<16xi1>, vector<16xi32>
        %add3A_788 = arith.constant 1 : i32
        %add3A_789 = vector.broadcast %add3A_788 : i32 to vector<16xi32>
        %add3A_790 = arith.addi %add3A_755, %add3A_789 : vector<16xi32>
        %gather3A_791 = tpu.vector_load_idx %arg5[%add3A_762] : memref<42016xf32, #tpu.memory_space<vmem>>[vector<16xi32>], vector<16xf32>,
        %gt3A_792 = arith.cmpf ogt, %gather3A_791, %select_n3A_758 : vector<16xf32>
        %select_n3A_793 = arith.select %gt3A_792, %gather3A_791, %select_n3A_758 : vector<16xi1>, vector<16xf32>
        %select_n3A_794 = arith.select %gt3A_792, %add3A_762, %select_n3A_759 : vector<16xi1>, vector<16xi32>
        %add3A_795 = arith.constant 1 : i32
        %add3A_796 = vector.broadcast %add3A_795 : i32 to vector<16xi32>
        %add3A_797 = arith.addi %add3A_762, %add3A_796 : vector<16xi32>
        %gather3A_798 = tpu.vector_load_idx %arg5[%add3A_769] : memref<42016xf32, #tpu.memory_space<vmem>>[vector<16xi32>], vector<16xf32>,
        %gt3A_799 = arith.cmpf ogt, %gather3A_798, %select_n3A_765 : vector<16xf32>
        %select_n3A_800 = arith.select %gt3A_799, %gather3A_798, %select_n3A_765 : vector<16xi1>, vector<16xf32>
        %select_n3A_801 = arith.select %gt3A_799, %add3A_769, %select_n3A_766 : vector<16xi1>, vector<16xi32>
        %add3A_802 = arith.constant 1 : i32
        %add3A_803 = vector.broadcast %add3A_802 : i32 to vector<16xi32>
        %add3A_804 = arith.addi %add3A_769, %add3A_803 : vector<16xi32>
        %gather3A_805 = tpu.vector_load_idx %arg5[%add3A_776] : memref<42016xf32, #tpu.memory_space<vmem>>[vector<16xi32>], vector<16xf32>,
        %gt3A_806 = arith.cmpf ogt, %gather3A_805, %select_n3A_772 : vector<16xf32>
        %select_n3A_807 = arith.select %gt3A_806, %gather3A_805, %select_n3A_772 : vector<16xi1>, vector<16xf32>
        %select_n3A_808 = arith.select %gt3A_806, %add3A_776, %select_n3A_773 : vector<16xi1>, vector<16xi32>
        %add3A_809 = arith.constant 1 : i32
        %add3A_810 = vector.broadcast %add3A_809 : i32 to vector<16xi32>
        %add3A_811 = arith.addi %add3A_776, %add3A_810 : vector<16xi32>
        %gather3A_812 = tpu.vector_load_idx %arg5[%add3A_783] : memref<42016xf32, #tpu.memory_space<vmem>>[vector<16xi32>], vector<16xf32>,
        %gt3A_813 = arith.cmpf ogt, %gather3A_812, %select_n3A_779 : vector<16xf32>
        %select_n3A_814 = arith.select %gt3A_813, %gather3A_812, %select_n3A_779 : vector<16xi1>, vector<16xf32>
        %select_n3A_815 = arith.select %gt3A_813, %add3A_783, %select_n3A_780 : vector<16xi1>, vector<16xi32>
        %add3A_816 = arith.constant 1 : i32
        %add3A_817 = vector.broadcast %add3A_816 : i32 to vector<16xi32>
        %add3A_818 = arith.addi %add3A_783, %add3A_817 : vector<16xi32>
        %gather3A_819 = tpu.vector_load_idx %arg5[%add3A_790] : memref<42016xf32, #tpu.memory_space<vmem>>[vector<16xi32>], vector<16xf32>,
        %gt3A_820 = arith.cmpf ogt, %gather3A_819, %select_n3A_786 : vector<16xf32>
        %select_n3A_821 = arith.select %gt3A_820, %gather3A_819, %select_n3A_786 : vector<16xi1>, vector<16xf32>
        %select_n3A_822 = arith.select %gt3A_820, %add3A_790, %select_n3A_787 : vector<16xi1>, vector<16xi32>
        %add3A_823 = arith.constant 1 : i32
        %add3A_824 = vector.broadcast %add3A_823 : i32 to vector<16xi32>
        %add3A_825 = arith.addi %add3A_790, %add3A_824 : vector<16xi32>
        %gather3A_826 = tpu.vector_load_idx %arg5[%add3A_797] : memref<42016xf32, #tpu.memory_space<vmem>>[vector<16xi32>], vector<16xf32>,
        %gt3A_827 = arith.cmpf ogt, %gather3A_826, %select_n3A_793 : vector<16xf32>
        %select_n3A_828 = arith.select %gt3A_827, %gather3A_826, %select_n3A_793 : vector<16xi1>, vector<16xf32>
        %select_n3A_829 = arith.select %gt3A_827, %add3A_797, %select_n3A_794 : vector<16xi1>, vector<16xi32>
        %add3A_830 = arith.constant 1 : i32
        %add3A_831 = vector.broadcast %add3A_830 : i32 to vector<16xi32>
        %add3A_832 = arith.addi %add3A_797, %add3A_831 : vector<16xi32>
        %gather3A_833 = tpu.vector_load_idx %arg5[%add3A_804] : memref<42016xf32, #tpu.memory_space<vmem>>[vector<16xi32>], vector<16xf32>,
        %gt3A_834 = arith.cmpf ogt, %gather3A_833, %select_n3A_800 : vector<16xf32>
        %select_n3A_835 = arith.select %gt3A_834, %gather3A_833, %select_n3A_800 : vector<16xi1>, vector<16xf32>
        %select_n3A_836 = arith.select %gt3A_834, %add3A_804, %select_n3A_801 : vector<16xi1>, vector<16xi32>
        %add3A_837 = arith.constant 1 : i32
        %add3A_838 = vector.broadcast %add3A_837 : i32 to vector<16xi32>
        %add3A_839 = arith.addi %add3A_804, %add3A_838 : vector<16xi32>
        %gather3A_840 = tpu.vector_load_idx %arg5[%add3A_811] : memref<42016xf32, #tpu.memory_space<vmem>>[vector<16xi32>], vector<16xf32>,
        %gt3A_841 = arith.cmpf ogt, %gather3A_840, %select_n3A_807 : vector<16xf32>
        %select_n3A_842 = arith.select %gt3A_841, %gather3A_840, %select_n3A_807 : vector<16xi1>, vector<16xf32>
        %select_n3A_843 = arith.select %gt3A_841, %add3A_811, %select_n3A_808 : vector<16xi1>, vector<16xi32>
        %add3A_844 = arith.constant 1 : i32
        %add3A_845 = vector.broadcast %add3A_844 : i32 to vector<16xi32>
        %add3A_846 = arith.addi %add3A_811, %add3A_845 : vector<16xi32>
        %gather3A_847 = tpu.vector_load_idx %arg5[%add3A_818] : memref<42016xf32, #tpu.memory_space<vmem>>[vector<16xi32>], vector<16xf32>,
        %gt3A_848 = arith.cmpf ogt, %gather3A_847, %select_n3A_814 : vector<16xf32>
        %select_n3A_849 = arith.select %gt3A_848, %gather3A_847, %select_n3A_814 : vector<16xi1>, vector<16xf32>
        %select_n3A_850 = arith.select %gt3A_848, %add3A_818, %select_n3A_815 : vector<16xi1>, vector<16xi32>
        %add3A_851 = arith.constant 1 : i32
        %add3A_852 = vector.broadcast %add3A_851 : i32 to vector<16xi32>
        %add3A_853 = arith.addi %add3A_818, %add3A_852 : vector<16xi32>
        %gather3A_854 = tpu.vector_load_idx %arg5[%add3A_825] : memref<42016xf32, #tpu.memory_space<vmem>>[vector<16xi32>], vector<16xf32>,
        %gt3A_855 = arith.cmpf ogt, %gather3A_854, %select_n3A_821 : vector<16xf32>
        %select_n3A_856 = arith.select %gt3A_855, %gather3A_854, %select_n3A_821 : vector<16xi1>, vector<16xf32>
        %select_n3A_857 = arith.select %gt3A_855, %add3A_825, %select_n3A_822 : vector<16xi1>, vector<16xi32>
        %add3A_858 = arith.constant 1 : i32
        %add3A_859 = vector.broadcast %add3A_858 : i32 to vector<16xi32>
        %add3A_860 = arith.addi %add3A_825, %add3A_859 : vector<16xi32>
        %gather3A_861 = tpu.vector_load_idx %arg5[%add3A_832] : memref<42016xf32, #tpu.memory_space<vmem>>[vector<16xi32>], vector<16xf32>,
        %gt3A_862 = arith.cmpf ogt, %gather3A_861, %select_n3A_828 : vector<16xf32>
        %select_n3A_863 = arith.select %gt3A_862, %gather3A_861, %select_n3A_828 : vector<16xi1>, vector<16xf32>
        %select_n3A_864 = arith.select %gt3A_862, %add3A_832, %select_n3A_829 : vector<16xi1>, vector<16xi32>
        %add3A_865 = arith.constant 1 : i32
        %add3A_866 = vector.broadcast %add3A_865 : i32 to vector<16xi32>
        %add3A_867 = arith.addi %add3A_832, %add3A_866 : vector<16xi32>
        %gather3A_868 = tpu.vector_load_idx %arg5[%add3A_839] : memref<42016xf32, #tpu.memory_space<vmem>>[vector<16xi32>], vector<16xf32>,
        %gt3A_869 = arith.cmpf ogt, %gather3A_868, %select_n3A_835 : vector<16xf32>
        %select_n3A_870 = arith.select %gt3A_869, %gather3A_868, %select_n3A_835 : vector<16xi1>, vector<16xf32>
        %select_n3A_871 = arith.select %gt3A_869, %add3A_839, %select_n3A_836 : vector<16xi1>, vector<16xi32>
        %add3A_872 = arith.constant 1 : i32
        %add3A_873 = vector.broadcast %add3A_872 : i32 to vector<16xi32>
        %add3A_874 = arith.addi %add3A_839, %add3A_873 : vector<16xi32>
        %gather3A_875 = tpu.vector_load_idx %arg5[%add3A_846] : memref<42016xf32, #tpu.memory_space<vmem>>[vector<16xi32>], vector<16xf32>,
        %gt3A_876 = arith.cmpf ogt, %gather3A_875, %select_n3A_842 : vector<16xf32>
        %select_n3A_877 = arith.select %gt3A_876, %gather3A_875, %select_n3A_842 : vector<16xi1>, vector<16xf32>
        %select_n3A_878 = arith.select %gt3A_876, %add3A_846, %select_n3A_843 : vector<16xi1>, vector<16xi32>
        %add3A_879 = arith.constant 1 : i32
        %add3A_880 = vector.broadcast %add3A_879 : i32 to vector<16xi32>
        %add3A_881 = arith.addi %add3A_846, %add3A_880 : vector<16xi32>
        %gather3A_882 = tpu.vector_load_idx %arg5[%add3A_853] : memref<42016xf32, #tpu.memory_space<vmem>>[vector<16xi32>], vector<16xf32>,
        %gt3A_883 = arith.cmpf ogt, %gather3A_882, %select_n3A_849 : vector<16xf32>
        %select_n3A_884 = arith.select %gt3A_883, %gather3A_882, %select_n3A_849 : vector<16xi1>, vector<16xf32>
        %select_n3A_885 = arith.select %gt3A_883, %add3A_853, %select_n3A_850 : vector<16xi1>, vector<16xi32>
        %add3A_886 = arith.constant 1 : i32
        %add3A_887 = vector.broadcast %add3A_886 : i32 to vector<16xi32>
        %add3A_888 = arith.addi %add3A_853, %add3A_887 : vector<16xi32>
        %gather3A_889 = tpu.vector_load_idx %arg5[%add3A_860] : memref<42016xf32, #tpu.memory_space<vmem>>[vector<16xi32>], vector<16xf32>,
        %gt3A_890 = arith.cmpf ogt, %gather3A_889, %select_n3A_856 : vector<16xf32>
        %select_n3A_891 = arith.select %gt3A_890, %gather3A_889, %select_n3A_856 : vector<16xi1>, vector<16xf32>
        %select_n3A_892 = arith.select %gt3A_890, %add3A_860, %select_n3A_857 : vector<16xi1>, vector<16xi32>
        %add3A_893 = arith.constant 1 : i32
        %add3A_894 = vector.broadcast %add3A_893 : i32 to vector<16xi32>
        %add3A_895 = arith.addi %add3A_860, %add3A_894 : vector<16xi32>
        %gather3A_896 = tpu.vector_load_idx %arg5[%add3A_867] : memref<42016xf32, #tpu.memory_space<vmem>>[vector<16xi32>], vector<16xf32>,
        %gt3A_897 = arith.cmpf ogt, %gather3A_896, %select_n3A_863 : vector<16xf32>
        %select_n3A_898 = arith.select %gt3A_897, %gather3A_896, %select_n3A_863 : vector<16xi1>, vector<16xf32>
        %select_n3A_899 = arith.select %gt3A_897, %add3A_867, %select_n3A_864 : vector<16xi1>, vector<16xi32>
        %add3A_900 = arith.constant 1 : i32
        %add3A_901 = vector.broadcast %add3A_900 : i32 to vector<16xi32>
        %add3A_902 = arith.addi %add3A_867, %add3A_901 : vector<16xi32>
        %gather3A_903 = tpu.vector_load_idx %arg5[%add3A_874] : memref<42016xf32, #tpu.memory_space<vmem>>[vector<16xi32>], vector<16xf32>,
        %gt3A_904 = arith.cmpf ogt, %gather3A_903, %select_n3A_870 : vector<16xf32>
        %select_n3A_905 = arith.select %gt3A_904, %gather3A_903, %select_n3A_870 : vector<16xi1>, vector<16xf32>
        %select_n3A_906 = arith.select %gt3A_904, %add3A_874, %select_n3A_871 : vector<16xi1>, vector<16xi32>
        %add3A_907 = arith.constant 1 : i32
        %add3A_908 = vector.broadcast %add3A_907 : i32 to vector<16xi32>
        %add3A_909 = arith.addi %add3A_874, %add3A_908 : vector<16xi32>
        %gather3A_910 = tpu.vector_load_idx %arg5[%add3A_881] : memref<42016xf32, #tpu.memory_space<vmem>>[vector<16xi32>], vector<16xf32>,
        %gt3A_911 = arith.cmpf ogt, %gather3A_910, %select_n3A_877 : vector<16xf32>
        %select_n3A_912 = arith.select %gt3A_911, %gather3A_910, %select_n3A_877 : vector<16xi1>, vector<16xf32>
        %select_n3A_913 = arith.select %gt3A_911, %add3A_881, %select_n3A_878 : vector<16xi1>, vector<16xi32>
        %add3A_914 = arith.constant 1 : i32
        %add3A_915 = vector.broadcast %add3A_914 : i32 to vector<16xi32>
        %add3A_916 = arith.addi %add3A_881, %add3A_915 : vector<16xi32>
        %gather3A_917 = tpu.vector_load_idx %arg5[%add3A_888] : memref<42016xf32, #tpu.memory_space<vmem>>[vector<16xi32>], vector<16xf32>,
        %gt3A_918 = arith.cmpf ogt, %gather3A_917, %select_n3A_884 : vector<16xf32>
        %select_n3A_919 = arith.select %gt3A_918, %gather3A_917, %select_n3A_884 : vector<16xi1>, vector<16xf32>
        %select_n3A_920 = arith.select %gt3A_918, %add3A_888, %select_n3A_885 : vector<16xi1>, vector<16xi32>
        %add3A_921 = arith.constant 1 : i32
        %add3A_922 = vector.broadcast %add3A_921 : i32 to vector<16xi32>
        %add3A_923 = arith.addi %add3A_888, %add3A_922 : vector<16xi32>
        %gather3A_924 = tpu.vector_load_idx %arg5[%add3A_895] : memref<42016xf32, #tpu.memory_space<vmem>>[vector<16xi32>], vector<16xf32>,
        %gt3A_925 = arith.cmpf ogt, %gather3A_924, %select_n3A_891 : vector<16xf32>
        %select_n3A_926 = arith.select %gt3A_925, %gather3A_924, %select_n3A_891 : vector<16xi1>, vector<16xf32>
        %select_n3A_927 = arith.select %gt3A_925, %add3A_895, %select_n3A_892 : vector<16xi1>, vector<16xi32>
        %add3A_928 = arith.constant 1 : i32
        %add3A_929 = vector.broadcast %add3A_928 : i32 to vector<16xi32>
        %add3A_930 = arith.addi %add3A_895, %add3A_929 : vector<16xi32>
        %gather3A_931 = tpu.vector_load_idx %arg5[%add3A_902] : memref<42016xf32, #tpu.memory_space<vmem>>[vector<16xi32>], vector<16xf32>,
        %gt3A_932 = arith.cmpf ogt, %gather3A_931, %select_n3A_898 : vector<16xf32>
        %select_n3A_933 = arith.select %gt3A_932, %gather3A_931, %select_n3A_898 : vector<16xi1>, vector<16xf32>
        %select_n3A_934 = arith.select %gt3A_932, %add3A_902, %select_n3A_899 : vector<16xi1>, vector<16xi32>
        %add3A_935 = arith.constant 1 : i32
        %add3A_936 = vector.broadcast %add3A_935 : i32 to vector<16xi32>
        %add3A_937 = arith.addi %add3A_902, %add3A_936 : vector<16xi32>
        %gather3A_938 = tpu.vector_load_idx %arg5[%add3A_909] : memref<42016xf32, #tpu.memory_space<vmem>>[vector<16xi32>], vector<16xf32>,
        %gt3A_939 = arith.cmpf ogt, %gather3A_938, %select_n3A_905 : vector<16xf32>
        %select_n3A_940 = arith.select %gt3A_939, %gather3A_938, %select_n3A_905 : vector<16xi1>, vector<16xf32>
        %select_n3A_941 = arith.select %gt3A_939, %add3A_909, %select_n3A_906 : vector<16xi1>, vector<16xi32>
        %add3A_942 = arith.constant 1 : i32
        %add3A_943 = vector.broadcast %add3A_942 : i32 to vector<16xi32>
        %add3A_944 = arith.addi %add3A_909, %add3A_943 : vector<16xi32>
        %gather3A_945 = tpu.vector_load_idx %arg5[%add3A_916] : memref<42016xf32, #tpu.memory_space<vmem>>[vector<16xi32>], vector<16xf32>,
        %gt3A_946 = arith.cmpf ogt, %gather3A_945, %select_n3A_912 : vector<16xf32>
        %select_n3A_947 = arith.select %gt3A_946, %gather3A_945, %select_n3A_912 : vector<16xi1>, vector<16xf32>
        %select_n3A_948 = arith.select %gt3A_946, %add3A_916, %select_n3A_913 : vector<16xi1>, vector<16xi32>
        %add3A_949 = arith.constant 1 : i32
        %add3A_950 = vector.broadcast %add3A_949 : i32 to vector<16xi32>
        %add3A_951 = arith.addi %add3A_916, %add3A_950 : vector<16xi32>
        %gather3A_952 = tpu.vector_load_idx %arg5[%add3A_923] : memref<42016xf32, #tpu.memory_space<vmem>>[vector<16xi32>], vector<16xf32>,
        %gt3A_953 = arith.cmpf ogt, %gather3A_952, %select_n3A_919 : vector<16xf32>
        %select_n3A_954 = arith.select %gt3A_953, %gather3A_952, %select_n3A_919 : vector<16xi1>, vector<16xf32>
        %select_n3A_955 = arith.select %gt3A_953, %add3A_923, %select_n3A_920 : vector<16xi1>, vector<16xi32>
        %add3A_956 = arith.constant 1 : i32
        %add3A_957 = vector.broadcast %add3A_956 : i32 to vector<16xi32>
        %add3A_958 = arith.addi %add3A_923, %add3A_957 : vector<16xi32>
        %gather3A_959 = tpu.vector_load_idx %arg5[%add3A_930] : memref<42016xf32, #tpu.memory_space<vmem>>[vector<16xi32>], vector<16xf32>,
        %gt3A_960 = arith.cmpf ogt, %gather3A_959, %select_n3A_926 : vector<16xf32>
        %select_n3A_961 = arith.select %gt3A_960, %gather3A_959, %select_n3A_926 : vector<16xi1>, vector<16xf32>
        %select_n3A_962 = arith.select %gt3A_960, %add3A_930, %select_n3A_927 : vector<16xi1>, vector<16xi32>
        %gather3A_963 = tpu.vector_load_idx %arg5[%add3A_937] : memref<42016xf32, #tpu.memory_space<vmem>>[vector<16xi32>], vector<16xf32>,
        %gt3A_964 = arith.cmpf ogt, %gather3A_963, %select_n3A_933 : vector<16xf32>
        %select_n3A_965 = arith.select %gt3A_964, %gather3A_963, %select_n3A_933 : vector<16xi1>, vector<16xf32>
        %select_n3A_966 = arith.select %gt3A_964, %add3A_937, %select_n3A_934 : vector<16xi1>, vector<16xi32>
        %gather3A_967 = tpu.vector_load_idx %arg5[%add3A_944] : memref<42016xf32, #tpu.memory_space<vmem>>[vector<16xi32>], vector<16xf32>,
        %gt3A_968 = arith.cmpf ogt, %gather3A_967, %select_n3A_940 : vector<16xf32>
        %select_n3A_969 = arith.select %gt3A_968, %gather3A_967, %select_n3A_940 : vector<16xi1>, vector<16xf32>
        %select_n3A_970 = arith.select %gt3A_968, %add3A_944, %select_n3A_941 : vector<16xi1>, vector<16xi32>
        %gather3A_971 = tpu.vector_load_idx %arg5[%add3A_951] : memref<42016xf32, #tpu.memory_space<vmem>>[vector<16xi32>], vector<16xf32>,
        %gt3A_972 = arith.cmpf ogt, %gather3A_971, %select_n3A_947 : vector<16xf32>
        %select_n3A_973 = arith.select %gt3A_972, %gather3A_971, %select_n3A_947 : vector<16xi1>, vector<16xf32>
        %select_n3A_974 = arith.select %gt3A_972, %add3A_951, %select_n3A_948 : vector<16xi1>, vector<16xi32>
        %gather3A_975 = tpu.vector_load_idx %arg5[%add3A_958] : memref<42016xf32, #tpu.memory_space<vmem>>[vector<16xi32>], vector<16xf32>,
        %gt3A_976 = arith.cmpf ogt, %gather3A_975, %select_n3A_954 : vector<16xf32>
        %select_n3A_977 = arith.select %gt3A_976, %gather3A_975, %select_n3A_954 : vector<16xi1>, vector<16xf32>
        %select_n3A_978 = arith.select %gt3A_976, %add3A_958, %select_n3A_955 : vector<16xi1>, vector<16xi32>
        %ge3A = arith.cmpf oge, %select_n3A_973, %select_n3A_977 : vector<16xf32>
        %select_n3A_979 = arith.select %ge3A, %select_n3A_973, %select_n3A_977 : vector<16xi1>, vector<16xf32>
        %select_n3A_980 = arith.select %ge3A, %select_n3A_974, %select_n3A_978 : vector<16xi1>, vector<16xi32>
        %ge3A_981 = arith.cmpf oge, %select_n3A_969, %select_n3A_979 : vector<16xf32>
        %select_n3A_982 = arith.select %ge3A_981, %select_n3A_969, %select_n3A_979 : vector<16xi1>, vector<16xf32>
        %select_n3A_983 = arith.select %ge3A_981, %select_n3A_970, %select_n3A_980 : vector<16xi1>, vector<16xi32>
        %ge3A_984 = arith.cmpf oge, %select_n3A_965, %select_n3A_982 : vector<16xf32>
        %select_n3A_985 = arith.select %ge3A_984, %select_n3A_965, %select_n3A_982 : vector<16xi1>, vector<16xf32>
        %select_n3A_986 = arith.select %ge3A_984, %select_n3A_966, %select_n3A_983 : vector<16xi1>, vector<16xi32>
        %ge3A_987 = arith.cmpf oge, %select_n3A_961, %select_n3A_985 : vector<16xf32>
        %select_n3A_988 = arith.select %ge3A_987, %select_n3A_961, %select_n3A_985 : vector<16xi1>, vector<16xf32>
        %select_n3A_989 = arith.select %ge3A_987, %select_n3A_962, %select_n3A_986 : vector<16xi1>, vector<16xi32>
        %sub3A = arith.subi %select_n3A_989, %add3A_279 : vector<16xi32>
        %convert_element_type3A_990 = arith.sitofp %sub3A : vector<16xi32> to vector<16xf32>
        %add3A_991 = arith.constant 13 : i32
        %add3A_992 = vector.broadcast %add3A_991 : i32 to vector<16xi32>
        %add3A_993 = arith.addi %add3A_167, %add3A_992 : vector<16xi32>
        %add3A_994 = vector.broadcast %scan3A_273 : i32 to vector<16xi32>
        %add3A_995 = arith.addi %add3A_993, %add3A_994 : vector<16xi32>
        tpu.vector_store_idx %arg6[%add3A_995], %convert_element_type3A_990 : memref<19968xf32, #tpu.memory_space<vmem>>[vector<16xi32>], vector<16xf32>,
      }
      %scan3A_264 = arith.constant 26 : i32
      %add3A_265 = arith.constant 3 : i32
      %add3A_266 = arith.addi %mul3A_30, %add3A_265 : i32
      %lt3A_267 = arith.constant 32 : i32
      %lt3A_268 = arith.cmpi slt, %add3A_266, %lt3A_267 : i32
      %convert_element_type3A_269 = arith.extui %lt3A_268 : i1 to i32
      %cond3A_270 = arith.constant 0 : i32
      %cond3A_271 = arith.cmpi ne, %convert_element_type3A_269, %cond3A_270 : i32
      scf.if %cond3A_271 {
        %add3A_273 = arith.constant 3 : i32
        %add3A_274 = arith.addi %mul3A_30, %add3A_273 : i32
        %mul3A_275 = arith.constant 16 : i32
        %mul3A_276 = arith.muli %add3A_274, %mul3A_275 : i32
        %add3A_277 = arith.addi %mul3A_2, %mul3A_276 : i32
        %mul3A_278 = arith.constant 2626 : i32
        %mul3A_279 = arith.muli %add3A_277, %mul3A_278 : i32
        %multiple_of3A_280 = tpu.assume_multiple %mul3A_279, 8 : i32
        %dma_start3A_281 = tpu.memref_slice %arg2[%multiple_of3A_280] : memref<43024384xf32, #tpu.memory_space<hbm>> -> memref<42016xf32, #tpu.memory_space<hbm>>
        %dma_start3A_282 = tpu.memref_slice %arg2[%multiple_of3A_280] : memref<43024384xf32, #tpu.memory_space<hbm>> -> memref<42016xf32, #tpu.memory_space<hbm>>
        tpu.enqueue_dma source(%dma_start3A_282 : memref<42016xf32, #tpu.memory_space<hbm>>) target(%arg5 : memref<42016xf32, #tpu.memory_space<vmem>>) target_semaphore(%arg8 : memref<!tpu.dma_semaphore, #tpu.memory_space<semaphore_mem>>)
      } else {
      }
      %scan3A_272 = arith.constant 0 : i32
      scf.yield %scan3A_272 : i32
    }
    %scan3A_23 = arith.constant 16 : i32
    %mul3A_24 = arith.constant 39 : i32
    %mul3A_25 = arith.muli %mul3A_2, %mul3A_24 : i32
    %multiple_of3A_26 = tpu.assume_multiple %mul3A_25, 8 : i32
    "tpu.region"() ({
      %run_scoped3A = tpu.sem_alloc : memref<!tpu.dma_semaphore, #tpu.memory_space<semaphore_mem>>
      %dma_start3A_27 = tpu.memref_slice %arg3[%multiple_of3A_26] : memref<638976xf32, #tpu.memory_space<hbm>> -> memref<19968xf32, #tpu.memory_space<hbm>>
      %dma_start3A_28 = tpu.memref_slice %arg3[%multiple_of3A_26] : memref<638976xf32, #tpu.memory_space<hbm>> -> memref<19968xf32, #tpu.memory_space<hbm>>
      tpu.enqueue_dma source(%arg6 : memref<19968xf32, #tpu.memory_space<vmem>>) target(%dma_start3A_28 : memref<19968xf32, #tpu.memory_space<hbm>>) target_semaphore(%run_scoped3A : memref<!tpu.dma_semaphore, #tpu.memory_space<semaphore_mem>>)
      %dma_wait3A = tpu.memref_slice %arg3[%multiple_of3A_26] : memref<638976xf32, #tpu.memory_space<hbm>> -> memref<19968xf32, #tpu.memory_space<hbm>>
      %dma_wait3A_29 = tpu.memref_slice %arg3[%multiple_of3A_26] : memref<638976xf32, #tpu.memory_space<hbm>> -> memref<19968xf32, #tpu.memory_space<hbm>>
      tpu.wait_dma2 semaphore(%run_scoped3A : memref<!tpu.dma_semaphore, #tpu.memory_space<semaphore_mem>>) src(%arg6 : memref<19968xf32, #tpu.memory_space<vmem>>) dst(%dma_wait3A_29 : memref<19968xf32, #tpu.memory_space<hbm>>)
      tpu.yield
    }) : () -> ()
    return
  }
}

</mosaic_0001>

<sc_bundles>
// kernel: _sc_call.3.cloned.1.call-start
scs
__scs_entry_jumppad:
0x0: {  	(pc) =	sbr.rel $0x88, $3  }
0x1: {  	(tag) =	ssettag $0x0;
	lr =	simm.s32 $0x1  }
0x2: {  	[smem:$0x3FA0] =	sst lr;
	_ =	strace $0xD0000000  }
0x3: {  	_ = 	snop  }
0x4: {  	_ = 	snop  }
0x5: {  	_ = 	snop  }
0x6: {  	_ = 	snop  }
0x7: {  	_ = 	snop  }
__scs_overlays_trampoline_lowered:
0x8: {  	[smem:$0x3FAF] =	sst s0  }
0x9: {  	[smem:$0x3FB0] =	sst s1  }
0xa: {  	[smem:$0x3FB1] =	sst s2  }
0xb: {  	[smem:$0x3FB2] =	sst s3  }
0xc: {  	[smem:$0x3FB3] =	sst s4  }
0xd: {  	[smem:$0x3FB4] =	sst s5  }
0xe: {  	[smem:$0x3FB5] =	sst s6  }
0xf: {  	[smem:$0x3FB6] =	sst s7  }
0x10: {  	[smem:$0x3FB7] =	sst s8  }
0x11: {  	[smem:$0x3FB8] =	sst s9;
	s0 =	simm.s32 @!p0 $0x0  }
0x12: {  	s1 =	sld [smem:$0x3F9E];
	s0 =	simm.s32 @p0 $0x1  }
0x13: {  	[smem:$0x3FB9] =	sst s0;
	s0 =	simm.s32 @!p1 $0x0  }
0x14: {  	s2 =	sld [smem:$0x3F9D];
	s0 =	simm.s32 @p1 $0x1  }
0x15: {  	[smem:$0x3FBA] =	sst s0;
	s0 =	simm.s32 @!p2 $0x0  }
0x16: {  	s3 =	sld [smem:$0x3FDB];
	s0 =	simm.s32 @p2 $0x1  }
0x17: {  	s4 =	simm.s32 $0x1BF5;
	[smem:$0x3FBC] =	sst s0  }
0x18: {  	s0 =	sld [smem:$0x3F9F];
	_ =	swait.ge [sflag:s4], $0x0  }
0x19: {  	s7 =	sld [smem:$0x3FA0]  }
0x1a: {  	s8 =	sadd.s32 $0xFFFFE003, lr  }
0x1b: {  	s9 =	sadd.s32 $0xFFFFFEF7, lr;
	s5 =	simm.s32 $0xFFFFFFFF;
	p2 =	slt.u32 s8, $0xFFFFF086  }
0x1c: {  	p1 =	slt.u32 s9, $0xF7A;
	s5 =	simm.s32 @!p2 $0x0  }
0x1d: {  	s5 =	simm.s32 @p1 $0x1;
	p0 =	seq.s32 s7, s2  }
0x1e: {  	s7 =	smul.u32 @!p0 $0xF7A, s2;
	p2 =	seq.s32 @!p0 s5, $0x0  }
0x1f: {  	s9 =	smul.u32 $0xF7A, s1;
	s8 =	simm.s32 @!p0 $0x1BF5;
	p2 =	por !p2, p0  }
0x20: {  	[sflag:s8] =	ssyncset.s32 @!p0 $0xFFFFF086;
	s6 =	sadd.s32 @!p0 s3, s7;
	s7 =	simm.s32 @!p0 $0x108  }
0x21: {  	s3 =	sadd.s32 s3, s9;
	s6 =	sadd.s32 @!p0 $0x88, s6;
	s7 =	simm.s32 @p2 $0x1082  }
0x22: {  	[simem:s7], [sflag:s8] =	dma.local @!p0 [hbm:s6], $0xF7A  }
0x23: {  	s9 =	sor.u32 $0xD0000000, s2;
	s6 =	simm.s32 $0x108;
	_ =	swait.ge @!p0 [sflag:s8], $0x0  }
0x24: {  	s3 =	sadd.s32 $0x88, s3;
	s6 =	simm.s32 @!p1 $0x1082;
	[sflag:s4] =	ssyncset.s32 $0xFFFFF086  }
0x25: {  	[simem:s6], [sflag:s4] =	dma.local [hbm:s3], $0xF7A  }
0x26: {  	[smem:$0x3FA0] =	sst s1;
	(tag) =	ssettag s2;
	_ =	strace s9  }
0x27: {  	s1 =	sld [smem:$0x3FB0]  }
0x28: {  	s2 =	sld [smem:$0x3FB1]  }
0x29: {  	s4 =	sld [smem:$0x3FB3]  }
0x2a: {  	p0 =	seq.s32 s5, $0x0;
	s5 =	sld [smem:$0x3FB4]  }
0x2b: {  	s6 =	sld [smem:$0x3FB5]  }
0x2c: {  	s7 =	sld [smem:$0x3FB6]  }
0x2d: {  	s3 =	simm.s32 $0x108;
	s8 =	sld [smem:$0x3FB7]  }
0x2e: {  	s3 =	simm.s32 @!p0 $0x1082;
	s9 =	sld [smem:$0x3FB8]  }
0x2f: {  	lr =	sadd.s32 s0, s3;
	s0 =	sld [smem:$0x3FAF]  }
0x30: {  	s3 =	sld [smem:$0x3FB2]  }
0x31: {  	[smem:$0x3FBB] =	sst s10  }
0x32: {  	s10 =	sld [smem:$0x3FB9];
	_ =	sdelay $0x3  }
0x33: {  	p0 =	seq.s32 s10, $0x1;
	s10 =	sld [smem:$0x3FBB];
	_ =	sdelay $0x3  }
0x34: {  	[smem:$0x3FBB] =	sst s10  }
0x35: {  	s10 =	sld [smem:$0x3FBA];
	_ =	sdelay $0x3  }
0x36: {  	p1 =	seq.s32 s10, $0x1;
	s10 =	sld [smem:$0x3FBB];
	_ =	sdelay $0x3  }
0x37: {  	[smem:$0x3FBB] =	sst s10  }
0x38: {  	s10 =	sld [smem:$0x3FBC]  }
0x39: {  	_ = 	snop;
	(pc) =	sbr.ind lr, $3  }
0x3a: {  	_ = 	snop  }
0x3b: {  	_ = 	snop  }
0x3c: {  	p2 =	seq.s32 s10, $0x1;
	s10 =	sld [smem:$0x3FBB]  }
0x3d: {  	_ =	shalt  }
0x3e: {  	_ =	shalt  }
0x3f: {  	_ =	shalt  }
0x40: {  	_ =	shalt  }
0x41: {  	_ =	shalt  }
0x42: {  	_ =	shalt  }
0x43: {  	_ =	shalt  }
0x44: {  	_ =	shalt  }
0x45: {  	_ =	shalt  }
0x46: {  	_ =	shalt  }
0x47: {  	_ =	shalt  }
0x48: {  	_ =	shalt  }
0x49: {  	_ =	shalt  }
0x4a: {  	_ =	shalt  }
0x4b: {  	_ =	shalt  }
0x4c: {  	_ =	shalt  }
0x4d: {  	_ =	shalt  }
0x4e: {  	_ =	shalt  }
0x4f: {  	_ =	shalt  }
0x50: {  	_ =	shalt  }
0x51: {  	_ =	shalt  }
0x52: {  	_ =	shalt  }
0x53: {  	_ =	shalt  }
0x54: {  	_ =	shalt  }
0x55: {  	_ =	shalt  }
0x56: {  	_ =	shalt  }
0x57: {  	_ =	shalt  }
0x58: {  	_ =	shalt  }
0x59: {  	_ =	shalt  }
0x5a: {  	_ =	shalt  }
0x5b: {  	_ =	shalt  }
0x5c: {  	_ =	shalt  }
0x5d: {  	_ =	shalt  }
0x5e: {  	_ =	shalt  }
0x5f: {  	_ =	shalt  }
0x60: {  	_ =	shalt  }
0x61: {  	_ =	shalt  }
0x62: {  	_ =	shalt  }
0x63: {  	_ =	shalt  }
0x64: {  	_ =	shalt  }
0x65: {  	_ =	shalt  }
0x66: {  	_ =	shalt  }
0x67: {  	_ =	shalt  }
0x68: {  	_ =	shalt  }
0x69: {  	_ =	shalt  }
0x6a: {  	_ =	shalt  }
0x6b: {  	_ =	shalt  }
0x6c: {  	_ =	shalt  }
0x6d: {  	_ =	shalt  }
0x6e: {  	_ =	shalt  }
0x6f: {  	_ =	shalt  }
0x70: {  	_ =	shalt  }
0x71: {  	_ =	shalt  }
0x72: {  	_ =	shalt  }
0x73: {  	_ =	shalt  }
0x74: {  	_ =	shalt  }
0x75: {  	_ =	shalt  }
0x76: {  	_ =	shalt  }
0x77: {  	_ =	shalt  }
0x78: {  	_ =	shalt  }
0x79: {  	_ =	shalt  }
0x7a: {  	_ =	shalt  }
0x7b: {  	_ =	shalt  }
0x7c: {  	_ =	shalt  }
0x7d: {  	_ =	shalt  }
0x7e: {  	_ =	shalt  }
0x7f: {  	_ =	shalt  }
0x80: {  	_ =	shalt  }
0x81: {  	_ =	shalt  }
0x82: {  	_ =	shalt  }
0x83: {  	_ =	shalt  }
0x84: {  	_ =	shalt  }
0x85: {  	_ =	shalt  }
0x86: {  	_ =	shalt  }
0x87: {  	_ =	shalt  }
.Lfunc_end0:
.L_simem_size_0:
called_computation_lowered:
.L_overlay_start_0:
0x88: {  	s2 =	sld [smem:$0x3FD9]  }
0x89: {  	s3 =	sld [smem:$0x3FFE];
	_ =	sdelay $0x1  }
0x8a: {  	s1 =	srdreg.scid  }
0x8b: {  	s0 =	sand.u32 $0x1, s1  }
0x8c: {  	s18 =	sshll.u32 s0, $0xA;
	s2 =	sadd.s32 s3, s2  }
0x8d: {  	s2 =	sadd.s32 s2, s18  }
0x8e: {  	[smem:$0x3FC7] =	sst s2  }
0x8f: {  	_ = 	snop  }
0x90: {  	s2 =	sld [smem:$0x3FC9]  }
0x91: {  	s19 =	sld [smem:$0x3FD0];
	(tm) =	ssettm $0x1  }
0x92: {  	s4 =	sld [smem:$0x3FFB];
	_ =	sdelay $0x3  }
0x93: {  	_ =	strace s4  }
0x94: {  	s4 =	sld [smem:$0x3FFC];
	_ =	sdelay $0x3  }
0x95: {  	_ =	strace s4  }
0x96: {  	s4 =	sld [smem:$0x3FFD];
	_ =	sdelay $0x3  }
0x97: {  	_ =	strace s4  }
0x98: {  	_ =	strace $0x8FFFFFFF  }
0x99: {  	s20 =	sld [smem:$0x3FDB];
	_ =	sdelay $0x1  }
0x9a: {  	s5 =	simm.s32 $_scs_section_size  }
0x9b: {  	s6 =	simm.s32 $_size__tile_overlayer_lowered;
	s7 =	simm.s32 $_tile_overlayer_lowered  }
0x9c: {  	s23 =	simm.s32 $0x1BFF;
	s22 =	sshll.u32 s7, $0x1;
	s4 =	sadd.s32 s5, s20  }
0x9d: {  	s8 =	simm.s32 $0x0;
	s21 =	sshll.u32 s6, $0x1;
	s6 =	sadd.s32 s22, s4  }
0x9e: {  	[timem:s8], [sflag:s23] =	dma.local [hbm:s6], s21  }
0x9f: {  	_ =	swait.ge [sflag:s23], s21  }
0xa0: {  	s5 =	ssub.s32 $0x0, s21;
	[sflag:s23] =	ssyncset.done $0x0  }
0xa1: {  	[sflag:s23] =	ssyncadd.s32 s5;
	_ =	sdelay $0x1  }
0xa2: {  	s24 =	simm.s32 $0x1B8B  }
0xa3: {  	_ =	swait.ge [sflag:s24], $0x1  }
0xa4: {  	[sflag:s24] =	ssyncset.done $0x0  }
0xa5: {  	s25 =	simm.s32 $0x1B8E;
	[sflag:s24] =	ssyncadd.s32 $0xFFFFFFFF  }
0xa6: {  	s26 =	simm.s32 $execute0_lowered;
	[smem:$0x3FD2] =	sst s25  }
0xa7: {  	s5 =	sshll.u32 s26, $0x1;
	_ =	strace $0x80000046;
	[dreg:$0x1] =	wrdreg $0xFFFFFFFF  }
0xa8: {  	s28 =	simm.s32 $_size_execute0_lowered;
	s4 =	sadd.s32 s4, s5;
	[dreg:$0x0] =	wrdreg $0x0  }
0xa9: {  	s5 =	sshll.u32 s28, $0x1;
	[dreg:$0x2] =	wrdreg s4  }
0xaa: {  	[dreg:$0x3] =	wrdreg s5  }
0xab: {  	[dreg:$0x4] =	wrdreg $0xC0  }
0xac: {  	_ =	task [dreg:s8], $0x5FFFF  }
0xad: {  	[dreg:$0x1] =	wrdreg $0xFFFFFFFF  }
0xae: {  	[dreg:$0x0] =	wrdreg $0x60  }
0xaf: {  	[dreg:$0x2] =	wrdreg s2  }
0xb0: {  	[dreg:$0x3] =	wrdreg s19  }
0xb1: {  	[dreg:$0x4] =	wrdreg $0x9  }
0xb2: {  	_ =	task.clear_ibuf [dreg:s8], $0x5FFFF;
	_ =	strace $0x90000046  }
0xb3: {  	s29 =	simm.s32 $0x9;
	_ =	strace $0x80000048  }
0xb4: {  	_ =	swait.ge [sflag:s29], $0x1  }
0xb5: {  	[sflag:s29] =	ssyncadd.s32 $0xFFFFFFFF  }
0xb6: {  	_ =	strace $0x90000048  }
0xb7: {  	_ =	sfence  }
0xb8: {  	s30 =	sld [smem:$0x0];
	_ =	sdelay $0x2  }
0xb9: {  	s31 =	sshll.u32 s1, $0xD;
	s1 =	sshrl.u32 s1, $0x2  }
0xba: {  	s3 =	sand.u32 $0x4000, s31;
	s1 =	sadd.s32 s1, s30  }
0xbb: {  	s0 =	sor.u32 s3, s0;
	s1 =	sshll.u32 s1, $0x11  }
0xbc: {  	s0 =	sor.u32 s1, s0  }
0xbd: {  	s0 =	sadd.s32 $0x8F2B, s0  }
0xbe: {  	[sflag:s0] =	ssyncadd.remote.s32 $0x1  }
0xbf: {  	_ =	sfence.sel $0xFFFF  }
0xc0: {  	[dreg:$0x0] =	wrdreg $0xFFFFFFFF;
	(pc) =	sbr.abs _section_cstart, $3  }
0xc1: {  	[dreg:$0x1] =	wrdreg $0xFFFFFFFF  }
0xc2: {  	_ =	task.clear_ibuf [dreg:s8], $0x2FFFF;
	_ =	strace $0x9FFFFFFF  }
0xc3: {  	(tm) =	ssettm $0x7FFFFFFF  }
tec
execute0_lowered:
.L_overlay_start_1:
0x0: {  	(tag) =	ssettag $0x1  }
0x1: {  	v1 =	vlaneseq.u32  }
0x2: {  	v7 =	vmul.u32 $0x27, v1;
	_ =	sdelay $0x1  }
0x3: {  	v0 =	vmul.u32 $0xA42, v1;
	v1 =	vadd.s32 $0x1, v7  }
0x4: {  	[tilespmem:$0x1FC90] =	vst v1;
	v1 =	vadd.s32 $0x2, v7  }
0x5: {  	[tilespmem:$0x1FCA0] =	vst v1;
	v1 =	vadd.s32 $0x3, v7  }
0x6: {  	[tilespmem:$0x1FCB0] =	vst v1;
	v1 =	vadd.s32 $0x4, v7  }
0x7: {  	[tilespmem:$0x1FCC0] =	vst v1;
	v1 =	vadd.s32 $0x5, v7  }
0x8: {  	[tilespmem:$0x1FCD0] =	vst v1;
	v1 =	vadd.s32 $0x6, v7  }
0x9: {  	[tilespmem:$0x1FCE0] =	vst v1;
	v1 =	vadd.s32 $0x7, v7  }
0xa: {  	[tilespmem:$0x1FCF0] =	vst v1;
	v1 =	vadd.s32 $0x8, v7  }
0xb: {  	[tilespmem:$0x1FD00] =	vst v1;
	v1 =	vadd.s32 $0x9, v7  }
0xc: {  	[tilespmem:$0x1FD10] =	vst v1;
	v1 =	vadd.s32 $0xA, v7  }
0xd: {  	s0 =	rddreg [dreg:$0x0];
	[tilespmem:$0x1FD20] =	vst v1;
	v1 =	vadd.s32 $0xB, v7  }
0xe: {  	s8 =	rddreg [dreg:$0x1];
	s3 =	simm.s32 $0x0;
	[tilespmem:$0x1FD30] =	vst v1;
	v1 =	vadd.s32 $0xC, v7  }
0xf: {  	s2 =	srdreg.scid;
	[smem:$0x7FF] =	sst s3;
	[tilespmem:$0x1FD40] =	vst v1  }
0x10: {  	s4 =	sand.u32 $0x1, s2;
	s2 =	rddreg [dreg:$0x2];
	v17 =	vadd.s32 $0x2, v0;
	_ =	strace $0x80000047;
	[tilespmem:$0x1FD50] =	vst v7  }
0x11: {  	v34 =	vadd.s32 $0x4, v0;
	[tilespmem:$0x1FD60] =	vst v17  }
0x12: {  	v35 =	vadd.s32 $0x6, v0;
	[tilespmem:$0x1FD70] =	vst v34  }
0x13: {  	v5 =	vadd.s32 $0x14, v0;
	[tilespmem:$0x1FD80] =	vst v35  }
0x14: {  	v31 =	vadd.s32 $0x16, v0;
	[tilespmem:$0x1FD90] =	vst v5  }
0x15: {  	v38 =	vadd.s32 $0x18, v0;
	[tilespmem:$0x1FDA0] =	vst v31  }
0x16: {  	v9 =	vadd.s32 $0x28, v0;
	[tilespmem:$0x1FDB0] =	vst v38  }
0x17: {  	v11 =	vadd.s32 $0x3C, v0;
	[tilespmem:$0x1FDC0] =	vst v9  }
0x18: {  	v13 =	vadd.s32 $0x50, v0;
	[tilespmem:$0x1FDD0] =	vst v11  }
0x19: {  	v15 =	vor.u32 $0x1, v0;
	[tilespmem:$0x1FDE0] =	vst v13  }
0x1a: {  	v19 =	vadd.s32 $0x15, v0;
	[tilespmem:$0x1FDF0] =	vst v15  }
0x1b: {  	v21 =	vadd.s32 $0x29, v0;
	[tilespmem:$0x1FE00] =	vst v19  }
0x1c: {  	v23 =	vadd.s32 $0x3D, v0;
	[tilespmem:$0x1FE10] =	vst v21  }
0x1d: {  	v26 =	vadd.s32 $0x51, v0;
	[tilespmem:$0x1FE20] =	vst v23  }
0x1e: {  	v32 =	vadd.s32 $0x2A, v0;
	[tilespmem:$0x1FE30] =	vst v26  }
0x1f: {  	v54 =	vadd.s32 $0x52, v0;
	[tilespmem:$0x1FE40] =	vst v32  }
0x20: {  	v55 =	vadd.s32 $0x8, v0;
	[tilespmem:$0x1FE50] =	vst v54  }
0x21: {  	v56 =	vadd.s32 $0xA, v0;
	[tilespmem:$0x1FE60] =	vst v55  }
0x22: {  	v3 =	vadd.s32 $0x3F, v0;
	[tilespmem:$0x1FE70] =	vst v56  }
0x23: {  	v4 =	vadd.s32 $0x53, v0;
	[tilespmem:$0x1FE80] =	vst v3  }
0x24: {  	v6 =	vadd.s32 $0x2C, v0;
	[tilespmem:$0x1FE90] =	vst v4  }
0x25: {  	v8 =	vadd.s32 $0x40, v0;
	[tilespmem:$0x1FEA0] =	vst v6  }
0x26: {  	v10 =	vadd.s32 $0x54, v0;
	[tilespmem:$0x1FEB0] =	vst v8  }
0x27: {  	v12 =	vadd.s32 $0x5, v0;
	[tilespmem:$0x1FEC0] =	vst v10  }
0x28: {  	v14 =	vadd.s32 $0x19, v0;
	[tilespmem:$0x1FED0] =	vst v12  }
0x29: {  	v16 =	vadd.s32 $0x2D, v0;
	[tilespmem:$0x1FEE0] =	vst v14  }
0x2a: {  	v18 =	vadd.s32 $0x41, v0;
	[tilespmem:$0x1FEF0] =	vst v16  }
0x2b: {  	v20 =	vadd.s32 $0x55, v0;
	[tilespmem:$0x1FF00] =	vst v18  }
0x2c: {  	v22 =	vadd.s32 $0x1A, v0;
	[tilespmem:$0x1FF10] =	vst v20  }
0x2d: {  	v24 =	vadd.s32 $0x2E, v0;
	[tilespmem:$0x1FF20] =	vst v22  }
0x2e: {  	v25 =	vadd.s32 $0x42, v0;
	[tilespmem:$0x1FF30] =	vst v24  }
0x2f: {  	v27 =	vadd.s32 $0x56, v0;
	[tilespmem:$0x1FF40] =	vst v25  }
0x30: {  	v28 =	vadd.s32 $0x7, v0;
	[tilespmem:$0x1FF50] =	vst v27  }
0x31: {  	s1 =	stileid.u32;
	v29 =	vadd.s32 $0x1B, v0;
	[tilespmem:$0x1FF60] =	vst v28  }
0x32: {  	s5 =	sshll.u32 s1, $0x1;
	v30 =	vadd.s32 $0x2F, v0;
	[tilespmem:$0x1FF70] =	vst v29  }
0x33: {  	s11 =	simm.s32 $0x1;
	s5 =	sor.u32 s4, s5;
	v33 =	vadd.s32 $0x43, v0;
	[tilespmem:$0x1FF80] =	vst v30  }
0x34: {  	s12 =	simm.s32 $0x14900;
	s13 =	simm.s32 $0x2;
	s6 =	smul.u32 $0x148400, s5;
	v36 =	vadd.s32 $0x57, v0;
	[tilespmem:$0x1FF90] =	vst v33  }
0x35: {  	s14 =	simm.s32 $0x3;
	s4 =	ssub.s32 $0x2, s4;
	s30 =	smul.u32 $0x29080, s5;
	v37 =	vadd.s32 $0x1C, v0;
	[tilespmem:$0x1FFA0] =	vst v36  }
.Ltmp0:
0x36: {  	s15 =	simm.s32 $0x0;
	s7 =	sshrl.u32 s4, $0x1;
	v39 =	vadd.s32 $0x30, v0;
	[tilespmem:$0x1FFB0] =	vst v37;
	(pc) =	sbr.rel .LBB2_1-.Ltmp0, $4  }
0x37: {  	s31 =	sshll.u32 s5, $0x9;
	s10 =	smul.u32 $0x9C0, s5;
	v40 =	vadd.s32 $0x44, v0;
	s9 =	ssub.s32 s4, s7;
	[tilespmem:$0x1FFC0] =	vst v39  }
0x38: {  	v57 =	vadd.s32 $0xC, v0;
	v58 =	vadd.s32 $0xE, v0;
	v41 =	vadd.s32 $0x58, v0;
	s7 =	sor.u32 $0x30, s31;
	s6 =	sshrl.u32 s6, $0x3;
	s4 =	sadd.s32 s0, s30;
	[tilespmem:$0x1FFD0] =	vst v40  }
0x39: {  	v59 =	vadd.s32 $0x10, v0;
	v63 =	vadd.s32 $0x12, v0;
	v52 =	vadd.s32 $0x3E, v0;
	s8 =	sadd.s32 s8, s10;
	s9 =	smax.u32 s9, $0x1;
	s6 =	sadd.s32 s0, s6;
	[tilespmem:$0x1FFE0] =	vst v41  }
0x3a: {  	v60 =	vadd.s32 $0x3, v0;
	v61 =	vadd.s32 $0x17, v0;
	v62 =	vadd.s32 $0x2B, v0;
	s10 =	simm.s32 $0xA480;
	s5 =	sadd.s32 $0x1484, s6;
	s6 =	sor.u32 $0x20, s31;
	[tilespmem:$0x1FFF0] =	vst v63  }
.LBB2_8:
0x3b: {  	s15 =	sadd.s32 $0x1, s15  }
0x3c: {  	p0 =	sne.s32 s15, s9  }
.Ltmp1:
0x3d: {  	_ = 	snop;
	(pc) =	sbr.rel @!p0 .LBB2_9-.Ltmp1, $4  }
0x3e: {  	[hbm4b:s8+s3] =	stream.linear.scatter [tilespmem:s12], [sflag:$0x3], $0x4E00, $0x38;
	[tilespmem:$0x19700] =	vst v63  }
0x3f: {  	_ =	swait.ge [sflag:s14], $0x4E00  }
0x40: {  	[sflag:s14] =	ssyncset.done $0x0  }
0x41: {  	v7 =	vld [tilespmem:$0x1FD50];
	[sflag:s14] =	ssyncadd.s32 $0xFFFFB200  }
.LBB2_1:
0x42: {  	[tilespmem:s3], [sflag:$0x1] =	stream.linear.gather [hbm4b:s4+s3], $0xA420, $0x38;
	[tilespmem:$0x19700] =	vst v63  }
0x43: {  	s16 =	simm.s32 $0x0  }
0x44: {  	[tilespmem:s10], [sflag:$0x2] =	stream.linear.gather [hbm4b:s5+s3], $0xA420, $0x38;
	[tilespmem:$0x19700] =	vst v63  }
.LBB2_2:
0x45: {  	_ = 	snop  }
0x46: {  	_ =	swait.ge [sflag:s11], $0xA420  }
0x47: {  	s17 =	smul.u32 $0x4E0, s16;
	[sflag:s11] =	ssyncset.done $0x0  }
0x48: {  	s18 =	simm.s32 $0x0;
	[sflag:s11] =	ssyncadd.s32 $0xFFFF5BE0  }
0x49: {  	v1 =	vadd.s32 s17, v7;
	v2 =	vld.idx.msk [tilespmem:v0+s18+$0x0], $0xffff;
	_ =	sdelay $0x4  }
0x4a: {  	[tilespmem:v1+s12+$0x0] =	vst.idx.msk $0xffff, v2;
	v2 =	vld [tilespmem:$0x1FC90];
	_ =	sdelay $0x4  }
0x4b: {  	v1 =	vld.idx.msk [tilespmem:v17+s18+$0x0], $0xffff;
	v2 =	vadd.s32 s17, v2;
	_ =	sdelay $0x4  }
0x4c: {  	[tilespmem:v2+s12+$0x0] =	vst.idx.msk $0xffff, v1;
	v2 =	vld [tilespmem:$0x1FCA0];
	_ =	sdelay $0x4  }
0x4d: {  	v1 =	vld.idx.msk [tilespmem:v34+s18+$0x0], $0xffff;
	v2 =	vadd.s32 s17, v2;
	_ =	sdelay $0x4  }
0x4e: {  	[tilespmem:v2+s12+$0x0] =	vst.idx.msk $0xffff, v1;
	v2 =	vld [tilespmem:$0x1FCB0];
	_ =	sdelay $0x4  }
0x4f: {  	v1 =	vld.idx.msk [tilespmem:v35+s18+$0x0], $0xffff;
	v2 =	vadd.s32 s17, v2;
	_ =	sdelay $0x4  }
0x50: {  	[tilespmem:v2+s12+$0x0] =	vst.idx.msk $0xffff, v1;
	v2 =	vld [tilespmem:$0x1FCC0];
	_ =	sdelay $0x4  }
0x51: {  	v1 =	vld.idx.msk [tilespmem:v55+s18+$0x0], $0xffff;
	v2 =	vadd.s32 s17, v2;
	_ =	sdelay $0x4  }
0x52: {  	[tilespmem:v2+s12+$0x0] =	vst.idx.msk $0xffff, v1;
	v2 =	vld [tilespmem:$0x1FCD0];
	_ =	sdelay $0x4  }
0x53: {  	v1 =	vld.idx.msk [tilespmem:v56+s18+$0x0], $0xffff;
	v2 =	vadd.s32 s17, v2;
	_ =	sdelay $0x4  }
0x54: {  	[tilespmem:v2+s12+$0x0] =	vst.idx.msk $0xffff, v1;
	v2 =	vld [tilespmem:$0x1FCE0];
	_ =	sdelay $0x4  }
0x55: {  	v1 =	vld.idx.msk [tilespmem:v57+s18+$0x0], $0xffff;
	v2 =	vadd.s32 s17, v2;
	_ =	sdelay $0x4  }
0x56: {  	[tilespmem:v2+s12+$0x0] =	vst.idx.msk $0xffff, v1;
	v2 =	vld [tilespmem:$0x1FCF0];
	_ =	sdelay $0x4  }
0x57: {  	v1 =	vld.idx.msk [tilespmem:v58+s18+$0x0], $0xffff;
	v2 =	vadd.s32 s17, v2;
	_ =	sdelay $0x4  }
0x58: {  	[tilespmem:v2+s12+$0x0] =	vst.idx.msk $0xffff, v1;
	v2 =	vld [tilespmem:$0x1FD00];
	_ =	sdelay $0x4  }
0x59: {  	v1 =	vld.idx.msk [tilespmem:v59+s18+$0x0], $0xffff;
	v2 =	vadd.s32 s17, v2;
	_ =	sdelay $0x4  }
0x5a: {  	[tilespmem:v2+s12+$0x0] =	vst.idx.msk $0xffff, v1;
	v2 =	vld [tilespmem:$0x1FD10];
	_ =	sdelay $0x4  }
0x5b: {  	v1 =	vld.idx.msk [tilespmem:v63+s18+$0x0], $0xffff;
	v2 =	vadd.s32 s17, v2;
	_ =	sdelay $0x4  }
0x5c: {  	[tilespmem:v2+s12+$0x0] =	vst.idx.msk $0xffff, v1;
	v2 =	vld [tilespmem:$0x1FD20];
	_ =	sdelay $0x4  }
0x5d: {  	v1 =	vld.idx.msk [tilespmem:v5+s18+$0x0], $0xffff;
	v2 =	vadd.s32 s17, v2;
	_ =	sdelay $0x4  }
0x5e: {  	[tilespmem:v2+s12+$0x0] =	vst.idx.msk $0xffff, v1;
	v2 =	vld [tilespmem:$0x1FD30];
	_ =	sdelay $0x4  }
0x5f: {  	v1 =	vld.idx.msk [tilespmem:v31+s18+$0x0], $0xffff;
	v2 =	vadd.s32 s17, v2;
	_ =	sdelay $0x4  }
0x60: {  	[tilespmem:v2+s12+$0x0] =	vst.idx.msk $0xffff, v1;
	v2 =	vld [tilespmem:$0x1FD40];
	_ =	sdelay $0x4  }
0x61: {  	v1 =	vld.idx.msk [tilespmem:v38+s18+$0x0], $0xffff;
	v2 =	vadd.s32 s17, v2;
	_ =	sdelay $0x4  }
0x62: {  	s19 =	simm.s32 $0x1A;
	[tilespmem:v2+s12+$0x0] =	vst.idx.msk $0xffff, v1  }
.LBB2_3:
0x63: {  	_ =	sdelay $0x2  }
0x64: {  	v51 =	vadd.s32 s19, v0  }
0x65: {  	v1 =	vadd.s32 s19, v5  }
0x66: {  	v2 =	vadd.s32 s19, v9  }
0x67: {  	v3 =	vadd.s32 s19, v11  }
0x68: {  	v4 =	vadd.s32 s19, v13  }
0x69: {  	v6 =	vadd.s32 s19, v15;
	v5 =	vld.idx.msk [tilespmem:v51+s3+$0x0], $0xffff  }
0x6a: {  	v8 =	vadd.s32 s19, v19;
	v7 =	vld.idx.msk [tilespmem:v1+s3+$0x0], $0xffff  }
0x6b: {  	v10 =	vadd.s32 s19, v21;
	v9 =	vld.idx.msk [tilespmem:v2+s3+$0x0], $0xffff  }
0x6c: {  	v14 =	vadd.s32 s19, v26;
	v11 =	vld.idx.msk [tilespmem:v3+s3+$0x0], $0xffff  }
0x6d: {  	v13 =	vld.idx.msk [tilespmem:v4+s3+$0x0], $0xffff  }
0x6e: {  	v12 =	vadd.s32 s19, v23;
	v15 =	vld.idx.msk [tilespmem:v6+s3+$0x0], $0xffff  }
0x6f: {  	v16 =	vadd.s32 s19, v17;
	v17 =	vld.idx.msk [tilespmem:v8+s3+$0x0], $0xffff  }
0x70: {  	v22 =	vadd.s32 s19, v52;
	v18 =	vld.idx.msk [tilespmem:v10+s3+$0x0], $0xffff;
	vm0 =	vgt.f32 v5, $-Inf  }
0x71: {  	v19 =	vadd.s32 s19, v31;
	v20 =	vadd.s32 s19, v32;
	v23 =	vld.idx.msk [tilespmem:v14+s3+$0x0], $0xffff;
	v5 =	vnsel vm0, $0xFF800000, v5  }
0x72: {  	vm1 =	vgt.f32 v7, $-Inf;
	vm4 =	vgt.f32 v9, $-Inf;
	vm5 =	vgt.f32 v11, $-Inf  }
0x73: {  	v21 =	vld.idx.msk [tilespmem:v12+s3+$0x0], $0xffff;
	vm6 =	vgt.f32 v13, $-Inf;
	vm7 =	vgt.f32 v15, v5;
	v7 =	vnsel vm1, $0xFF800000, v7  }
0x74: {  	v9 =	vnsel vm4, $0xFF800000, v9;
	v11 =	vnsel vm5, $0xFF800000, v11;
	v13 =	vnsel vm6, $0xFF800000, v13  }
0x75: {  	v5 =	vsel vm7, v15, v5;
	v6 =	vsel vm7, v6, v51;
	v15 =	vld.idx.msk [tilespmem:v16+s3+$0x0], $0xffff;
	vm8 =	vgt.f32 v17, v7  }
0x76: {  	v24 =	vld.idx.msk [tilespmem:v20+s3+$0x0], $0xffff;
	vm9 =	vgt.f32 v18, v9;
	vm11 =	vgt.f32 v23, v13;
	v1 =	vsel vm8, v8, v1  }
0x77: {  	v8 =	vsel vm9, v18, v9;
	v9 =	vadd.s32 s19, v60;
	v4 =	vsel vm11, v14, v4;
	v14 =	vld [tilespmem:$0x1FE80]  }
0x78: {  	vm10 =	vgt.f32 v21, v11;
	v7 =	vsel vm8, v17, v7;
	v17 =	vadd.s32 s19, v54;
	v18 =	vld.idx.msk [tilespmem:v19+s3+$0x0], $0xffff  }
0x79: {  	v2 =	vsel vm9, v10, v2;
	v10 =	vadd.s32 s19, v61;
	v11 =	vsel vm10, v21, v11  }
0x7a: {  	v3 =	vsel vm10, v12, v3;
	v12 =	vld.idx.msk [tilespmem:v22+s3+$0x0], $0xffff;
	v21 =	vadd.s32 s19, v62;
	vm12 =	vgt.f32 v15, v5  }
0x7b: {  	v6 =	vsel vm12, v16, v6;
	v16 =	vld [tilespmem:$0x1FE90]  }
0x7c: {  	v13 =	vsel vm11, v23, v13;
	v14 =	vadd.s32 s19, v14;
	v23 =	vld.idx.msk [tilespmem:v9+s3+$0x0], $0xffff  }
0x7d: {  	vm14 =	vgt.f32 v24, v8;
	v5 =	vsel vm12, v15, v5;
	v15 =	vld.idx.msk [tilespmem:v17+s3+$0x0], $0xffff;
	vm13 =	vgt.f32 v18, v7  }
0x7e: {  	v2 =	vsel vm14, v20, v2;
	v7 =	vsel vm13, v18, v7;
	v18 =	vld.idx.msk [tilespmem:v10+s3+$0x0], $0xffff  }
0x7f: {  	vm15 =	vgt.f32 v12, v11;
	v20 =	vld.idx.msk [tilespmem:v21+s3+$0x0], $0xffff;
	v1 =	vsel vm13, v19, v1;
	v19 =	vadd.s32 s19, v34  }
0x80: {  	v3 =	vsel vm15, v22, v3;
	v22 =	vld [tilespmem:$0x1FEA0]  }
0x81: {  	v8 =	vsel vm14, v24, v8;
	v11 =	vsel vm15, v12, v11;
	v24 =	vld.idx.msk [tilespmem:v14+s3+$0x0], $0xffff;
	vm5 =	vgt.f32 v23, v5  }
0x82: {  	v16 =	vadd.s32 s19, v16;
	vm4 =	vgt.f32 v15, v13;
	v6 =	vsel vm5, v9, v6;
	v9 =	vld [tilespmem:$0x1FEC0]  }
0x83: {  	v12 =	vadd.s32 s19, v38;
	v4 =	vsel vm4, v17, v4;
	vm6 =	vgt.f32 v18, v7;
	v17 =	vld [tilespmem:$0x1FEB0]  }
0x84: {  	v7 =	vsel vm6, v18, v7;
	v18 =	vld.idx.msk [tilespmem:v19+s3+$0x0], $0xffff  }
0x85: {  	vm7 =	vgt.f32 v20, v8;
	v22 =	vadd.s32 s19, v22;
	v1 =	vsel vm6, v10, v1;
	v10 =	vld [tilespmem:$0x1FED0]  }
0x86: {  	v2 =	vsel vm7, v21, v2;
	v21 =	vld [tilespmem:$0x1FEE0]  }
0x87: {  	v13 =	vsel vm4, v15, v13;
	v15 =	vld.idx.msk [tilespmem:v16+s3+$0x0], $0xffff;
	v9 =	vadd.s32 s19, v9  }
0x88: {  	v5 =	vsel vm5, v23, v5;
	v23 =	vld.idx.msk [tilespmem:v12+s3+$0x0], $0xffff;
	vm8 =	vgt.f32 v24, v11  }
0x89: {  	v17 =	vadd.s32 s19, v17;
	v3 =	vsel vm8, v14, v3;
	v14 =	vld [tilespmem:$0x1FEF0]  }
0x8a: {  	v8 =	vsel vm7, v20, v8;
	v20 =	vld.idx.msk [tilespmem:v22+s3+$0x0], $0xffff;
	v10 =	vadd.s32 s19, v10;
	vm10 =	vgt.f32 v18, v5  }
0x8b: {  	v6 =	vsel vm10, v19, v6;
	v19 =	vld [tilespmem:$0x1FF10]  }
0x8c: {  	v11 =	vsel vm8, v24, v11;
	v21 =	vadd.s32 s19, v21;
	vm9 =	vgt.f32 v15, v13;
	v24 =	vld.idx.msk [tilespmem:v9+s3+$0x0], $0xffff  }
0x8d: {  	v4 =	vsel vm9, v16, v4;
	v16 =	vld [tilespmem:$0x1FF00]  }
0x8e: {  	v13 =	vsel vm9, v15, v13;
	v14 =	vadd.s32 s19, v14;
	v15 =	vld.idx.msk [tilespmem:v17+s3+$0x0], $0xffff  }
0x8f: {  	v5 =	vsel vm10, v18, v5;
	vm12 =	vgt.f32 v20, v8;
	v18 =	vld.idx.msk [tilespmem:v10+s3+$0x0], $0xffff  }
0x90: {  	v2 =	vsel vm12, v22, v2;
	v22 =	vld [tilespmem:$0x1FF20];
	v19 =	vadd.s32 s19, v19  }
0x91: {  	vm11 =	vgt.f32 v23, v7;
	v8 =	vsel vm12, v20, v8;
	v20 =	vld.idx.msk [tilespmem:v21+s3+$0x0], $0xffff;
	vm14 =	vgt.f32 v24, v13  }
0x92: {  	v7 =	vsel vm11, v23, v7;
	v4 =	vsel vm14, v9, v4;
	v9 =	vld [tilespmem:$0x1FF40]  }
0x93: {  	v1 =	vsel vm11, v12, v1;
	v12 =	vadd.s32 s19, v35;
	vm13 =	vgt.f32 v15, v11;
	v23 =	vld.idx.msk [tilespmem:v14+s3+$0x0], $0xffff  }
0x94: {  	v16 =	vadd.s32 s19, v16;
	v11 =	vsel vm13, v15, v11;
	v15 =	vld [tilespmem:$0x1FF30]  }
0x95: {  	v22 =	vadd.s32 s19, v22;
	v3 =	vsel vm13, v17, v3;
	vm15 =	vgt.f32 v18, v5;
	v17 =	vld.idx.msk [tilespmem:v19+s3+$0x0], $0xffff  }
0x96: {  	vm4 =	vgt.f32 v20, v7;
	v6 =	vsel vm15, v10, v6;
	v10 =	vld [tilespmem:$0x1FF50]  }
0x97: {  	v7 =	vsel vm4, v20, v7;
	v20 =	vld [tilespmem:$0x1FF60];
	v9 =	vadd.s32 s19, v9  }
0x98: {  	v5 =	vsel vm15, v18, v5;
	v18 =	vld.idx.msk [tilespmem:v12+s3+$0x0], $0xffff  }
0x99: {  	v25 =	vld.idx.msk [tilespmem:v16+s3+$0x0], $0xffff  }
0x9a: {  	v13 =	vsel vm14, v24, v13;
	vm5 =	vgt.f32 v23, v8;
	v24 =	vld.idx.msk [tilespmem:v22+s3+$0x0], $0xffff  }
0x9b: {  	v2 =	vsel vm5, v14, v2;
	v14 =	vld [tilespmem:$0x1FF70];
	v10 =	vadd.s32 s19, v10  }
0x9c: {  	v8 =	vsel vm5, v23, v8;
	v20 =	vadd.s32 s19, v20;
	vm7 =	vgt.f32 v17, v13;
	v23 =	vld.idx.msk [tilespmem:v9+s3+$0x0], $0xffff  }
0x9d: {  	vm8 =	vgt.f32 v18, v5;
	v13 =	vsel vm7, v17, v13;
	v17 =	vld [tilespmem:$0x1FF90]  }
0x9e: {  	v15 =	vadd.s32 s19, v15;
	v5 =	vsel vm8, v18, v5;
	v18 =	vld [tilespmem:$0x1FFA0];
	vm6 =	vgt.f32 v25, v11  }
0x9f: {  	v3 =	vsel vm6, v16, v3;
	v16 =	vld [tilespmem:$0x1FF80]  }
0xa0: {  	v11 =	vsel vm6, v25, v11;
	v25 =	vld.idx.msk [tilespmem:v10+s3+$0x0], $0xffff  }
0xa1: {  	v6 =	vsel vm8, v12, v6;
	v12 =	vld.idx.msk [tilespmem:v20+s3+$0x0], $0xffff;
	vm11 =	vgt.f32 v23, v11  }
0xa2: {  	v9 =	vsel vm11, v9, v3;
	v3 =	vld [tilespmem:$0x1FFC0]  }
0xa3: {  	v1 =	vsel vm4, v21, v1;
	v21 =	vld.idx.msk [tilespmem:v15+s3+$0x0], $0xffff;
	v14 =	vadd.s32 s19, v14  }
0xa4: {  	vm9 =	vgt.f32 v24, v7  }
0xa5: {  	v4 =	vsel vm7, v19, v4;
	v1 =	vsel vm9, v22, v1;
	v16 =	vadd.s32 s19, v16  }
0xa6: {  	v22 =	vld [tilespmem:$0x1FFB0];
	v17 =	vadd.s32 s19, v17;
	vm12 =	vgt.f32 v25, v13;
	vm13 =	vgt.f32 v12, v5  }
0xa7: {  	v4 =	vsel vm12, v10, v4;
	v10 =	vsel vm13, v12, v5;
	v12 =	vadd.s32 s19, v3;
	v3 =	vld [tilespmem:$0x1FFD0]  }
0xa8: {  	v18 =	vadd.s32 s19, v18;
	vm10 =	vgt.f32 v21, v8;
	v19 =	vld.idx.msk [tilespmem:v14+s3+$0x0], $0xffff  }
0xa9: {  	v2 =	vsel vm10, v15, v2;
	v15 =	vadd.s32 s19, v55  }
0xaa: {  	v8 =	vsel vm10, v21, v8;
	v21 =	vld.idx.msk [tilespmem:v16+s3+$0x0], $0xffff  }
0xab: {  	v11 =	vsel vm11, v23, v11;
	v22 =	vadd.s32 s19, v22;
	v23 =	vld.idx.msk [tilespmem:v17+s3+$0x0], $0xffff  }
0xac: {  	v7 =	vsel vm9, v24, v7;
	v6 =	vsel vm13, v20, v6;
	v20 =	vadd.s32 s19, v3;
	v3 =	vld [tilespmem:$0x1FFE0]  }
0xad: {  	v5 =	vld.idx.msk [tilespmem:v18+s3+$0x0], $0xffff;
	vm14 =	vgt.f32 v19, v7  }
0xae: {  	v1 =	vsel vm14, v14, v1;
	v14 =	vld.idx.msk [tilespmem:v15+s3+$0x0], $0xffff  }
0xaf: {  	v36 =	vadd.s32 s19, v57;
	v13 =	vsel vm12, v25, v13;
	vm15 =	vgt.f32 v21, v8  }
0xb0: {  	v7 =	vsel vm14, v19, v7;
	vm4 =	vgt.f32 v23, v11;
	v8 =	vsel vm15, v21, v8;
	v21 =	vld.idx.msk [tilespmem:v22+s3+$0x0], $0xffff  }
0xb1: {  	v11 =	vsel vm4, v23, v11;
	v19 =	vadd.s32 s19, v3;
	v3 =	vadd.s32 $0x9, v0  }
0xb2: {  	v2 =	vsel vm15, v16, v2;
	v23 =	vld.idx.msk [tilespmem:v12+s3+$0x0], $0xffff;
	[tilespmem:$0x1FA90] =	vst v3;
	v16 =	vadd.s32 s19, v3;
	v3 =	vadd.s32 $0x1D, v0  }
0xb3: {  	vm5 =	vgt.f32 v5, v13;
	vm6 =	vgt.f32 v14, v10;
	v24 =	vadd.s32 s19, v3  }
0xb4: {  	v17 =	vsel vm4, v17, v9;
	v4 =	vsel vm5, v18, v4;
	v10 =	vsel vm6, v14, v10;
	v25 =	vld.idx.msk [tilespmem:v20+s3+$0x0], $0xffff  }
0xb5: {  	v6 =	vsel vm6, v15, v6;
	vm7 =	vgt.f32 v21, v7;
	[tilespmem:$0x1FAA0] =	vst v3;
	v3 =	vadd.s32 $0x31, v0  }
0xb6: {  	v15 =	vsel vm7, v21, v7;
	[tilespmem:$0x1FAB0] =	vst v3;
	v14 =	vadd.s32 s19, v3;
	v3 =	vadd.s32 $0x45, v0;
	v18 =	vld.idx.msk [tilespmem:v19+s3+$0x0], $0xffff  }
0xb7: {  	v1 =	vsel vm7, v22, v1;
	vm8 =	vgt.f32 v23, v8;
	v21 =	vadd.s32 s19, v3;
	v22 =	vld.idx.msk [tilespmem:v16+s3+$0x0], $0xffff  }
0xb8: {  	v8 =	vsel vm8, v23, v8;
	v23 =	vadd.s32 s19, v56;
	[tilespmem:$0x1FAC0] =	vst v3;
	v3 =	vadd.s32 $0x59, v0;
	v27 =	vld.idx.msk [tilespmem:v24+s3+$0x0], $0xffff  }
0xb9: {  	v13 =	vsel vm5, v5, v13;
	vm9 =	vgt.f32 v25, v11;
	v26 =	vadd.s32 s19, v3  }
0xba: {  	v2 =	vsel vm8, v12, v2;
	[tilespmem:$0x1FAD0] =	vst v3;
	v3 =	vadd.s32 $0x1E, v0;
	v12 =	vsel vm9, v25, v11  }
0xbb: {  	v20 =	vsel vm9, v20, v17;
	v28 =	vadd.s32 s19, v3;
	v25 =	vld.idx.msk [tilespmem:v14+s3+$0x0], $0xffff;
	vm10 =	vgt.f32 v18, v13  }
0xbc: {  	[tilespmem:$0x1FAE0] =	vst v3;
	v3 =	vadd.s32 $0x32, v0;
	v29 =	vld.idx.msk [tilespmem:v21+s3+$0x0], $0xffff;
	v18 =	vsel vm10, v18, v13;
	vm11 =	vgt.f32 v22, v10  }
0xbd: {  	v31 =	vld.idx.msk [tilespmem:v23+s3+$0x0], $0xffff;
	v4 =	vsel vm10, v19, v4;
	v10 =	vsel vm11, v22, v10;
	vm12 =	vgt.f32 v27, v15  }
0xbe: {  	[tilespmem:$0x1FAF0] =	vst v3;
	v30 =	vld.idx.msk [tilespmem:v26+s3+$0x0], $0xffff;
	v22 =	vadd.s32 s19, v3;
	v6 =	vsel vm11, v16, v6;
	v3 =	vadd.s32 $0x46, v0  }
0xbf: {  	v16 =	vsel vm12, v27, v15;
	[tilespmem:$0x1FB00] =	vst v3;
	v27 =	vadd.s32 s19, v3;
	v3 =	vadd.s32 $0x5A, v0  }
0xc0: {  	vm13 =	vgt.f32 v25, v8;
	v1 =	vsel vm12, v24, v1;
	v24 =	vadd.s32 s19, v3  }
0xc1: {  	[tilespmem:$0x1FB10] =	vst v3;
	v2 =	vsel vm13, v14, v2;
	vm14 =	vgt.f32 v29, v12;
	v3 =	vadd.s32 $0xB, v0;
	v14 =	vld.idx.msk [tilespmem:v28+s3+$0x0], $0xffff  }
0xc2: {  	vm4 =	vgt.f32 v31, v10;
	v12 =	vsel vm14, v29, v12;
	v29 =	vadd.s32 s19, v3  }
0xc3: {  	v8 =	vsel vm13, v25, v8;
	vm15 =	vgt.f32 v30, v18;
	[tilespmem:$0x1FB20] =	vst v3;
	v3 =	vadd.s32 $0x1F, v0;
	v46 =	vld.idx.msk [tilespmem:v22+s3+$0x0], $0xffff  }
0xc4: {  	v18 =	vsel vm15, v30, v18;
	v4 =	vsel vm15, v26, v4;
	v30 =	vadd.s32 s19, v3;
	v26 =	vld.idx.msk [tilespmem:v27+s3+$0x0], $0xffff  }
0xc5: {  	v10 =	vsel vm4, v31, v10;
	v6 =	vsel vm4, v23, v6;
	[tilespmem:$0x1FB30] =	vst v3;
	v3 =	vadd.s32 $0x33, v0  }
0xc6: {  	[tilespmem:$0x1FB40] =	vst v3;
	v33 =	vadd.s32 s19, v3;
	v3 =	vadd.s32 $0x47, v0;
	v31 =	vld.idx.msk [tilespmem:v24+s3+$0x0], $0xffff;
	vm5 =	vgt.f32 v14, v16  }
0xc7: {  	v20 =	vsel vm14, v21, v20;
	v14 =	vsel vm5, v14, v16;
	v16 =	vadd.s32 s19, v3;
	v47 =	vld.idx.msk [tilespmem:v29+s3+$0x0], $0xffff  }
0xc8: {  	v48 =	vsel vm5, v28, v1;
	v1 =	vadd.s32 $0x5B, v0;
	vm6 =	vgt.f32 v46, v8  }
0xc9: {  	v49 =	vld.idx.msk [tilespmem:v30+s3+$0x0], $0xffff;
	v8 =	vsel vm6, v46, v8;
	v2 =	vsel vm6, v22, v2;
	vm7 =	vgt.f32 v26, v12  }
0xca: {  	[tilespmem:$0x1FB60] =	vst v1;
	v22 =	vadd.s32 s19, v1;
	v1 =	vadd.s32 $0x20, v0;
	v12 =	vsel vm7, v26, v12  }
0xcb: {  	vm8 =	vgt.f32 v31, v18;
	v20 =	vsel vm7, v27, v20;
	v37 =	vadd.s32 s19, v1  }
0xcc: {  	v54 =	vld.idx.msk [tilespmem:v36+s3+$0x0], $0xffff;
	[tilespmem:$0x1FB70] =	vst v1;
	v1 =	vadd.s32 $0x34, v0;
	v18 =	vsel vm8, v31, v18;
	vm9 =	vgt.f32 v47, v10  }
0xcd: {  	v31 =	vld.idx.msk [tilespmem:v33+s3+$0x0], $0xffff;
	v4 =	vsel vm8, v24, v4;
	[tilespmem:$0x1FB80] =	vst v1;
	v24 =	vadd.s32 s19, v1;
	v1 =	vadd.s32 $0x48, v0  }
0xce: {  	v50 =	vld.idx.msk [tilespmem:v16+s3+$0x0], $0xffff;
	v10 =	vsel vm9, v47, v10;
	v6 =	vsel vm9, v29, v6;
	vm10 =	vgt.f32 v49, v14  }
0xcf: {  	[tilespmem:$0x1FB90] =	vst v1;
	v39 =	vadd.s32 s19, v1;
	v1 =	vadd.s32 $0x5C, v0;
	v14 =	vsel vm10, v49, v14  }
0xd0: {  	v35 =	vsel vm10, v30, v48;
	[tilespmem:$0x1FBA0] =	vst v1;
	v40 =	vadd.s32 s19, v1;
	v1 =	vadd.s32 $0xD, v0;
	v53 =	vld.idx.msk [tilespmem:v22+s3+$0x0], $0xffff  }
0xd1: {  	vm14 =	vgt.f32 v54, v10;
	[tilespmem:$0x1FBB0] =	vst v1;
	v55 =	vadd.s32 s19, v1;
	v1 =	vadd.s32 $0x21, v0;
	v41 =	vld.idx.msk [tilespmem:v37+s3+$0x0], $0xffff  }
0xd2: {  	v10 =	vsel vm14, v54, v10;
	v6 =	vsel vm14, v36, v6;
	vm11 =	vgt.f32 v31, v8;
	v42 =	vld.idx.msk [tilespmem:v24+s3+$0x0], $0xffff  }
0xd3: {  	vm12 =	vgt.f32 v50, v12;
	v8 =	vsel vm11, v31, v8;
	v2 =	vsel vm11, v33, v2  }
0xd4: {  	[tilespmem:$0x1FBC0] =	vst v1;
	v16 =	vsel vm12, v16, v20;
	v20 =	vadd.s32 s19, v1;
	v43 =	vld.idx.msk [tilespmem:v39+s3+$0x0], $0xffff;
	v1 =	vadd.s32 $0x35, v0  }
0xd5: {  	v12 =	vsel vm12, v50, v12;
	v44 =	vadd.s32 s19, v1;
	vm13 =	vgt.f32 v53, v18  }
0xd6: {  	[tilespmem:$0x1FBD0] =	vst v1;
	v1 =	vadd.s32 $0x49, v0;
	v56 =	vld.idx.msk [tilespmem:v55+s3+$0x0], $0xffff;
	v18 =	vsel vm13, v53, v18;
	vm15 =	vgt.f32 v41, v14  }
0xd7: {  	v4 =	vsel vm13, v22, v4;
	v22 =	vld.idx.msk [tilespmem:v40+s3+$0x0], $0xffff;
	v14 =	vsel vm15, v41, v14;
	vm4 =	vgt.f32 v42, v8  }
0xd8: {  	[tilespmem:$0x1FBE0] =	vst v1;
	v37 =	vsel vm15, v37, v35;
	v41 =	vadd.s32 s19, v1;
	v1 =	vadd.s32 $0x5D, v0  }
0xd9: {  	v8 =	vsel vm4, v42, v8;
	v24 =	vsel vm4, v24, v2;
	vm5 =	vgt.f32 v43, v12  }
0xda: {  	v63 =	vld.idx.msk [tilespmem:v20+s3+$0x0], $0xffff;
	[tilespmem:$0x1FBF0] =	vst v1;
	v12 =	vsel vm5, v43, v12;
	v43 =	vadd.s32 s19, v1;
	v1 =	vadd.s32 $0x22, v0  }
0xdb: {  	vm7 =	vgt.f32 v56, v10;
	[tilespmem:$0x1FC00] =	vst v1;
	v45 =	vadd.s32 s19, v1;
	v1 =	vadd.s32 $0x36, v0  }
0xdc: {  	v32 =	vld.idx.msk [tilespmem:v44+s3+$0x0], $0xffff;
	vm6 =	vgt.f32 v22, v18;
	[tilespmem:$0x1FC10] =	vst v1;
	v48 =	vadd.s32 s19, v1;
	v1 =	vadd.s32 $0x4A, v0  }
0xdd: {  	v18 =	vsel vm6, v22, v18;
	v22 =	vsel vm6, v40, v4;
	v40 =	vadd.s32 s19, v58  }
0xde: {  	v16 =	vsel vm5, v39, v16;
	v10 =	vsel vm7, v56, v10;
	v46 =	vld.idx.msk [tilespmem:v41+s3+$0x0], $0xffff;
	v49 =	vadd.s32 s19, v1  }
0xdf: {  	v47 =	vsel vm7, v55, v6;
	[tilespmem:$0x1FC20] =	vst v1;
	v1 =	vadd.s32 $0x5E, v0;
	vm8 =	vgt.f32 v63, v14;
	v33 =	vld.idx.msk [tilespmem:v43+s3+$0x0], $0xffff  }
0xe0: {  	[tilespmem:$0x1FC30] =	vst v1;
	v50 =	vadd.s32 s19, v1;
	v1 =	vadd.s32 $0xF, v0;
	v14 =	vsel vm8, v63, v14  }
0xe1: {  	v20 =	vsel vm8, v20, v37;
	vm9 =	vgt.f32 v32, v8;
	v53 =	vadd.s32 s19, v1;
	v54 =	vld.idx.msk [tilespmem:v45+s3+$0x0], $0xffff  }
0xe2: {  	[tilespmem:$0x1FC40] =	vst v1;
	v1 =	vadd.s32 $0x23, v0;
	v39 =	vsel vm9, v32, v8;
	v24 =	vsel vm9, v44, v24;
	v63 =	vld.idx.msk [tilespmem:v40+s3+$0x0], $0xffff  }
0xe3: {  	[tilespmem:$0x1FC50] =	vst v1;
	v44 =	vadd.s32 s19, v1;
	v1 =	vadd.s32 $0x37, v0;
	vm10 =	vgt.f32 v46, v12;
	v32 =	vld.idx.msk [tilespmem:v49+s3+$0x0], $0xffff  }
0xe4: {  	v12 =	vsel vm10, v46, v12;
	v46 =	vld.idx.msk [tilespmem:v48+s3+$0x0], $0xffff;
	v16 =	vsel vm10, v41, v16;
	vm11 =	vgt.f32 v33, v18  }
0xe5: {  	[tilespmem:$0x1FC60] =	vst v1;
	v41 =	vadd.s32 s19, v1;
	v1 =	vadd.s32 $0x4B, v0;
	v22 =	vsel vm11, v43, v22  }
0xe6: {  	v55 =	vld.idx.msk [tilespmem:v50+s3+$0x0], $0xffff;
	[tilespmem:$0x1FC70] =	vst v1;
	v43 =	vadd.s32 s19, v1;
	v1 =	vadd.s32 $0x5F, v0;
	vm13 =	vgt.f32 v54, v14  }
0xe7: {  	v8 =	vmovc v52;
	v18 =	vsel vm11, v33, v18;
	v56 =	vadd.s32 s19, v1;
	v14 =	vsel vm13, v54, v14  }
0xe8: {  	v33 =	vld.idx.msk [tilespmem:v53+s3+$0x0], $0xffff;
	v20 =	vsel vm13, v45, v20;
	vm12 =	vgt.f32 v63, v10;
	vm15 =	vgt.f32 v32, v12  }
0xe9: {  	v52 =	vsel vm12, v63, v10;
	v40 =	vsel vm12, v40, v47;
	vm14 =	vgt.f32 v46, v39;
	v63 =	vld.idx.msk [tilespmem:v44+s3+$0x0], $0xffff  }
0xea: {  	v42 =	vsel vm15, v32, v12;
	v16 =	vsel vm15, v49, v16;
	v24 =	vsel vm14, v48, v24;
	v48 =	vld.idx.msk [tilespmem:v41+s3+$0x0], $0xffff  }
0xeb: {  	vm4 =	vgt.f32 v55, v18;
	v12 =	vadd.s32 $0x38, v0;
	v45 =	vsel vm14, v46, v39  }
0xec: {  	v46 =	vadd.s32 s19, v59;
	v18 =	vsel vm4, v55, v18;
	v39 =	vadd.s32 $0x24, v0  }
0xed: {  	v22 =	vsel vm4, v50, v22;
	v32 =	vld.idx.msk [tilespmem:v43+s3+$0x0], $0xffff;
	vm5 =	vgt.f32 v33, v52;
	v50 =	vadd.s32 s19, v39  }
0xee: {  	v47 =	vsel vm5, v33, v52;
	v52 =	vsel vm5, v53, v40;
	v40 =	vadd.s32 $0x4C, v0  }
0xef: {  	v36 =	vmovc v57;
	v54 =	vld.idx.msk [tilespmem:v56+s3+$0x0], $0xffff;
	v57 =	vadd.s32 s19, v40;
	vm6 =	vgt.f32 v63, v14;
	vm7 =	vgt.f32 v48, v45  }
0xf0: {  	v33 =	vsel vm6, v63, v14;
	v45 =	vsel vm7, v48, v45;
	v48 =	vadd.s32 s19, v12  }
0xf1: {  	v20 =	vsel vm6, v44, v20;
	v14 =	vadd.s32 $0x11, v0;
	v44 =	vadd.s32 $0x3A, v0  }
0xf2: {  	v63 =	vld.idx.msk [tilespmem:v46+s3+$0x0], $0xffff;
	vm8 =	vgt.f32 v32, v42;
	v24 =	vsel vm7, v41, v24;
	v41 =	vadd.s32 $0x60, v0  }
0xf3: {  	v2 =	vmovc v61;
	v61 =	vadd.s32 s19, v14;
	v9 =	vadd.s32 s19, v44;
	v49 =	vsel vm8, v32, v42;
	v32 =	vld.idx.msk [tilespmem:v50+s3+$0x0], $0xffff  }
0xf4: {  	v6 =	vmovc v59;
	v55 =	vsel vm8, v43, v16;
	vm9 =	vgt.f32 v54, v18;
	v59 =	vadd.s32 s19, v41  }
0xf5: {  	v16 =	vadd.s32 $0x25, v0;
	v42 =	vadd.s32 $0x39, v0;
	v56 =	vsel vm9, v56, v22;
	v22 =	vld.idx.msk [tilespmem:v48+s3+$0x0], $0xffff  }
0xf6: {  	v4 =	vmovc v62;
	v43 =	vadd.s32 $0x4D, v0;
	v54 =	vsel vm9, v54, v18;
	v62 =	vadd.s32 s19, v16  }
0xf7: {  	v30 =	vld [tilespmem:$0x1FFF0];
	v37 =	vmovc v58;
	v58 =	vadd.s32 s19, v43;
	v18 =	vadd.s32 $0x61, v0;
	vm10 =	vgt.f32 v63, v47  }
0xf8: {  	v10 =	vmovc v60;
	v5 =	vadd.s32 s19, v18;
	v60 =	vsel vm10, v63, v47;
	v7 =	vld.idx.msk [tilespmem:v61+s3+$0x0], $0xffff;
	vm11 =	vgt.f32 v32, v33  }
0xf9: {  	[tilespmem:$0x1FB50] =	vst v3;
	v52 =	vsel vm10, v46, v52;
	v63 =	vadd.s32 s19, v42;
	v3 =	vld.idx.msk [tilespmem:v59+s3+$0x0], $0xffff;
	v53 =	vsel vm11, v32, v33  }
0xfa: {  	v33 =	vld.idx.msk [tilespmem:v57+s3+$0x0], $0xffff;
	v50 =	vsel vm11, v50, v20;
	v20 =	vadd.s32 $0x4E, v0;
	vm12 =	vgt.f32 v22, v45  }
0xfb: {  	v29 =	vld.idx.msk [tilespmem:v9+s3+$0x0], $0xffff;
	v15 =	vadd.s32 s19, v20;
	v11 =	vsel vm12, v22, v45;
	v22 =	vadd.s32 $0x62, v0  }
0xfc: {  	v46 =	vadd.s32 $0x63, v0;
	v47 =	vadd.s32 $0x3B, v0;
	v13 =	vld.idx.msk [tilespmem:v62+s3+$0x0], $0xffff;
	v21 =	vadd.s32 s19, v22  }
0xfd: {  	v27 =	vadd.s32 s19, v46;
	v23 =	vld.idx.msk [tilespmem:v58+s3+$0x0], $0xffff;
	vm15 =	vgt.f32 v7, v60;
	v45 =	vadd.s32 $0x4F, v0  }
0xfe: {  	v26 =	vld.idx.msk [tilespmem:v5+s3+$0x0], $0xffff;
	v17 =	vsel vm12, v48, v24;
	v24 =	vadd.s32 $0x26, v0;
	v25 =	vadd.s32 s19, v45  }
0xff: {  	v19 =	vld.idx.msk [tilespmem:v63+s3+$0x0], $0xffff;
	vm14 =	vgt.f32 v3, v54;
	vm13 =	vgt.f32 v33, v49;
	v28 =	vadd.s32 s19, v24  }
0x100: {  	v3 =	vsel vm14, v3, v54;
	v54 =	vadd.s32 s19, v47;
	v55 =	vsel vm13, v57, v55;
	v57 =	vld.idx.msk [tilespmem:v15+s3+$0x0], $0xffff  }
0x101: {  	v30 =	vadd.s32 s19, v30;
	v48 =	vadd.s32 $0x27, v0;
	v7 =	vsel vm15, v7, v60;
	v31 =	vld.idx.msk [tilespmem:v21+s3+$0x0], $0xffff  }
0x102: {  	v52 =	vsel vm15, v61, v52;
	v61 =	vld.idx.msk [tilespmem:v27+s3+$0x0], $0xffff;
	v56 =	vsel vm14, v59, v56;
	v59 =	vadd.s32 s19, v48  }
0x103: {  	[tilespmem:$0x1FC80] =	vst v1;
	vm2 =	vgt.f32 v13, v53;
	v1 =	vsel vm13, v33, v49;
	v49 =	vadd.s32 $0x13, v0;
	v60 =	vld.idx.msk [tilespmem:v25+s3+$0x0], $0xffff  }
0x104: {  	vm1 =	vgt.f32 v26, v3;
	vm0 =	vgt.f32 v23, v1;
	v32 =	vadd.s32 s19, v49;
	v33 =	vld.idx.msk [tilespmem:v28+s3+$0x0], $0xffff  }
0x105: {  	v13 =	vsel vm2, v13, v53;
	v3 =	vsel vm1, v26, v3;
	v1 =	vsel vm0, v23, v1;
	v23 =	vld.idx.msk [tilespmem:v54+s3+$0x0], $0xffff  }
0x106: {  	v26 =	vld.idx.msk [tilespmem:v30+s3+$0x0], $0xffff;
	vm5 =	vgt.f32 v19, v11;
	vm3 =	vgt.f32 v57, v1;
	vm4 =	vgt.f32 v31, v3  }
0x107: {  	v11 =	vsel vm5, v19, v11;
	v19 =	vld.idx.msk [tilespmem:v59+s3+$0x0], $0xffff;
	v1 =	vsel vm3, v57, v1;
	v3 =	vsel vm4, v31, v3  }
0x108: {  	vm6 =	vgt.f32 v29, v11;
	vm7 =	vgt.f32 v60, v1;
	vm8 =	vgt.f32 v61, v3  }
0x109: {  	v11 =	vsel vm6, v29, v11;
	v29 =	vld.idx.msk [tilespmem:v32+s3+$0x0], $0xffff;
	v1 =	vsel vm7, v60, v1;
	v3 =	vsel vm8, v61, v3  }
0x10a: {  	vm9 =	vgt.f32 v33, v13;
	vm10 =	vgt.f32 v23, v11;
	vm11 =	vge.f32 v1, v3  }
0x10b: {  	v13 =	vsel vm9, v33, v13;
	v11 =	vsel vm10, v23, v11;
	v1 =	vsel vm11, v1, v3  }
0x10c: {  	vm12 =	vgt.f32 v26, v7;
	vm13 =	vgt.f32 v19, v13;
	vm14 =	vge.f32 v11, v1  }
0x10d: {  	v34 =	vld [tilespmem:$0x1FD70];
	v3 =	vsel vm12, v26, v7;
	v7 =	vsel vm13, v19, v13;
	v1 =	vsel vm14, v11, v1  }
0x10e: {  	v38 =	vld [tilespmem:$0x1FDB0];
	v11 =	vsel vm2, v62, v50;
	vm2 =	vgt.f32 v29, v3;
	vm15 =	vge.f32 v7, v1  }
0x10f: {  	v35 =	vld [tilespmem:$0x1FD80];
	v13 =	vsel vm5, v63, v17;
	v3 =	vsel vm2, v29, v3;
	v1 =	vsel vm15, v7, v1  }
0x110: {  	v31 =	vld [tilespmem:$0x1FDA0];
	vm5 =	vge.f32 v3, v1;
	v1 =	vsel vm0, v58, v55;
	v3 =	vsel vm1, v5, v56  }
0x111: {  	v23 =	vld [tilespmem:$0x1FE20];
	v1 =	vsel vm3, v15, v1;
	v3 =	vsel vm4, v21, v3  }
0x112: {  	v26 =	vld [tilespmem:$0x1FE30];
	v7 =	vsel vm6, v9, v13;
	v1 =	vsel vm7, v25, v1;
	v3 =	vsel vm8, v27, v3  }
0x113: {  	v19 =	vld [tilespmem:$0x1FE00];
	v7 =	vsel vm10, v54, v7;
	v1 =	vsel vm11, v1, v3  }
0x114: {  	v1 =	vsel vm14, v7, v1;
	v7 =	vld [tilespmem:$0x1FD50]  }
0x115: {  	v17 =	vld [tilespmem:$0x1FD60]  }
0x116: {  	v13 =	vld [tilespmem:$0x1FDE0]  }
0x117: {  	v9 =	vsel vm9, v28, v11;
	v11 =	vld [tilespmem:$0x1FDD0]  }
0x118: {  	v55 =	vld [tilespmem:$0x1FE60]  }
0x119: {  	s20 =	sadd.s32 s17, s18;
	v56 =	vld [tilespmem:$0x1FE70];
	v5 =	vsel vm12, v30, v52;
	v3 =	vsel vm13, v59, v9;
	v50 =	vadd.s32 $0xD, v7  }
0x11a: {  	p0 =	sne.s32 s19, $0x9DE;
	v54 =	vld [tilespmem:$0x1FE50];
	v5 =	vsel vm2, v32, v5;
	v1 =	vsel vm15, v3, v1;
	v3 =	vadd.s32 s20, v50  }
.Ltmp2:
0x11b: {  	v15 =	vld [tilespmem:$0x1FDF0];
	v1 =	vsel vm5, v5, v1;
	(pc) =	sbr.rel @p0 .LBB2_3-.Ltmp2, $4  }
0x11c: {  	v21 =	vld [tilespmem:$0x1FE10];
	v1 =	vsub.s32 v1, v51  }
0x11d: {  	v32 =	vld [tilespmem:$0x1FE40];
	v1 =	vcvt.s32.f32 v1  }
0x11e: {  	v57 =	vmov v36;
	v60 =	vmov v10;
	v9 =	vld [tilespmem:$0x1FDC0]  }
0x11f: {  	s18 =	sadd.s32 $0x1, s18;
	s19 =	sadd.s32 $0x64, s19;
	v61 =	vmovc v2;
	v62 =	vmovc v4;
	v58 =	vmov v37;
	v52 =	vmov v8;
	v59 =	vmov v6;
	v5 =	vld [tilespmem:$0x1FD90];
	[tilespmem:v3+s12+$0x0] =	vst.idx.msk $0xffff, v1  }
0x120: {  	s18 =	sshll.u32 s16, $0x5;
	p0 =	seq.s32 s16, $0xF  }
0x121: {  	s19 =	sadd.s32 @!p0 s18, s6  }
0x122: {  	s19 =	smul.u32 @!p0 $0xA42, s19;
	_ =	sdelay $0x1  }
0x123: {  	s19 =	sshrl.u32 @!p0 s19, $0x3  }
0x124: {  	s20 =	simm.s32 @!p0 $0x0;
	s19 =	sadd.s32 @!p0 s0, s19  }
0x125: {  	[tilespmem:s20], [sflag:$0x1] =	stream.linear.gather @!p0 [hbm4b:s19+s20], $0xA420, $0x38;
	[tilespmem:$0x19700] =	vst v63  }
0x126: {  	_ =	swait.ge [sflag:s13], $0xA420  }
0x127: {  	[sflag:s13] =	ssyncset.done $0x0  }
0x128: {  	s17 =	sadd.s32 $0x270, s17;
	[sflag:s13] =	ssyncadd.s32 $0xFFFF5BE0  }
0x129: {  	v1 =	vadd.s32 s17, v7;
	v3 =	vld.idx.msk [tilespmem:v0+s10+$0x0], $0xffff;
	_ =	sdelay $0x4  }
0x12a: {  	[tilespmem:v1+s12+$0x0] =	vst.idx.msk $0xffff, v3;
	v3 =	vld [tilespmem:$0x1FC90];
	_ =	sdelay $0x4  }
0x12b: {  	v1 =	vld.idx.msk [tilespmem:v17+s10+$0x0], $0xffff;
	v3 =	vadd.s32 s17, v3;
	_ =	sdelay $0x4  }
0x12c: {  	[tilespmem:v3+s12+$0x0] =	vst.idx.msk $0xffff, v1;
	v3 =	vld [tilespmem:$0x1FCA0];
	_ =	sdelay $0x4  }
0x12d: {  	v1 =	vld.idx.msk [tilespmem:v34+s10+$0x0], $0xffff;
	v3 =	vadd.s32 s17, v3;
	_ =	sdelay $0x4  }
0x12e: {  	[tilespmem:v3+s12+$0x0] =	vst.idx.msk $0xffff, v1;
	v3 =	vld [tilespmem:$0x1FCB0];
	_ =	sdelay $0x4  }
0x12f: {  	v1 =	vld.idx.msk [tilespmem:v35+s10+$0x0], $0xffff;
	v3 =	vadd.s32 s17, v3;
	_ =	sdelay $0x4  }
0x130: {  	[tilespmem:v3+s12+$0x0] =	vst.idx.msk $0xffff, v1;
	v3 =	vld [tilespmem:$0x1FCC0];
	_ =	sdelay $0x4  }
0x131: {  	v1 =	vld.idx.msk [tilespmem:v55+s10+$0x0], $0xffff;
	v3 =	vadd.s32 s17, v3;
	_ =	sdelay $0x4  }
0x132: {  	[tilespmem:v3+s12+$0x0] =	vst.idx.msk $0xffff, v1;
	v3 =	vld [tilespmem:$0x1FCD0];
	_ =	sdelay $0x4  }
0x133: {  	v1 =	vld.idx.msk [tilespmem:v56+s10+$0x0], $0xffff;
	v3 =	vadd.s32 s17, v3;
	_ =	sdelay $0x4  }
0x134: {  	[tilespmem:v3+s12+$0x0] =	vst.idx.msk $0xffff, v1;
	v3 =	vld [tilespmem:$0x1FCE0];
	_ =	sdelay $0x4  }
0x135: {  	v1 =	vld.idx.msk [tilespmem:v57+s10+$0x0], $0xffff;
	v3 =	vadd.s32 s17, v3;
	_ =	sdelay $0x4  }
0x136: {  	[tilespmem:v3+s12+$0x0] =	vst.idx.msk $0xffff, v1;
	v3 =	vld [tilespmem:$0x1FCF0];
	_ =	sdelay $0x4  }
0x137: {  	v1 =	vld.idx.msk [tilespmem:v58+s10+$0x0], $0xffff;
	v3 =	vadd.s32 s17, v3;
	_ =	sdelay $0x4  }
0x138: {  	[tilespmem:v3+s12+$0x0] =	vst.idx.msk $0xffff, v1;
	v3 =	vld [tilespmem:$0x1FD00];
	_ =	sdelay $0x4  }
0x139: {  	v1 =	vld.idx.msk [tilespmem:v59+s10+$0x0], $0xffff;
	v3 =	vadd.s32 s17, v3;
	_ =	sdelay $0x1  }
0x13a: {  	v63 =	vld [tilespmem:$0x1FFF0];
	_ =	sdelay $0x2  }
0x13b: {  	[tilespmem:v3+s12+$0x0] =	vst.idx.msk $0xffff, v1;
	v3 =	vld [tilespmem:$0x1FD10];
	_ =	sdelay $0x4  }
0x13c: {  	v1 =	vld.idx.msk [tilespmem:v63+s10+$0x0], $0xffff;
	v3 =	vadd.s32 s17, v3;
	_ =	sdelay $0x4  }
0x13d: {  	[tilespmem:v3+s12+$0x0] =	vst.idx.msk $0xffff, v1;
	v3 =	vld [tilespmem:$0x1FD20];
	_ =	sdelay $0x4  }
0x13e: {  	v1 =	vld.idx.msk [tilespmem:v5+s10+$0x0], $0xffff;
	v3 =	vadd.s32 s17, v3;
	_ =	sdelay $0x4  }
0x13f: {  	[tilespmem:v3+s12+$0x0] =	vst.idx.msk $0xffff, v1;
	v3 =	vld [tilespmem:$0x1FD30];
	_ =	sdelay $0x4  }
0x140: {  	v1 =	vld.idx.msk [tilespmem:v31+s10+$0x0], $0xffff;
	v3 =	vadd.s32 s17, v3;
	_ =	sdelay $0x4  }
0x141: {  	[tilespmem:v3+s12+$0x0] =	vst.idx.msk $0xffff, v1;
	v3 =	vld [tilespmem:$0x1FD40];
	_ =	sdelay $0x4  }
0x142: {  	v1 =	vld.idx.msk [tilespmem:v38+s10+$0x0], $0xffff;
	v3 =	vadd.s32 s17, v3;
	_ =	sdelay $0x4  }
0x143: {  	s19 =	simm.s32 $0x0;
	s20 =	simm.s32 $0x1A;
	[tilespmem:v3+s12+$0x0] =	vst.idx.msk $0xffff, v1  }
.LBB2_5:
0x144: {  	_ =	sdelay $0x2  }
0x145: {  	v51 =	vadd.s32 s20, v0;
	v23 =	vld [tilespmem:$0x1FE20]  }
0x146: {  	v26 =	vld [tilespmem:$0x1FE30];
	v1 =	vadd.s32 s20, v5  }
0x147: {  	v28 =	vld [tilespmem:$0x1FD60];
	v3 =	vadd.s32 s20, v9  }
0x148: {  	v31 =	vld [tilespmem:$0x1FDA0];
	v5 =	vadd.s32 s20, v11  }
0x149: {  	v32 =	vld [tilespmem:$0x1FE40];
	v7 =	vadd.s32 s20, v13  }
0x14a: {  	v11 =	vadd.s32 s20, v15;
	v9 =	vld.idx.msk [tilespmem:v51+s10+$0x0], $0xffff  }
0x14b: {  	v15 =	vadd.s32 s20, v19;
	v13 =	vld.idx.msk [tilespmem:v1+s10+$0x0], $0xffff  }
0x14c: {  	v19 =	vadd.s32 s20, v21;
	v17 =	vld.idx.msk [tilespmem:v3+s10+$0x0], $0xffff  }
0x14d: {  	v26 =	vadd.s32 s20, v26;
	v21 =	vld.idx.msk [tilespmem:v5+s10+$0x0], $0xffff  }
0x14e: {  	v25 =	vld.idx.msk [tilespmem:v7+s10+$0x0], $0xffff  }
0x14f: {  	v27 =	vld.idx.msk [tilespmem:v11+s10+$0x0], $0xffff  }
0x150: {  	v23 =	vadd.s32 s20, v23;
	v29 =	vld.idx.msk [tilespmem:v15+s10+$0x0], $0xffff  }
0x151: {  	v28 =	vadd.s32 s20, v28;
	v30 =	vld.idx.msk [tilespmem:v19+s10+$0x0], $0xffff  }
0x152: {  	v52 =	vadd.s32 s20, v8;
	v31 =	vadd.s32 s20, v31;
	vm0 =	vgt.f32 v9, $-Inf;
	v53 =	vld.idx.msk [tilespmem:v26+s10+$0x0], $0xffff  }
0x153: {  	v32 =	vadd.s32 s20, v32;
	v9 =	vnsel vm0, $0xFF800000, v9;
	vm1 =	vgt.f32 v13, $-Inf  }
0x154: {  	vm4 =	vgt.f32 v17, $-Inf;
	vm5 =	vgt.f32 v21, $-Inf;
	vm6 =	vgt.f32 v25, $-Inf  }
0x155: {  	v33 =	vld.idx.msk [tilespmem:v23+s10+$0x0], $0xffff;
	vm7 =	vgt.f32 v27, v9;
	v13 =	vnsel vm1, $0xFF800000, v13;
	v17 =	vnsel vm4, $0xFF800000, v17  }
0x156: {  	v21 =	vnsel vm5, $0xFF800000, v21;
	v25 =	vnsel vm6, $0xFF800000, v25;
	v9 =	vsel vm7, v27, v9;
	v27 =	vld.idx.msk [tilespmem:v28+s10+$0x0], $0xffff  }
0x157: {  	vm8 =	vgt.f32 v29, v13;
	vm9 =	vgt.f32 v30, v17;
	vm11 =	vgt.f32 v53, v25  }
0x158: {  	v13 =	vsel vm8, v29, v13;
	v29 =	vadd.s32 s20, v54;
	v7 =	vsel vm11, v26, v7;
	v26 =	vld [tilespmem:$0x1FE80]  }
0x159: {  	v1 =	vsel vm8, v15, v1;
	v15 =	vsel vm9, v30, v17;
	v17 =	vadd.s32 s20, v60;
	v30 =	vld.idx.msk [tilespmem:v31+s10+$0x0], $0xffff  }
0x15a: {  	vm10 =	vgt.f32 v33, v21;
	v3 =	vsel vm9, v19, v3;
	v19 =	vadd.s32 s20, v61;
	v61 =	vld.idx.msk [tilespmem:v32+s10+$0x0], $0xffff  }
0x15b: {  	v11 =	vsel vm7, v11, v51;
	v5 =	vsel vm10, v23, v5;
	v23 =	vld.idx.msk [tilespmem:v52+s10+$0x0], $0xffff;
	vm12 =	vgt.f32 v27, v9  }
0x15c: {  	v21 =	vsel vm10, v33, v21;
	v33 =	vadd.s32 s20, v62;
	v11 =	vsel vm12, v28, v11;
	v28 =	vld [tilespmem:$0x1FE90]  }
0x15d: {  	v9 =	vsel vm12, v27, v9;
	v26 =	vadd.s32 s20, v26;
	v27 =	vld.idx.msk [tilespmem:v29+s10+$0x0], $0xffff  }
0x15e: {  	v25 =	vsel vm11, v53, v25;
	vm13 =	vgt.f32 v30, v13;
	v53 =	vld.idx.msk [tilespmem:v17+s10+$0x0], $0xffff  }
0x15f: {  	vm14 =	vgt.f32 v61, v15;
	v13 =	vsel vm13, v30, v13;
	v30 =	vld.idx.msk [tilespmem:v19+s10+$0x0], $0xffff  }
0x160: {  	v15 =	vsel vm14, v61, v15;
	v61 =	vld [tilespmem:$0x1FEA0]  }
0x161: {  	v60 =	vld.idx.msk [tilespmem:v33+s10+$0x0], $0xffff;
	v1 =	vsel vm13, v31, v1;
	v31 =	vadd.s32 s20, v34  }
0x162: {  	vm4 =	vgt.f32 v27, v25;
	v62 =	vld.idx.msk [tilespmem:v26+s10+$0x0], $0xffff  }
0x163: {  	v28 =	vadd.s32 s20, v28;
	vm5 =	vgt.f32 v53, v9;
	v7 =	vsel vm4, v29, v7;
	v29 =	vld [tilespmem:$0x1FEB0]  }
0x164: {  	vm15 =	vgt.f32 v23, v21;
	v11 =	vsel vm5, v17, v11;
	v17 =	vld [tilespmem:$0x1FEC0]  }
0x165: {  	v5 =	vsel vm15, v52, v5;
	v52 =	vadd.s32 s20, v61;
	vm6 =	vgt.f32 v30, v13;
	v61 =	vld [tilespmem:$0x1FEE0]  }
0x166: {  	v21 =	vsel vm15, v23, v21;
	v23 =	vadd.s32 s20, v38;
	v13 =	vsel vm6, v30, v13;
	v30 =	vld.idx.msk [tilespmem:v31+s10+$0x0], $0xffff  }
0x167: {  	v1 =	vsel vm6, v19, v1;
	v19 =	vld [tilespmem:$0x1FED0]  }
0x168: {  	v25 =	vsel vm4, v27, v25;
	v27 =	vld.idx.msk [tilespmem:v28+s10+$0x0], $0xffff  }
0x169: {  	v3 =	vsel vm14, v32, v3;
	vm8 =	vgt.f32 v62, v21  }
0x16a: {  	vm7 =	vgt.f32 v60, v15;
	v29 =	vadd.s32 s20, v29;
	v5 =	vsel vm8, v26, v5;
	v26 =	vld [tilespmem:$0x1FEF0]  }
0x16b: {  	v9 =	vsel vm5, v53, v9;
	v38 =	vld.idx.msk [tilespmem:v23+s10+$0x0], $0xffff;
	v15 =	vsel vm7, v60, v15;
	v17 =	vadd.s32 s20, v17  }
0x16c: {  	v3 =	vsel vm7, v33, v3;
	v60 =	vld.idx.msk [tilespmem:v52+s10+$0x0], $0xffff;
	v33 =	vadd.s32 s20, v61;
	vm10 =	vgt.f32 v30, v9  }
0x16d: {  	v19 =	vadd.s32 s20, v19;
	v11 =	vsel vm10, v31, v11;
	v31 =	vld [tilespmem:$0x1FF10];
	vm9 =	vgt.f32 v27, v25  }
0x16e: {  	v7 =	vsel vm9, v28, v7;
	v28 =	vld [tilespmem:$0x1FF00]  }
0x16f: {  	v25 =	vsel vm9, v27, v25;
	v26 =	vadd.s32 s20, v26;
	v27 =	vld.idx.msk [tilespmem:v29+s10+$0x0], $0xffff  }
0x170: {  	v21 =	vsel vm8, v62, v21;
	vm11 =	vgt.f32 v38, v13;
	v62 =	vld.idx.msk [tilespmem:v17+s10+$0x0], $0xffff  }
0x171: {  	v13 =	vsel vm11, v38, v13;
	v1 =	vsel vm11, v23, v1;
	v38 =	vld.idx.msk [tilespmem:v33+s10+$0x0], $0xffff  }
0x172: {  	v23 =	vadd.s32 s20, v35;
	v9 =	vsel vm10, v30, v9;
	vm12 =	vgt.f32 v60, v15;
	v30 =	vld.idx.msk [tilespmem:v19+s10+$0x0], $0xffff  }
0x173: {  	v15 =	vsel vm12, v60, v15;
	v60 =	vld [tilespmem:$0x1FF20]  }
0x174: {  	v31 =	vadd.s32 s20, v31;
	vm13 =	vgt.f32 v27, v21;
	v61 =	vld.idx.msk [tilespmem:v26+s10+$0x0], $0xffff  }
0x175: {  	vm14 =	vgt.f32 v62, v25;
	v5 =	vsel vm13, v29, v5;
	v29 =	vld [tilespmem:$0x1FF30]  }
0x176: {  	v28 =	vadd.s32 s20, v28;
	v7 =	vsel vm14, v17, v7;
	v17 =	vld [tilespmem:$0x1FF40]  }
0x177: {  	v25 =	vsel vm14, v62, v25;
	v62 =	vld.idx.msk [tilespmem:v23+s10+$0x0], $0xffff  }
0x178: {  	v3 =	vsel vm12, v52, v3;
	v52 =	vadd.s32 s20, v60;
	vm15 =	vgt.f32 v30, v9;
	v60 =	vld [tilespmem:$0x1FF60]  }
0x179: {  	v9 =	vsel vm15, v30, v9;
	v30 =	vld.idx.msk [tilespmem:v31+s10+$0x0], $0xffff  }
0x17a: {  	v11 =	vsel vm15, v19, v11;
	v19 =	vld [tilespmem:$0x1FF50]  }
0x17b: {  	v21 =	vsel vm13, v27, v21;
	v27 =	vld.idx.msk [tilespmem:v28+s10+$0x0], $0xffff;
	vm5 =	vgt.f32 v61, v15  }
0x17c: {  	vm4 =	vgt.f32 v38, v13;
	v29 =	vadd.s32 s20, v29;
	v3 =	vsel vm5, v26, v3;
	v26 =	vld [tilespmem:$0x1FF70]  }
0x17d: {  	v13 =	vsel vm4, v38, v13;
	v38 =	vld.idx.msk [tilespmem:v52+s10+$0x0], $0xffff;
	vm8 =	vgt.f32 v62, v9  }
0x17e: {  	v17 =	vadd.s32 s20, v17;
	v11 =	vsel vm8, v23, v11;
	v23 =	vld [tilespmem:$0x1FFA0]  }
0x17f: {  	v1 =	vsel vm4, v33, v1;
	v33 =	vadd.s32 s20, v60;
	vm7 =	vgt.f32 v30, v25  }
0x180: {  	v19 =	vadd.s32 s20, v19;
	v7 =	vsel vm7, v31, v7;
	v31 =	vld [tilespmem:$0x1FF90];
	vm6 =	vgt.f32 v27, v21  }
0x181: {  	v21 =	vsel vm6, v27, v21;
	v26 =	vadd.s32 s20, v26;
	v27 =	vld.idx.msk [tilespmem:v29+s10+$0x0], $0xffff  }
0x182: {  	v5 =	vsel vm6, v28, v5;
	v28 =	vld [tilespmem:$0x1FF80]  }
0x183: {  	v15 =	vsel vm5, v61, v15;
	v61 =	vld.idx.msk [tilespmem:v17+s10+$0x0], $0xffff;
	vm9 =	vgt.f32 v38, v13;
	v23 =	vadd.s32 s20, v23  }
0x184: {  	v9 =	vsel vm8, v62, v9;
	v62 =	vld.idx.msk [tilespmem:v33+s10+$0x0], $0xffff;
	v1 =	vsel vm9, v52, v1;
	v52 =	vadd.s32 s20, v55  }
0x185: {  	v25 =	vsel vm7, v30, v25;
	v30 =	vld.idx.msk [tilespmem:v19+s10+$0x0], $0xffff  }
0x186: {  	v13 =	vsel vm9, v38, v13;
	v31 =	vadd.s32 s20, v31;
	vm10 =	vgt.f32 v27, v15;
	v38 =	vld.idx.msk [tilespmem:v26+s10+$0x0], $0xffff  }
0x187: {  	v3 =	vsel vm10, v29, v3;
	v29 =	vld [tilespmem:$0x1FFB0]  }
0x188: {  	vm11 =	vgt.f32 v61, v21;
	v60 =	vld.idx.msk [tilespmem:v23+s10+$0x0], $0xffff  }
0x189: {  	v28 =	vadd.s32 s20, v28;
	vm13 =	vgt.f32 v62, v9;
	v21 =	vsel vm11, v61, v21;
	v61 =	vld.idx.msk [tilespmem:v52+s10+$0x0], $0xffff  }
0x18a: {  	vm12 =	vgt.f32 v30, v25;
	v9 =	vsel vm13, v62, v9;
	v62 =	vld [tilespmem:$0x1FFE0]  }
0x18b: {  	v5 =	vsel vm11, v17, v5;
	v17 =	vsel vm12, v30, v25;
	v30 =	vld.idx.msk [tilespmem:v31+s10+$0x0], $0xffff  }
0x18c: {  	v7 =	vsel vm12, v19, v7;
	v19 =	vld [tilespmem:$0x1FFD0]  }
0x18d: {  	v25 =	vld [tilespmem:$0x1FFC0]  }
0x18e: {  	v15 =	vsel vm10, v27, v15;
	v27 =	vld.idx.msk [tilespmem:v28+s10+$0x0], $0xffff  }
0x18f: {  	v11 =	vsel vm13, v33, v11;
	vm14 =	vgt.f32 v38, v13  }
0x190: {  	v33 =	vadd.s32 s20, v62;
	v1 =	vsel vm14, v26, v1;
	v26 =	vld [tilespmem:$0x1FA90];
	vm6 =	vgt.f32 v61, v9  }
0x191: {  	v19 =	vadd.s32 s20, v19;
	vm4 =	vgt.f32 v30, v21;
	v9 =	vsel vm6, v61, v9;
	v61 =	vld [tilespmem:$0x1FAD0]  }
0x192: {  	v29 =	vadd.s32 s20, v29;
	vm5 =	vgt.f32 v60, v17;
	v5 =	vsel vm4, v31, v5;
	v31 =	vld [tilespmem:$0x1FAB0]  }
0x193: {  	v25 =	vadd.s32 s20, v25;
	v7 =	vsel vm5, v23, v7;
	v23 =	vld [tilespmem:$0x1FAC0];
	vm15 =	vgt.f32 v27, v15  }
0x194: {  	v3 =	vsel vm15, v28, v3;
	v28 =	vld [tilespmem:$0x1FAA0]  }
0x195: {  	v17 =	vsel vm5, v60, v17;
	v26 =	vadd.s32 s20, v26;
	v60 =	vld.idx.msk [tilespmem:v33+s10+$0x0], $0xffff  }
0x196: {  	v11 =	vsel vm6, v52, v11;
	v21 =	vsel vm4, v30, v21;
	v30 =	vld.idx.msk [tilespmem:v19+s10+$0x0], $0xffff;
	v52 =	vadd.s32 s20, v61  }
0x197: {  	v15 =	vsel vm15, v27, v15;
	v27 =	vld.idx.msk [tilespmem:v29+s10+$0x0], $0xffff;
	v31 =	vadd.s32 s20, v31  }
0x198: {  	v13 =	vsel vm14, v38, v13;
	v38 =	vld.idx.msk [tilespmem:v25+s10+$0x0], $0xffff  }
0x199: {  	v23 =	vadd.s32 s20, v23;
	v61 =	vld [tilespmem:$0x1FB00]  }
0x19a: {  	v62 =	vld.idx.msk [tilespmem:v26+s10+$0x0], $0xffff;
	vm10 =	vgt.f32 v60, v17  }
0x19b: {  	v28 =	vadd.s32 s20, v28;
	vm9 =	vgt.f32 v30, v21;
	v17 =	vsel vm10, v60, v17;
	v60 =	vld.idx.msk [tilespmem:v52+s10+$0x0], $0xffff  }
0x19c: {  	v21 =	vsel vm9, v30, v21;
	v30 =	vld.idx.msk [tilespmem:v31+s10+$0x0], $0xffff  }
0x19d: {  	vm8 =	vgt.f32 v38, v15;
	v5 =	vsel vm9, v19, v5;
	v19 =	vld [tilespmem:$0x1FAF0]  }
0x19e: {  	vm7 =	vgt.f32 v27, v13;
	v15 =	vsel vm8, v38, v15;
	v38 =	vld.idx.msk [tilespmem:v23+s10+$0x0], $0xffff  }
0x19f: {  	v13 =	vsel vm7, v27, v13;
	v1 =	vsel vm7, v29, v1;
	v3 =	vsel vm8, v25, v3;
	v25 =	vld [tilespmem:$0x1FAE0]  }
0x1a0: {  	v7 =	vsel vm10, v33, v7;
	v33 =	vadd.s32 s20, v61;
	v27 =	vld.idx.msk [tilespmem:v28+s10+$0x0], $0xffff;
	vm11 =	vgt.f32 v62, v9  }
0x1a1: {  	v29 =	vadd.s32 s20, v56;
	v11 =	vsel vm11, v26, v11;
	v26 =	vld [tilespmem:$0x1FB10];
	vm15 =	vgt.f32 v60, v17  }
0x1a2: {  	vm13 =	vgt.f32 v30, v15;
	v17 =	vsel vm15, v60, v17;
	v60 =	vld [tilespmem:$0x1FB50]  }
0x1a3: {  	v19 =	vadd.s32 s20, v19;
	vm14 =	vgt.f32 v38, v21;
	v3 =	vsel vm13, v31, v3;
	v31 =	vld [tilespmem:$0x1FB30]  }
0x1a4: {  	v25 =	vadd.s32 s20, v25;
	v5 =	vsel vm14, v23, v5;
	v23 =	vld [tilespmem:$0x1FB40]  }
0x1a5: {  	v21 =	vsel vm14, v38, v21;
	v38 =	vld.idx.msk [tilespmem:v33+s10+$0x0], $0xffff;
	vm12 =	vgt.f32 v27, v13  }
0x1a6: {  	v13 =	vsel vm12, v27, v13;
	v27 =	vld.idx.msk [tilespmem:v29+s10+$0x0], $0xffff;
	v26 =	vadd.s32 s20, v26  }
0x1a7: {  	v1 =	vsel vm12, v28, v1;
	v28 =	vld [tilespmem:$0x1FB20]  }
0x1a8: {  	v7 =	vsel vm15, v52, v7;
	v15 =	vsel vm13, v30, v15;
	v30 =	vld.idx.msk [tilespmem:v19+s10+$0x0], $0xffff;
	v52 =	vadd.s32 s20, v60  }
0x1a9: {  	v9 =	vsel vm11, v62, v9;
	v62 =	vld.idx.msk [tilespmem:v25+s10+$0x0], $0xffff;
	v31 =	vadd.s32 s20, v31;
	_ =	sdelay $0x1  }
0x1aa: {  	v23 =	vadd.s32 s20, v23;
	vm4 =	vgt.f32 v27, v9;
	v61 =	vld.idx.msk [tilespmem:v26+s10+$0x0], $0xffff  }
0x1ab: {  	vm7 =	vgt.f32 v38, v21;
	v11 =	vsel vm4, v29, v11;
	v29 =	vld [tilespmem:$0x1FB60]  }
0x1ac: {  	v21 =	vsel vm7, v38, v21;
	v28 =	vadd.s32 s20, v28;
	vm6 =	vgt.f32 v30, v15;
	v38 =	vld.idx.msk [tilespmem:v52+s10+$0x0], $0xffff  }
0x1ad: {  	vm5 =	vgt.f32 v62, v13;
	v15 =	vsel vm6, v30, v15;
	v30 =	vld.idx.msk [tilespmem:v31+s10+$0x0], $0xffff  }
0x1ae: {  	v1 =	vsel vm5, v25, v1;
	v25 =	vadd.s32 s20, v57;
	v3 =	vsel vm6, v19, v3;
	v19 =	vld [tilespmem:$0x1FB70]  }
0x1af: {  	v13 =	vsel vm5, v62, v13;
	v62 =	vld.idx.msk [tilespmem:v23+s10+$0x0], $0xffff  }
0x1b0: {  	v57 =	vld [tilespmem:$0x1FB80]  }
0x1b1: {  	v9 =	vsel vm4, v27, v9;
	v27 =	vld.idx.msk [tilespmem:v28+s10+$0x0], $0xffff;
	vm8 =	vgt.f32 v61, v17  }
0x1b2: {  	v29 =	vadd.s32 s20, v29;
	v7 =	vsel vm8, v26, v7;
	v26 =	vld [tilespmem:$0x1FB90]  }
0x1b3: {  	vm10 =	vgt.f32 v30, v13;
	v60 =	vld.idx.msk [tilespmem:v25+s10+$0x0], $0xffff  }
0x1b4: {  	v19 =	vadd.s32 s20, v19;
	vm11 =	vgt.f32 v62, v15;
	v1 =	vsel vm10, v31, v1;
	v31 =	vld [tilespmem:$0x1FBB0]  }
0x1b5: {  	v5 =	vsel vm7, v33, v5;
	v33 =	vadd.s32 s20, v57;
	v3 =	vsel vm11, v23, v3;
	v23 =	vld [tilespmem:$0x1FBC0]  }
0x1b6: {  	v15 =	vsel vm11, v62, v15;
	v62 =	vld [tilespmem:$0x1FBD0];
	vm9 =	vgt.f32 v27, v9  }
0x1b7: {  	v9 =	vsel vm9, v27, v9;
	v27 =	vld.idx.msk [tilespmem:v29+s10+$0x0], $0xffff  }
0x1b8: {  	v11 =	vsel vm9, v28, v11;
	v28 =	vld [tilespmem:$0x1FBA0]  }
0x1b9: {  	v13 =	vsel vm10, v30, v13;
	v26 =	vadd.s32 s20, v26;
	v30 =	vld.idx.msk [tilespmem:v19+s10+$0x0], $0xffff  }
0x1ba: {  	v17 =	vsel vm8, v61, v17;
	v61 =	vld.idx.msk [tilespmem:v33+s10+$0x0], $0xffff;
	vm14 =	vgt.f32 v60, v9  }
0x1bb: {  	v31 =	vadd.s32 s20, v31;
	v11 =	vsel vm14, v25, v11;
	v25 =	vld [tilespmem:$0x1FBF0]  }
0x1bc: {  	vm12 =	vgt.f32 v38, v21;
	v23 =	vadd.s32 s20, v23  }
0x1bd: {  	v5 =	vsel vm12, v52, v5;
	v52 =	vadd.s32 s20, v62;
	v9 =	vsel vm14, v60, v9;
	v60 =	vld [tilespmem:$0x1FC00]  }
0x1be: {  	v21 =	vsel vm12, v38, v21;
	v28 =	vadd.s32 s20, v28;
	vm13 =	vgt.f32 v27, v17;
	v38 =	vld.idx.msk [tilespmem:v26+s10+$0x0], $0xffff  }
0x1bf: {  	v17 =	vsel vm13, v27, v17;
	v27 =	vld [tilespmem:$0x1FBE0];
	v7 =	vsel vm13, v29, v7  }
0x1c0: {  	vm15 =	vgt.f32 v30, v13;
	vm4 =	vgt.f32 v61, v15;
	v25 =	vadd.s32 s20, v25;
	v29 =	vld.idx.msk [tilespmem:v31+s10+$0x0], $0xffff  }
0x1c1: {  	v13 =	vsel vm15, v30, v13;
	v1 =	vsel vm15, v19, v1;
	v19 =	vadd.s32 s20, v58;
	v30 =	vld.idx.msk [tilespmem:v23+s10+$0x0], $0xffff  }
0x1c2: {  	v15 =	vsel vm4, v61, v15;
	v61 =	vld.idx.msk [tilespmem:v52+s10+$0x0], $0xffff  }
0x1c3: {  	v32 =	vadd.s32 s20, v60;
	v57 =	vld.idx.msk [tilespmem:v28+s10+$0x0], $0xffff;
	vm5 =	vgt.f32 v38, v21  }
0x1c4: {  	v5 =	vsel vm5, v26, v5;
	v26 =	vld [tilespmem:$0x1FC10]  }
0x1c5: {  	v27 =	vadd.s32 s20, v27;
	v21 =	vsel vm5, v38, v21;
	vm7 =	vgt.f32 v29, v9;
	v38 =	vld.idx.msk [tilespmem:v25+s10+$0x0], $0xffff  }
0x1c6: {  	vm8 =	vgt.f32 v30, v13;
	v9 =	vsel vm7, v29, v9;
	v29 =	vld.idx.msk [tilespmem:v19+s10+$0x0], $0xffff  }
0x1c7: {  	v1 =	vsel vm8, v23, v1;
	v23 =	vld [tilespmem:$0x1FC30]  }
0x1c8: {  	v13 =	vsel vm8, v30, v13;
	v30 =	vld.idx.msk [tilespmem:v32+s10+$0x0], $0xffff  }
0x1c9: {  	v11 =	vsel vm7, v31, v11;
	v31 =	vld [tilespmem:$0x1FC40]  }
0x1ca: {  	vm6 =	vgt.f32 v57, v17;
	v62 =	vld.idx.msk [tilespmem:v27+s10+$0x0], $0xffff;
	v26 =	vadd.s32 s20, v26  }
0x1cb: {  	v7 =	vsel vm6, v28, v7;
	v28 =	vld [tilespmem:$0x1FC20]  }
0x1cc: {  	v58 =	vld [tilespmem:$0x1FC60];
	v23 =	vadd.s32 s20, v23;
	vm12 =	vgt.f32 v29, v9  }
0x1cd: {  	vm13 =	vgt.f32 v30, v13;
	v11 =	vsel vm12, v19, v11;
	v19 =	vld [tilespmem:$0x1FC70]  }
0x1ce: {  	v54 =	vadd.s32 s20, v40;
	v31 =	vadd.s32 s20, v31;
	v13 =	vsel vm13, v30, v13;
	v30 =	vld [tilespmem:$0x1FC80]  }
0x1cf: {  	v55 =	vadd.s32 s20, v14;
	v17 =	vsel vm6, v57, v17;
	vm10 =	vgt.f32 v62, v21;
	v56 =	vld.idx.msk [tilespmem:v26+s10+$0x0], $0xffff  }
0x1d0: {  	vm11 =	vgt.f32 v38, v17;
	v28 =	vadd.s32 s20, v28;
	v5 =	vsel vm10, v27, v5;
	v27 =	vld [tilespmem:$0x1FC50]  }
0x1d1: {  	v3 =	vsel vm4, v33, v3;
	v60 =	vadd.s32 s20, v58;
	v7 =	vsel vm11, v25, v7;
	v25 =	vld.idx.msk [tilespmem:v23+s10+$0x0], $0xffff  }
0x1d2: {  	vm9 =	vgt.f32 v61, v15;
	v58 =	vadd.s32 s20, v18;
	v19 =	vadd.s32 s20, v19  }
0x1d3: {  	v15 =	vsel vm9, v61, v15;
	v9 =	vsel vm12, v29, v9;
	v29 =	vld.idx.msk [tilespmem:v31+s10+$0x0], $0xffff;
	v30 =	vadd.s32 s20, v30  }
0x1d4: {  	v3 =	vsel vm9, v52, v3;
	v1 =	vsel vm13, v32, v1;
	v32 =	vadd.s32 s20, v59  }
0x1d5: {  	v52 =	vadd.s32 s20, v42;
	v17 =	vsel vm11, v38, v17;
	v57 =	vld.idx.msk [tilespmem:v28+s10+$0x0], $0xffff;
	v27 =	vadd.s32 s20, v27  }
0x1d6: {  	v21 =	vsel vm10, v62, v21;
	v62 =	vld.idx.msk [tilespmem:v60+s10+$0x0], $0xffff;
	vm14 =	vgt.f32 v56, v15;
	vm4 =	vgt.f32 v25, v17  }
0x1d7: {  	v59 =	vadd.s32 s20, v20;
	v3 =	vsel vm14, v26, v3;
	v17 =	vsel vm4, v25, v17;
	v25 =	vld.idx.msk [tilespmem:v19+s10+$0x0], $0xffff  }
0x1d8: {  	v26 =	vadd.s32 s20, v39;
	vm5 =	vgt.f32 v29, v9;
	v7 =	vsel vm4, v23, v7;
	v23 =	vld.idx.msk [tilespmem:v30+s10+$0x0], $0xffff  }
0x1d9: {  	v9 =	vsel vm5, v29, v9;
	v29 =	vadd.s32 s20, v41;
	v11 =	vsel vm5, v31, v11;
	v31 =	vld.idx.msk [tilespmem:v32+s10+$0x0], $0xffff  }
0x1da: {  	v15 =	vsel vm14, v56, v15;
	v56 =	vadd.s32 s20, v16;
	vm15 =	vgt.f32 v57, v21;
	v61 =	vld.idx.msk [tilespmem:v27+s10+$0x0], $0xffff  }
0x1db: {  	vm7 =	vgt.f32 v62, v15;
	v5 =	vsel vm15, v28, v5;
	v28 =	vadd.s32 s20, v12  }
0x1dc: {  	v38 =	vld.idx.msk [tilespmem:v54+s10+$0x0], $0xffff;
	v15 =	vsel vm7, v62, v15;
	v3 =	vsel vm7, v60, v3;
	v21 =	vsel vm15, v57, v21  }
0x1dd: {  	v60 =	vadd.s32 s20, v22;
	v57 =	vadd.s32 s20, v43;
	v33 =	vld.idx.msk [tilespmem:v26+s10+$0x0], $0xffff;
	vm8 =	vgt.f32 v25, v21  }
0x1de: {  	vm9 =	vgt.f32 v23, v17;
	vm10 =	vgt.f32 v31, v9;
	v21 =	vsel vm8, v25, v21;
	v25 =	vld.idx.msk [tilespmem:v29+s10+$0x0], $0xffff  }
0x1df: {  	v5 =	vsel vm8, v19, v5;
	v17 =	vsel vm9, v23, v17;
	v19 =	vld.idx.msk [tilespmem:v55+s10+$0x0], $0xffff;
	vm6 =	vgt.f32 v61, v13  }
0x1e0: {  	v23 =	vadd.s32 s20, v44;
	v7 =	vsel vm9, v30, v7;
	v1 =	vsel vm6, v27, v1;
	v27 =	vld.idx.msk [tilespmem:v28+s10+$0x0], $0xffff  }
0x1e1: {  	v30 =	vld.idx.msk [tilespmem:v56+s10+$0x0], $0xffff;
	v9 =	vsel vm10, v31, v9;
	v11 =	vsel vm10, v32, v11;
	vm13 =	vgt.f32 v38, v21  }
0x1e2: {  	v53 =	vld.idx.msk [tilespmem:v59+s10+$0x0], $0xffff;
	v13 =	vsel vm6, v61, v13;
	v61 =	vadd.s32 s20, v46;
	v21 =	vsel vm13, v38, v21  }
0x1e3: {  	v32 =	vld.idx.msk [tilespmem:v57+s10+$0x0], $0xffff;
	v5 =	vsel vm13, v54, v5;
	v54 =	vadd.s32 s20, v63;
	vm11 =	vgt.f32 v33, v13  }
0x1e4: {  	v31 =	vld.idx.msk [tilespmem:v52+s10+$0x0], $0xffff;
	v13 =	vsel vm11, v33, v13;
	v33 =	vadd.s32 s20, v45;
	v1 =	vsel vm11, v26, v1  }
0x1e5: {  	v26 =	vld.idx.msk [tilespmem:v58+s10+$0x0], $0xffff;
	vm14 =	vgt.f32 v25, v17;
	vm0 =	vgt.f32 v19, v9;
	vm12 =	vgt.f32 v27, v15  }
0x1e6: {  	v38 =	vmovc v63;
	v63 =	vld.idx.msk [tilespmem:v60+s10+$0x0], $0xffff;
	vm3 =	vgt.f32 v30, v13;
	v3 =	vsel vm12, v28, v3;
	v28 =	vadd.s32 s20, v47  }
0x1e7: {  	v62 =	vld.idx.msk [tilespmem:v23+s10+$0x0], $0xffff;
	v17 =	vsel vm14, v25, v17;
	v25 =	vadd.s32 s20, v48;
	v7 =	vsel vm14, v29, v7  }
0x1e8: {  	v9 =	vsel vm0, v19, v9;
	vm2 =	vgt.f32 v32, v21;
	v29 =	vimm.s32 $0x0;
	v19 =	vld.idx.msk [tilespmem:v61+s10+$0x0], $0xffff  }
0x1e9: {  	v13 =	vsel vm3, v30, v13;
	v11 =	vsel vm0, v55, v11;
	v1 =	vsel vm3, v56, v1;
	v34 =	vld.idx.msk [tilespmem:v33+s10+$0x0], $0xffff  }
0x1ea: {  	v21 =	vsel vm2, v32, v21;
	v15 =	vsel vm12, v27, v15;
	vm15 =	vgt.f32 v26, v17  }
0x1eb: {  	v27 =	vadd.s32 s20, v24;
	vm5 =	vgt.f32 v53, v21;
	v17 =	vsel vm15, v26, v17;
	v26 =	vld.idx.msk [tilespmem:v28+s10+$0x0], $0xffff  }
0x1ec: {  	vm4 =	vgt.f32 v31, v15;
	v21 =	vsel vm5, v53, v21;
	vm6 =	vgt.f32 v63, v17  }
0x1ed: {  	v55 =	vld [tilespmem:$0x1FE60];
	v29 =	vsel vm15, $0xFFFFFFFF, v29;
	v15 =	vsel vm4, v31, v15;
	v17 =	vsel vm6, v63, v17  }
0x1ee: {  	v56 =	vld [tilespmem:$0x1FE70];
	vm7 =	vgt.f32 v62, v15;
	vm9 =	vgt.f32 v19, v17;
	vm8 =	vgt.f32 v34, v21  }
0x1ef: {  	v32 =	vld [tilespmem:$0x1FE40];
	v15 =	vsel vm7, v62, v15;
	v17 =	vsel vm9, v19, v17;
	v21 =	vsel vm8, v34, v21  }
0x1f0: {  	v30 =	vld.idx.msk [tilespmem:v54+s10+$0x0], $0xffff;
	[tilespmem:$0x1FA80] =	vst v29;
	v29 =	vadd.s32 s20, v49;
	vm12 =	vge.f32 v21, v17;
	vm11 =	vgt.f32 v26, v15  }
0x1f1: {  	v31 =	vld.idx.msk [tilespmem:v25+s10+$0x0], $0xffff;
	v17 =	vsel vm12, v21, v17;
	v15 =	vsel vm11, v26, v15  }
0x1f2: {  	v35 =	vld.idx.msk [tilespmem:v27+s10+$0x0], $0xffff;
	vm15 =	vge.f32 v15, v17  }
0x1f3: {  	v15 =	vsel vm15, v15, v17;
	v17 =	vld [tilespmem:$0x1FA80]  }
0x1f4: {  	v63 =	vmov v38;
	v38 =	vld [tilespmem:$0x1FDB0]  }
0x1f5: {  	v5 =	vsel vm2, v57, v5;
	v3 =	vsel vm4, v52, v3;
	v19 =	vld.idx.msk [tilespmem:v29+s10+$0x0], $0xffff  }
0x1f6: {  	v5 =	vsel vm5, v59, v5;
	vm13 =	vgt.f32 v30, v9;
	v3 =	vsel vm7, v23, v3;
	v23 =	vld [tilespmem:$0x1FE20]  }
0x1f7: {  	v9 =	vsel vm13, v30, v9;
	v34 =	vld [tilespmem:$0x1FD70];
	v5 =	vsel vm8, v33, v5;
	vm10 =	vgt.f32 v35, v13  }
0x1f8: {  	v21 =	vld [tilespmem:$0x1FE10];
	v13 =	vsel vm10, v35, v13;
	v1 =	vsel vm10, v27, v1;
	vm3 =	vnez.u8 v17  }
0x1f9: {  	v35 =	vld [tilespmem:$0x1FD80];
	v3 =	vsel vm11, v28, v3;
	vm14 =	vgt.f32 v31, v13;
	v7 =	vsel vm3, v58, v7  }
0x1fa: {  	v26 =	vld [tilespmem:$0x1FE30];
	v13 =	vsel vm14, v31, v13;
	vm0 =	vgt.f32 v19, v9;
	v7 =	vsel vm6, v60, v7  }
0x1fb: {  	v31 =	vld [tilespmem:$0x1FDA0];
	v1 =	vsel vm14, v25, v1;
	vm1 =	vge.f32 v13, v15;
	v7 =	vsel vm9, v61, v7  }
0x1fc: {  	v9 =	vsel vm0, v19, v9;
	v19 =	vld [tilespmem:$0x1FE00];
	v13 =	vsel vm1, v13, v15;
	v5 =	vsel vm12, v5, v7  }
0x1fd: {  	s21 =	sadd.s32 s17, s19;
	v15 =	vld [tilespmem:$0x1FDF0];
	vm2 =	vge.f32 v9, v13;
	v7 =	vsel vm13, v54, v11;
	v3 =	vsel vm15, v3, v5  }
0x1fe: {  	p1 =	sne.s32 s20, $0x9DE;
	v13 =	vld [tilespmem:$0x1FDE0];
	v5 =	vsel vm0, v29, v7;
	v1 =	vsel vm1, v1, v3;
	v3 =	vadd.s32 s21, v50  }
.Ltmp3:
0x1ff: {  	v9 =	vld [tilespmem:$0x1FDC0];
	v1 =	vsel vm2, v5, v1;
	(pc) =	sbr.rel @p1 .LBB2_5-.Ltmp3, $4  }
0x200: {  	v17 =	vld [tilespmem:$0x1FD60];
	v1 =	vsub.s32 v1, v51  }
0x201: {  	v54 =	vld [tilespmem:$0x1FE50];
	v1 =	vcvt.s32.f32 v1  }
0x202: {  	v57 =	vmov v36;
	v11 =	vld [tilespmem:$0x1FDD0]  }
0x203: {  	s19 =	sadd.s32 $0x1, s19;
	v59 =	vmovc v6;
	s20 =	sadd.s32 $0x64, s20;
	v62 =	vmovc v4;
	v58 =	vmov v37;
	v60 =	vmov v10;
	v61 =	vmov v2;
	v5 =	vld [tilespmem:$0x1FD90];
	[tilespmem:v3+s12+$0x0] =	vst.idx.msk $0xffff, v1  }
.Ltmp4:
0x204: {  	(pc) =	sbr.rel @p0 .LBB2_8-.Ltmp4, $2  }
0x205: {  	_ =	sdelay $0x2  }
0x206: {  	v52 =	vmov v8  }
0x207: {  	s17 =	sadd.s32 s18, s7  }
0x208: {  	s17 =	smul.u32 $0xA42, s17  }
.Ltmp5:
0x209: {  	_ = 	snop;
	(pc) =	sbr.rel .LBB2_2-.Ltmp5, $4  }
0x20a: {  	_ = 	snop  }
0x20b: {  	s17 =	sshrl.u32 s17, $0x3  }
0x20c: {  	s16 =	sadd.s32 $0x1, s16;
	s17 =	sadd.s32 s0, s17  }
0x20d: {  	v7 =	vld [tilespmem:$0x1FD50];
	[tilespmem:s10], [sflag:$0x2] =	stream.linear.gather [hbm4b:s17+s3], $0xA420, $0x38  }
.LBB2_9:
0x20e: {  	_ =	sfence.sel $0x180000  }
0x20f: {  	[bflag:$0x0] =	sbarrier.arrive $0xFFFF  }
0x210: {  	p0 =	sne.s32 s1, $0x0;
	_ =	strace $0x90000047  }
0x211: {  	s0 =	sadd.s32 @!p0 $0x100000, s2;
	[bflag:$0x2] =	sbarrier.arrive $0xFFFF  }
0x212: {  	[sflag:s0] =	ssyncadd.tile.s32 @!p0 $0x1;
	_ =	shalt  }
.Lfunc_end2:
_tile_overlayer_lowered:
.L_overlay_start_2:
0x213: {  	(tag) =	ssettag $0x2  }
0x214: {  	s0 =	rddreg [dreg:$0x0];
	s2 =	stileid.u32  }
0x215: {  	s1 =	rddreg [dreg:$0x1];
	p0 =	sne.s32 s2, $0x0  }
0x216: {  	s3 =	rddreg [dreg:$0x2];
	[bflag:$0x3] =	sbarrier.arrive $0xFFFF;
	s2 =	simm.s32 @!p0 $0x1C03  }
0x217: {  	[timem:s3], [sflag:s2] =	dma.local @!p0 [hbm:s0], s1  }
0x218: {  	s0 =	simm.s32 @!p0 $0x3  }
0x219: {  	_ =	swait.ge @!p0 [sflag:s0], s1  }
0x21a: {  	s1 =	ssub.s32 @!p0 $0x0, s1;
	[sflag:s0] =	ssyncset.done @!p0 $0x0  }
0x21b: {  	[sflag:s0] =	ssyncadd.s32 @!p0 s1  }
0x21c: {  	[bflag:$0x3] =	sbarrier.arrive $0xFFFF  }
0x21d: {  	_ =	shalt  }

</sc_bundles>
